<compile_context>
chip_gen: v7x
topology: tpu7x:2x2x1
jax: 0.10.2.dev20260603
libtpu: 0.0.44.dev20260713+nightly
codegen_flags: <defaults>
</compile_context>

<pallas_src>
import functools

import jax
import jax.numpy as jnp
from jax import lax
from jax.experimental import pallas as pl
from jax.experimental.pallas import tpu as pltpu
from jax.experimental.pallas import tpu_sc as plsc

B = 16384
L = 200
E = 32
C = 100
IL = L // 2

NC, NS = 2, 16
NW = NC * NS
ROWS_W = B // NW
CB = 128
IR = 2 * CB
NCHUNK = ROWS_W // CB

_RPI = 4


def _reduce_buf(rows_ref, a0, a1, lo):
    z = jnp.zeros((16,), jnp.float32)

    @plsc.parallel_loop(lo, lo + IL, _RPI, unroll=2,
                        carry=(a0, a1, z, z, z, z, z, z))
    def accs(j, carry):
        c = list(carry)
        for u in range(_RPI):
            c[2 * u] = c[2 * u] + rows_ref[j + u, 0:16]
            c[2 * u + 1] = c[2 * u + 1] + rows_ref[j + u, 16:32]
        return tuple(c)

    return (accs[0] + accs[2] + accs[4] + accs[6],
            accs[1] + accs[3] + accs[5] + accs[7])


_NBUF = 8


def _pool_body(x_hbm, tab_hbm, out_hbm, idx_v, rows, pooled_v,
               sem_idx, sem_g, sem_out):
    c = lax.axis_index("c")
    s = lax.axis_index("s")
    wid = s * NC + c
    row0 = wid * ROWS_W

    def fire_idx(ci, par):
        rbase = row0 + ci * CB
        for h in range(2):
            pltpu.async_copy(
                x_hbm.at[pl.ds(rbase, CB), pl.ds(96 * h, IL + 4)],
                idx_v[2 * par + h], sem_idx[par])

    def fire_gather(ci_par, r, h, b):
        pltpu.async_copy(
            tab_hbm.at[idx_v[2 * ci_par + h].at[r]], rows[b], sem_g[b])

    def wait_gather(ci_par, b):
        pltpu.make_async_copy(
            tab_hbm.at[idx_v[2 * ci_par].at[0]], rows[b], sem_g[b]).wait()

    fire_idx(0, 0)

    def chunk(ci, p):
        rbase = row0 + ci * CB
        for h in range(2):
            pltpu.make_async_copy(
                x_hbm.at[pl.ds(0, CB), pl.ds(0, IL + 4)], idx_v[2 * p + h],
                sem_idx[p]).wait()

        @pl.when(ci < NCHUNK - 1)
        def _():
            fire_idx(ci + 1, 1 - p)

        @pl.when(ci >= 2)
        def _():
            pltpu.make_async_copy(
                pooled_v[p], out_hbm.at[pl.ds(0, CB)], sem_out[p]).wait()

        for b in range(_NBUF):
            fire_gather(p, b // 2, b % 2, b)

        nr = _NBUF // 2

        def grp(q, _):
            for rr in range(nr):
                z = jnp.zeros((16,), jnp.float32)
                a0, a1 = z, z
                r = nr * q + rr
                for h in range(2):
                    b = 2 * rr + h
                    wait_gather(p, b)
                    a0, a1 = _reduce_buf(rows[b], a0, a1, 4 * h)

                    @pl.when(r + nr < CB)
                    def _():
                        fire_gather(p, r + nr, h, b)

                pooled_v[p][r, 0:16] = a0
                pooled_v[p][r, 16:32] = a1
            return ()

        lax.fori_loop(0, CB // nr, grp, ())
        pltpu.async_copy(pooled_v[p], out_hbm.at[pl.ds(rbase, CB)], sem_out[p])

    def chunk2(cc, _):
        for p in range(2):
            chunk(2 * cc + p, p)
        return ()

    lax.fori_loop(0, NCHUNK // 2, chunk2, ())

    for p in range(2):
        pltpu.make_async_copy(
            pooled_v[p], out_hbm.at[pl.ds(0, CB)], sem_out[p]).wait()


@functools.partial(
    pl.kernel,
    out_type=jax.ShapeDtypeStruct((B, E), jnp.float32),
    mesh=plsc.VectorSubcoreMesh(
        core_axis_name="c", subcore_axis_name="s",
        num_cores=NC, num_subcores=NS),
    scratch_types=[
        [pltpu.VMEM((CB, IL + 4), jnp.int32) for _ in range(4)],
        [pltpu.VMEM((IL + 4, E), jnp.float32) for _ in range(_NBUF)],
        [pltpu.VMEM((CB, E), jnp.float32) for _ in range(2)],
        [pltpu.SemaphoreType.DMA for _ in range(2)],
        [pltpu.SemaphoreType.DMA for _ in range(_NBUF)],
        [pltpu.SemaphoreType.DMA for _ in range(2)],
    ],
    compiler_params=pltpu.CompilerParams(use_tc_tiling_on_sc=False),
)
def _pool(x_hbm, tab_hbm, out_hbm, idx_v, rows, pooled_v,
          sem_idx, sem_g, sem_out):
    _pool_body(x_hbm, tab_hbm, out_hbm, idx_v, rows, pooled_v,
               sem_idx, sem_g, sem_out)


def _linear_body(p_ref, w_ref, b_ref, o_ref):
    o_ref[...] = (
        jnp.dot(p_ref[...], w_ref[...], preferred_element_type=jnp.float32)
        * (1.0 / L) + b_ref[...]
    )


def _linear(pooled, wt, b2):
    bb = 1024
    return pl.pallas_call(
        _linear_body,
        grid=(B // bb,),
        in_specs=[
            pl.BlockSpec((bb, E), lambda i: (i, 0)),
            pl.BlockSpec((E, C), lambda i: (0, 0)),
            pl.BlockSpec((1, C), lambda i: (0, 0)),
        ],
        out_specs=pl.BlockSpec((bb, C), lambda i: (i, 0)),
        out_shape=jax.ShapeDtypeStruct((B, C), jnp.float32),
    )(pooled, wt, b2)


def kernel(x, emb_table, fc_w, fc_b):
    pooled_sum = _pool(x, emb_table)
    return _linear(pooled_sum, fc_w.T, fc_b.reshape(1, C))

# --- scband reference (transcript-rebuilt; emitter-appended) ---
"""Pipeline reference for scband-bag-of-words-classifier-11605001634042 (READ-ONLY COPY).

The authoritative reference and input builder live on the scoring server;
editing this copy changes nothing except your own understanding.
"""

import jax, jax.numpy as jnp
import numpy as np

VOCAB = 1000000
EMBED = 32
NUM_CLASSES = 100
BATCH = 16384
HIST = 200


def setup_inputs(seed: int = 0) -> dict:
    key = jax.random.key(seed)
    k1, k2, k3, k4 = jax.random.split(key, 4)
    x = jax.random.randint(k1, (BATCH, HIST), 0, VOCAB, dtype=jnp.int32)
    emb_table = jax.random.normal(k2, (VOCAB, EMBED), dtype=jnp.float32)
    fc_w = jax.random.normal(k3, (NUM_CLASSES, EMBED), dtype=jnp.float32) * (1.0 / np.sqrt(EMBED))
    fc_b = jax.random.normal(k4, (NUM_CLASSES,), dtype=jnp.float32) * 0.01
    return {"x": x, "emb_table": emb_table, "fc_w": fc_w, "fc_b": fc_b}


def reference(x, emb_table, fc_w, fc_b):
    # nn.Embedding lookup: gather rows of the table
    embedded = jnp.take(emb_table, x, axis=0)  # [B, L, E]
    # mean pooling over the sequence (bag-of-words)
    pooled = embedded.mean(axis=1)  # [B, E]
    # nn.Linear: pooled @ W^T + b
    out = pooled @ fc_w.T + fc_b  # [B, NUM_CLASSES]
    return out

if __name__ == "__main__":
    import jax
    _d = setup_inputs()
    print(jax.jit(kernel)(*tuple(_d.values())))

</pallas_src>

<mosaic_0001>
#map = affine_map<(d0, d1) -> (0, 0)>
module attributes {stable_mosaic.version = 14 : i64} {
  func.func @_pool(%arg0: i32, %arg1: i32, %arg2: memref<16384x200xi32, #tpu.memory_space<hbm>>, %arg3: memref<1000000x32xf32, #tpu.memory_space<hbm>>, %arg4: memref<16384x32xf32, #tpu.memory_space<hbm>>, %arg5: memref<128x104xi32, #tpu.memory_space<vmem>>, %arg6: memref<128x104xi32, #tpu.memory_space<vmem>>, %arg7: memref<128x104xi32, #tpu.memory_space<vmem>>, %arg8: memref<128x104xi32, #tpu.memory_space<vmem>>, %arg9: memref<104x32xf32, #tpu.memory_space<vmem>>, %arg10: memref<104x32xf32, #tpu.memory_space<vmem>>, %arg11: memref<104x32xf32, #tpu.memory_space<vmem>>, %arg12: memref<104x32xf32, #tpu.memory_space<vmem>>, %arg13: memref<104x32xf32, #tpu.memory_space<vmem>>, %arg14: memref<104x32xf32, #tpu.memory_space<vmem>>, %arg15: memref<104x32xf32, #tpu.memory_space<vmem>>, %arg16: memref<104x32xf32, #tpu.memory_space<vmem>>, %arg17: memref<128x32xf32, #tpu.memory_space<vmem>>, %arg18: memref<128x32xf32, #tpu.memory_space<vmem>>, %arg19: memref<!tpu.dma_semaphore, #tpu.memory_space<semaphore_mem>>, %arg20: memref<!tpu.dma_semaphore, #tpu.memory_space<semaphore_mem>>, %arg21: memref<!tpu.dma_semaphore, #tpu.memory_space<semaphore_mem>>, %arg22: memref<!tpu.dma_semaphore, #tpu.memory_space<semaphore_mem>>, %arg23: memref<!tpu.dma_semaphore, #tpu.memory_space<semaphore_mem>>, %arg24: memref<!tpu.dma_semaphore, #tpu.memory_space<semaphore_mem>>, %arg25: memref<!tpu.dma_semaphore, #tpu.memory_space<semaphore_mem>>, %arg26: memref<!tpu.dma_semaphore, #tpu.memory_space<semaphore_mem>>, %arg27: memref<!tpu.dma_semaphore, #tpu.memory_space<semaphore_mem>>, %arg28: memref<!tpu.dma_semaphore, #tpu.memory_space<semaphore_mem>>, %arg29: memref<!tpu.dma_semaphore, #tpu.memory_space<semaphore_mem>>, %arg30: memref<!tpu.dma_semaphore, #tpu.memory_space<semaphore_mem>>) attributes {dimension_semantics = [#tpu.dimension_semantics<core_parallel>, #tpu.dimension_semantics<subcore_parallel>], iteration_bounds = array<i64: 2, 16>, scalar_prefetch = 0 : i64, scratch_operands = 26 : i64, tpu.core_type = #tpu.core_type<sc_vector_subcore>, window_params = [{transform_indices = #map}, {transform_indices = #map}, {transform_indices = #map}]} {
    %mul3A = arith.constant 2 : i32
    %mul3A_0 = arith.muli %arg1, %mul3A : i32
    %add3A = arith.addi %mul3A_0, %arg0 : i32
    %mul3A_1 = arith.constant 512 : i32
    %mul3A_2 = arith.muli %add3A, %mul3A_1 : i32
    %add3A_3 = arith.constant 0 : i32
    %add3A_4 = arith.addi %mul3A_2, %add3A_3 : i32
    %dma_start3A = arith.constant 0 : i32
    %dma_start3A_5 = tpu.memref_slice %arg2[%add3A_4, %dma_start3A] : memref<16384x200xi32, #tpu.memory_space<hbm>> -> memref<128x104xi32, #tpu.memory_space<hbm>>
    %dma_start3A_6 = arith.constant 0 : i32
    %dma_start3A_7 = tpu.memref_slice %arg2[%add3A_4, %dma_start3A_6] : memref<16384x200xi32, #tpu.memory_space<hbm>> -> memref<128x104xi32, #tpu.memory_space<hbm>>
    tpu.enqueue_dma source(%dma_start3A_7 : memref<128x104xi32, #tpu.memory_space<hbm>>) target(%arg5 : memref<128x104xi32, #tpu.memory_space<vmem>>) target_semaphore(%arg19 : memref<!tpu.dma_semaphore, #tpu.memory_space<semaphore_mem>>)
    %dma_start3A_8 = arith.constant 96 : i32
    %dma_start3A_9 = tpu.memref_slice %arg2[%add3A_4, %dma_start3A_8] : memref<16384x200xi32, #tpu.memory_space<hbm>> -> memref<128x104xi32, #tpu.memory_space<hbm>>
    %dma_start3A_10 = arith.constant 96 : i32
    %dma_start3A_11 = tpu.memref_slice %arg2[%add3A_4, %dma_start3A_10] : memref<16384x200xi32, #tpu.memory_space<hbm>> -> memref<128x104xi32, #tpu.memory_space<hbm>>
    tpu.enqueue_dma source(%dma_start3A_11 : memref<128x104xi32, #tpu.memory_space<hbm>>) target(%arg6 : memref<128x104xi32, #tpu.memory_space<vmem>>) target_semaphore(%arg19 : memref<!tpu.dma_semaphore, #tpu.memory_space<semaphore_mem>>)
    %scan3A = arith.constant 0 : i32
    %scan3A_12 = arith.constant 2 : i32
    %scan3A_13 = arith.addi %scan3A, %scan3A_12 : i32
    %scan3A_14 = arith.constant 1 : i32
    scf.for %scan3A_27 = %scan3A to %scan3A_13 step %scan3A_14  : i32 {
      %mul3A_28 = arith.constant 2 : i32
      %mul3A_29 = arith.muli %mul3A_28, %scan3A_27 : i32
      %add3A_30 = arith.constant 0 : i32
      %add3A_31 = arith.addi %mul3A_29, %add3A_30 : i32
      %mul3A_32 = arith.constant 128 : i32
      %mul3A_33 = arith.muli %add3A_31, %mul3A_32 : i32
      %add3A_34 = arith.addi %mul3A_2, %mul3A_33 : i32
      %dma_wait3A_35 = arith.constant 0 : i32
      %dma_wait3A_36 = arith.constant 0 : i32
      %dma_wait3A_37 = tpu.memref_slice %arg2[%dma_wait3A_35, %dma_wait3A_36] : memref<16384x200xi32, #tpu.memory_space<hbm>> -> memref<128x104xi32, #tpu.memory_space<hbm>>
      %dma_wait3A_38 = arith.constant 0 : i32
      %dma_wait3A_39 = arith.constant 0 : i32
      %dma_wait3A_40 = tpu.memref_slice %arg2[%dma_wait3A_38, %dma_wait3A_39] : memref<16384x200xi32, #tpu.memory_space<hbm>> -> memref<128x104xi32, #tpu.memory_space<hbm>>
      tpu.wait_dma2 semaphore(%arg19 : memref<!tpu.dma_semaphore, #tpu.memory_space<semaphore_mem>>) src(%dma_wait3A_40 : memref<128x104xi32, #tpu.memory_space<hbm>>) dst(%arg5 : memref<128x104xi32, #tpu.memory_space<vmem>>)
      %dma_wait3A_41 = arith.constant 0 : i32
      %dma_wait3A_42 = arith.constant 0 : i32
      %dma_wait3A_43 = tpu.memref_slice %arg2[%dma_wait3A_41, %dma_wait3A_42] : memref<16384x200xi32, #tpu.memory_space<hbm>> -> memref<128x104xi32, #tpu.memory_space<hbm>>
      %dma_wait3A_44 = arith.constant 0 : i32
      %dma_wait3A_45 = arith.constant 0 : i32
      %dma_wait3A_46 = tpu.memref_slice %arg2[%dma_wait3A_44, %dma_wait3A_45] : memref<16384x200xi32, #tpu.memory_space<hbm>> -> memref<128x104xi32, #tpu.memory_space<hbm>>
      tpu.wait_dma2 semaphore(%arg19 : memref<!tpu.dma_semaphore, #tpu.memory_space<semaphore_mem>>) src(%dma_wait3A_46 : memref<128x104xi32, #tpu.memory_space<hbm>>) dst(%arg6 : memref<128x104xi32, #tpu.memory_space<vmem>>)
      %lt3A = arith.constant 3 : i32
      %lt3A_47 = arith.cmpi slt, %add3A_31, %lt3A : i32
      %convert_element_type3A = arith.extui %lt3A_47 : i1 to i32
      %cond3A = arith.constant 0 : i32
      %cond3A_48 = arith.cmpi ne, %convert_element_type3A, %cond3A : i32
      scf.if %cond3A_48 {
        %add3A_212 = arith.constant 1 : i32
        %add3A_213 = arith.addi %add3A_31, %add3A_212 : i32
        %mul3A_214 = arith.constant 128 : i32
        %mul3A_215 = arith.muli %add3A_213, %mul3A_214 : i32
        %add3A_216 = arith.addi %mul3A_2, %mul3A_215 : i32
        %dma_start3A_217 = arith.constant 0 : i32
        %dma_start3A_218 = tpu.memref_slice %arg2[%add3A_216, %dma_start3A_217] : memref<16384x200xi32, #tpu.memory_space<hbm>> -> memref<128x104xi32, #tpu.memory_space<hbm>>
        %dma_start3A_219 = arith.constant 0 : i32
        %dma_start3A_220 = tpu.memref_slice %arg2[%add3A_216, %dma_start3A_219] : memref<16384x200xi32, #tpu.memory_space<hbm>> -> memref<128x104xi32, #tpu.memory_space<hbm>>
        tpu.enqueue_dma source(%dma_start3A_220 : memref<128x104xi32, #tpu.memory_space<hbm>>) target(%arg7 : memref<128x104xi32, #tpu.memory_space<vmem>>) target_semaphore(%arg20 : memref<!tpu.dma_semaphore, #tpu.memory_space<semaphore_mem>>)
        %dma_start3A_221 = arith.constant 96 : i32
        %dma_start3A_222 = tpu.memref_slice %arg2[%add3A_216, %dma_start3A_221] : memref<16384x200xi32, #tpu.memory_space<hbm>> -> memref<128x104xi32, #tpu.memory_space<hbm>>
        %dma_start3A_223 = arith.constant 96 : i32
        %dma_start3A_224 = tpu.memref_slice %arg2[%add3A_216, %dma_start3A_223] : memref<16384x200xi32, #tpu.memory_space<hbm>> -> memref<128x104xi32, #tpu.memory_space<hbm>>
        tpu.enqueue_dma source(%dma_start3A_224 : memref<128x104xi32, #tpu.memory_space<hbm>>) target(%arg8 : memref<128x104xi32, #tpu.memory_space<vmem>>) target_semaphore(%arg20 : memref<!tpu.dma_semaphore, #tpu.memory_space<semaphore_mem>>)
      } else {
      }
      %ge3A = arith.constant 2 : i32
      %ge3A_49 = arith.cmpi sge, %add3A_31, %ge3A : i32
      %convert_element_type3A_50 = arith.extui %ge3A_49 : i1 to i32
      %cond3A_51 = arith.constant 0 : i32
      %cond3A_52 = arith.cmpi ne, %convert_element_type3A_50, %cond3A_51 : i32
      scf.if %cond3A_52 {
        %dma_wait3A_212 = arith.constant 0 : i32
        %dma_wait3A_213 = arith.constant 0 : i32
        %dma_wait3A_214 = tpu.memref_slice %arg4[%dma_wait3A_212, %dma_wait3A_213] : memref<16384x32xf32, #tpu.memory_space<hbm>> -> memref<128x32xf32, #tpu.memory_space<hbm>>
        %dma_wait3A_215 = arith.constant 0 : i32
        %dma_wait3A_216 = arith.constant 0 : i32
        %dma_wait3A_217 = tpu.memref_slice %arg4[%dma_wait3A_215, %dma_wait3A_216] : memref<16384x32xf32, #tpu.memory_space<hbm>> -> memref<128x32xf32, #tpu.memory_space<hbm>>
        tpu.wait_dma2 semaphore(%arg29 : memref<!tpu.dma_semaphore, #tpu.memory_space<semaphore_mem>>) src(%arg17 : memref<128x32xf32, #tpu.memory_space<vmem>>) dst(%dma_wait3A_217 : memref<128x32xf32, #tpu.memory_space<hbm>>)
      } else {
      }
      %dma_start3A_53 = arith.constant 0 : i32
      %dma_start3A_54 = arith.constant 0 : i32
      %dma_start3A_55 = tpu.memref_slice %arg5[%dma_start3A_53, %dma_start3A_54] : memref<128x104xi32, #tpu.memory_space<vmem>> -> memref<1x104xi32, #tpu.memory_space<vmem>>
      %dma_start3A_56 = tpu.memref_squeeze %dma_start3A_55 : memref<1x104xi32, #tpu.memory_space<vmem>> -> memref<104xi32, #tpu.memory_space<vmem>>
      %dma_start3A_57 = arith.constant 0 : i32
      %dma_start3A_58 = arith.constant 0 : i32
      %dma_start3A_59 = tpu.memref_slice %arg3[%dma_start3A_57, %dma_start3A_58] : memref<1000000x32xf32, #tpu.memory_space<hbm>> -> memref<1000000x32xf32, #tpu.memory_space<hbm>>
      tpu.enqueue_indirect_dma source(%dma_start3A_59 : memref<1000000x32xf32, #tpu.memory_space<hbm>>) target(%arg9 : memref<104x32xf32, #tpu.memory_space<vmem>>) offsets(%dma_start3A_56 : memref<104xi32, #tpu.memory_space<vmem>>) semaphore(%arg21 : memref<!tpu.dma_semaphore, #tpu.memory_space<semaphore_mem>>)
      %dma_start3A_60 = arith.constant 0 : i32
      %dma_start3A_61 = arith.constant 0 : i32
      %dma_start3A_62 = tpu.memref_slice %arg6[%dma_start3A_60, %dma_start3A_61] : memref<128x104xi32, #tpu.memory_space<vmem>> -> memref<1x104xi32, #tpu.memory_space<vmem>>
      %dma_start3A_63 = tpu.memref_squeeze %dma_start3A_62 : memref<1x104xi32, #tpu.memory_space<vmem>> -> memref<104xi32, #tpu.memory_space<vmem>>
      %dma_start3A_64 = arith.constant 0 : i32
      %dma_start3A_65 = arith.constant 0 : i32
      %dma_start3A_66 = tpu.memref_slice %arg3[%dma_start3A_64, %dma_start3A_65] : memref<1000000x32xf32, #tpu.memory_space<hbm>> -> memref<1000000x32xf32, #tpu.memory_space<hbm>>
      tpu.enqueue_indirect_dma source(%dma_start3A_66 : memref<1000000x32xf32, #tpu.memory_space<hbm>>) target(%arg10 : memref<104x32xf32, #tpu.memory_space<vmem>>) offsets(%dma_start3A_63 : memref<104xi32, #tpu.memory_space<vmem>>) semaphore(%arg22 : memref<!tpu.dma_semaphore, #tpu.memory_space<semaphore_mem>>)
      %dma_start3A_67 = arith.constant 1 : i32
      %dma_start3A_68 = arith.constant 0 : i32
      %dma_start3A_69 = tpu.memref_slice %arg5[%dma_start3A_67, %dma_start3A_68] : memref<128x104xi32, #tpu.memory_space<vmem>> -> memref<1x104xi32, #tpu.memory_space<vmem>>
      %dma_start3A_70 = tpu.memref_squeeze %dma_start3A_69 : memref<1x104xi32, #tpu.memory_space<vmem>> -> memref<104xi32, #tpu.memory_space<vmem>>
      %dma_start3A_71 = arith.constant 0 : i32
      %dma_start3A_72 = arith.constant 0 : i32
      %dma_start3A_73 = tpu.memref_slice %arg3[%dma_start3A_71, %dma_start3A_72] : memref<1000000x32xf32, #tpu.memory_space<hbm>> -> memref<1000000x32xf32, #tpu.memory_space<hbm>>
      tpu.enqueue_indirect_dma source(%dma_start3A_73 : memref<1000000x32xf32, #tpu.memory_space<hbm>>) target(%arg11 : memref<104x32xf32, #tpu.memory_space<vmem>>) offsets(%dma_start3A_70 : memref<104xi32, #tpu.memory_space<vmem>>) semaphore(%arg23 : memref<!tpu.dma_semaphore, #tpu.memory_space<semaphore_mem>>)
      %dma_start3A_74 = arith.constant 1 : i32
      %dma_start3A_75 = arith.constant 0 : i32
      %dma_start3A_76 = tpu.memref_slice %arg6[%dma_start3A_74, %dma_start3A_75] : memref<128x104xi32, #tpu.memory_space<vmem>> -> memref<1x104xi32, #tpu.memory_space<vmem>>
      %dma_start3A_77 = tpu.memref_squeeze %dma_start3A_76 : memref<1x104xi32, #tpu.memory_space<vmem>> -> memref<104xi32, #tpu.memory_space<vmem>>
      %dma_start3A_78 = arith.constant 0 : i32
      %dma_start3A_79 = arith.constant 0 : i32
      %dma_start3A_80 = tpu.memref_slice %arg3[%dma_start3A_78, %dma_start3A_79] : memref<1000000x32xf32, #tpu.memory_space<hbm>> -> memref<1000000x32xf32, #tpu.memory_space<hbm>>
      tpu.enqueue_indirect_dma source(%dma_start3A_80 : memref<1000000x32xf32, #tpu.memory_space<hbm>>) target(%arg12 : memref<104x32xf32, #tpu.memory_space<vmem>>) offsets(%dma_start3A_77 : memref<104xi32, #tpu.memory_space<vmem>>) semaphore(%arg24 : memref<!tpu.dma_semaphore, #tpu.memory_space<semaphore_mem>>)
      %dma_start3A_81 = arith.constant 2 : i32
      %dma_start3A_82 = arith.constant 0 : i32
      %dma_start3A_83 = tpu.memref_slice %arg5[%dma_start3A_81, %dma_start3A_82] : memref<128x104xi32, #tpu.memory_space<vmem>> -> memref<1x104xi32, #tpu.memory_space<vmem>>
      %dma_start3A_84 = tpu.memref_squeeze %dma_start3A_83 : memref<1x104xi32, #tpu.memory_space<vmem>> -> memref<104xi32, #tpu.memory_space<vmem>>
      %dma_start3A_85 = arith.constant 0 : i32
      %dma_start3A_86 = arith.constant 0 : i32
      %dma_start3A_87 = tpu.memref_slice %arg3[%dma_start3A_85, %dma_start3A_86] : memref<1000000x32xf32, #tpu.memory_space<hbm>> -> memref<1000000x32xf32, #tpu.memory_space<hbm>>
      tpu.enqueue_indirect_dma source(%dma_start3A_87 : memref<1000000x32xf32, #tpu.memory_space<hbm>>) target(%arg13 : memref<104x32xf32, #tpu.memory_space<vmem>>) offsets(%dma_start3A_84 : memref<104xi32, #tpu.memory_space<vmem>>) semaphore(%arg25 : memref<!tpu.dma_semaphore, #tpu.memory_space<semaphore_mem>>)
      %dma_start3A_88 = arith.constant 2 : i32
      %dma_start3A_89 = arith.constant 0 : i32
      %dma_start3A_90 = tpu.memref_slice %arg6[%dma_start3A_88, %dma_start3A_89] : memref<128x104xi32, #tpu.memory_space<vmem>> -> memref<1x104xi32, #tpu.memory_space<vmem>>
      %dma_start3A_91 = tpu.memref_squeeze %dma_start3A_90 : memref<1x104xi32, #tpu.memory_space<vmem>> -> memref<104xi32, #tpu.memory_space<vmem>>
      %dma_start3A_92 = arith.constant 0 : i32
      %dma_start3A_93 = arith.constant 0 : i32
      %dma_start3A_94 = tpu.memref_slice %arg3[%dma_start3A_92, %dma_start3A_93] : memref<1000000x32xf32, #tpu.memory_space<hbm>> -> memref<1000000x32xf32, #tpu.memory_space<hbm>>
      tpu.enqueue_indirect_dma source(%dma_start3A_94 : memref<1000000x32xf32, #tpu.memory_space<hbm>>) target(%arg14 : memref<104x32xf32, #tpu.memory_space<vmem>>) offsets(%dma_start3A_91 : memref<104xi32, #tpu.memory_space<vmem>>) semaphore(%arg26 : memref<!tpu.dma_semaphore, #tpu.memory_space<semaphore_mem>>)
      %dma_start3A_95 = arith.constant 3 : i32
      %dma_start3A_96 = arith.constant 0 : i32
      %dma_start3A_97 = tpu.memref_slice %arg5[%dma_start3A_95, %dma_start3A_96] : memref<128x104xi32, #tpu.memory_space<vmem>> -> memref<1x104xi32, #tpu.memory_space<vmem>>
      %dma_start3A_98 = tpu.memref_squeeze %dma_start3A_97 : memref<1x104xi32, #tpu.memory_space<vmem>> -> memref<104xi32, #tpu.memory_space<vmem>>
      %dma_start3A_99 = arith.constant 0 : i32
      %dma_start3A_100 = arith.constant 0 : i32
      %dma_start3A_101 = tpu.memref_slice %arg3[%dma_start3A_99, %dma_start3A_100] : memref<1000000x32xf32, #tpu.memory_space<hbm>> -> memref<1000000x32xf32, #tpu.memory_space<hbm>>
      tpu.enqueue_indirect_dma source(%dma_start3A_101 : memref<1000000x32xf32, #tpu.memory_space<hbm>>) target(%arg15 : memref<104x32xf32, #tpu.memory_space<vmem>>) offsets(%dma_start3A_98 : memref<104xi32, #tpu.memory_space<vmem>>) semaphore(%arg27 : memref<!tpu.dma_semaphore, #tpu.memory_space<semaphore_mem>>)
      %dma_start3A_102 = arith.constant 3 : i32
      %dma_start3A_103 = arith.constant 0 : i32
      %dma_start3A_104 = tpu.memref_slice %arg6[%dma_start3A_102, %dma_start3A_103] : memref<128x104xi32, #tpu.memory_space<vmem>> -> memref<1x104xi32, #tpu.memory_space<vmem>>
      %dma_start3A_105 = tpu.memref_squeeze %dma_start3A_104 : memref<1x104xi32, #tpu.memory_space<vmem>> -> memref<104xi32, #tpu.memory_space<vmem>>
      %dma_start3A_106 = arith.constant 0 : i32
      %dma_start3A_107 = arith.constant 0 : i32
      %dma_start3A_108 = tpu.memref_slice %arg3[%dma_start3A_106, %dma_start3A_107] : memref<1000000x32xf32, #tpu.memory_space<hbm>> -> memref<1000000x32xf32, #tpu.memory_space<hbm>>
      tpu.enqueue_indirect_dma source(%dma_start3A_108 : memref<1000000x32xf32, #tpu.memory_space<hbm>>) target(%arg16 : memref<104x32xf32, #tpu.memory_space<vmem>>) offsets(%dma_start3A_105 : memref<104xi32, #tpu.memory_space<vmem>>) semaphore(%arg28 : memref<!tpu.dma_semaphore, #tpu.memory_space<semaphore_mem>>)
      %scan3A_109 = arith.constant 0 : i32
      %scan3A_110 = arith.constant 32 : i32
      %scan3A_111 = arith.addi %scan3A_109, %scan3A_110 : i32
      %scan3A_112 = arith.constant 1 : i32
      scf.for %scan3A_212 = %scan3A_109 to %scan3A_111 step %scan3A_112  : i32 {
        %broadcast_in_dim3A = arith.constant 0.000000e+00 : f32
        %broadcast_in_dim3A_213 = vector.broadcast %broadcast_in_dim3A : f32 to vector<16xf32>
        %mul3A_214 = arith.constant 4 : i32
        %mul3A_215 = arith.muli %mul3A_214, %scan3A_212 : i32
        %add3A_216 = arith.constant 0 : i32
        %add3A_217 = arith.addi %mul3A_215, %add3A_216 : i32
        %dma_wait3A_218 = arith.constant 0 : i32
        %dma_wait3A_219 = arith.constant 0 : i32
        %dma_wait3A_220 = tpu.memref_slice %arg5[%dma_wait3A_218, %dma_wait3A_219] : memref<128x104xi32, #tpu.memory_space<vmem>> -> memref<1x104xi32, #tpu.memory_space<vmem>>
        %dma_wait3A_221 = tpu.memref_squeeze %dma_wait3A_220 : memref<1x104xi32, #tpu.memory_space<vmem>> -> memref<104xi32, #tpu.memory_space<vmem>>
        %dma_wait3A_222 = arith.constant 0 : i32
        %dma_wait3A_223 = arith.constant 0 : i32
        %dma_wait3A_224 = tpu.memref_slice %arg3[%dma_wait3A_222, %dma_wait3A_223] : memref<1000000x32xf32, #tpu.memory_space<hbm>> -> memref<1000000x32xf32, #tpu.memory_space<hbm>>
        tpu.wait_indirect_dma semaphore(%arg21 : memref<!tpu.dma_semaphore, #tpu.memory_space<semaphore_mem>>) src(%dma_wait3A_224 : memref<1000000x32xf32, #tpu.memory_space<hbm>>) dst(%arg9 : memref<104x32xf32, #tpu.memory_space<vmem>>)
        %broadcast_in_dim3A_225 = arith.constant 0.000000e+00 : f32
        %broadcast_in_dim3A_226 = vector.broadcast %broadcast_in_dim3A_225 : f32 to vector<16xf32>
        %parallel_loop3A = arith.constant 0 : i32
        %parallel_loop3A_227 = arith.constant 100 : i32
        %parallel_loop3A_228 = arith.constant 4 : i32
        %parallel_loop3A_229:8 = scf.for %parallel_loop3A_482 = %parallel_loop3A to %parallel_loop3A_227 step %parallel_loop3A_228 iter_args(%parallel_loop3A_483 = %broadcast_in_dim3A_213, %parallel_loop3A_484 = %broadcast_in_dim3A_213, %parallel_loop3A_485 = %broadcast_in_dim3A_226, %parallel_loop3A_486 = %broadcast_in_dim3A_226, %parallel_loop3A_487 = %broadcast_in_dim3A_226, %parallel_loop3A_488 = %broadcast_in_dim3A_226, %parallel_loop3A_489 = %broadcast_in_dim3A_226, %parallel_loop3A_490 = %broadcast_in_dim3A_226) -> (vector<16xf32>, vector<16xf32>, vector<16xf32>, vector<16xf32>, vector<16xf32>, vector<16xf32>, vector<16xf32>, vector<16xf32>)  : i32 {
          %parallel_loop3A_491 = arith.constant 0 : i32
          %parallel_loop3A_492 = arith.addi %parallel_loop3A_482, %parallel_loop3A_491 : i32
          %parallel_loop3A_493 = arith.index_cast %parallel_loop3A_492 : i32 to index
          %parallel_loop3A_494 = arith.constant 0 : index
          %parallel_loop3A_495 = tpu.vector_load %arg9[%parallel_loop3A_493, %parallel_loop3A_494] {strides = array<i32>} : memref<104x32xf32, #tpu.memory_space<vmem>>, vector<1x16xf32>,
          %parallel_loop3A_496 = vector.shape_cast %parallel_loop3A_495 : vector<1x16xf32> to vector<16xf32>
          %parallel_loop3A_497 = arith.addf %parallel_loop3A_483, %parallel_loop3A_496 : vector<16xf32>
          %parallel_loop3A_498 = arith.constant 0 : i32
          %parallel_loop3A_499 = arith.addi %parallel_loop3A_482, %parallel_loop3A_498 : i32
          %parallel_loop3A_500 = arith.index_cast %parallel_loop3A_499 : i32 to index
          %parallel_loop3A_501 = arith.constant 16 : index
          %parallel_loop3A_502 = tpu.vector_load %arg9[%parallel_loop3A_500, %parallel_loop3A_501] {strides = array<i32>} : memref<104x32xf32, #tpu.memory_space<vmem>>, vector<1x16xf32>,
          %parallel_loop3A_503 = vector.shape_cast %parallel_loop3A_502 : vector<1x16xf32> to vector<16xf32>
          %parallel_loop3A_504 = arith.addf %parallel_loop3A_484, %parallel_loop3A_503 : vector<16xf32>
          %parallel_loop3A_505 = arith.constant 1 : i32
          %parallel_loop3A_506 = arith.addi %parallel_loop3A_482, %parallel_loop3A_505 : i32
          %parallel_loop3A_507 = arith.index_cast %parallel_loop3A_506 : i32 to index
          %parallel_loop3A_508 = arith.constant 0 : index
          %parallel_loop3A_509 = tpu.vector_load %arg9[%parallel_loop3A_507, %parallel_loop3A_508] {strides = array<i32>} : memref<104x32xf32, #tpu.memory_space<vmem>>, vector<1x16xf32>,
          %parallel_loop3A_510 = vector.shape_cast %parallel_loop3A_509 : vector<1x16xf32> to vector<16xf32>
          %parallel_loop3A_511 = arith.addf %parallel_loop3A_485, %parallel_loop3A_510 : vector<16xf32>
          %parallel_loop3A_512 = arith.constant 1 : i32
          %parallel_loop3A_513 = arith.addi %parallel_loop3A_482, %parallel_loop3A_512 : i32
          %parallel_loop3A_514 = arith.index_cast %parallel_loop3A_513 : i32 to index
          %parallel_loop3A_515 = arith.constant 16 : index
          %parallel_loop3A_516 = tpu.vector_load %arg9[%parallel_loop3A_514, %parallel_loop3A_515] {strides = array<i32>} : memref<104x32xf32, #tpu.memory_space<vmem>>, vector<1x16xf32>,
          %parallel_loop3A_517 = vector.shape_cast %parallel_loop3A_516 : vector<1x16xf32> to vector<16xf32>
          %parallel_loop3A_518 = arith.addf %parallel_loop3A_486, %parallel_loop3A_517 : vector<16xf32>
          %parallel_loop3A_519 = arith.constant 2 : i32
          %parallel_loop3A_520 = arith.addi %parallel_loop3A_482, %parallel_loop3A_519 : i32
          %parallel_loop3A_521 = arith.index_cast %parallel_loop3A_520 : i32 to index
          %parallel_loop3A_522 = arith.constant 0 : index
          %parallel_loop3A_523 = tpu.vector_load %arg9[%parallel_loop3A_521, %parallel_loop3A_522] {strides = array<i32>} : memref<104x32xf32, #tpu.memory_space<vmem>>, vector<1x16xf32>,
          %parallel_loop3A_524 = vector.shape_cast %parallel_loop3A_523 : vector<1x16xf32> to vector<16xf32>
          %parallel_loop3A_525 = arith.addf %parallel_loop3A_487, %parallel_loop3A_524 : vector<16xf32>
          %parallel_loop3A_526 = arith.constant 2 : i32
          %parallel_loop3A_527 = arith.addi %parallel_loop3A_482, %parallel_loop3A_526 : i32
          %parallel_loop3A_528 = arith.index_cast %parallel_loop3A_527 : i32 to index
          %parallel_loop3A_529 = arith.constant 16 : index
          %parallel_loop3A_530 = tpu.vector_load %arg9[%parallel_loop3A_528, %parallel_loop3A_529] {strides = array<i32>} : memref<104x32xf32, #tpu.memory_space<vmem>>, vector<1x16xf32>,
          %parallel_loop3A_531 = vector.shape_cast %parallel_loop3A_530 : vector<1x16xf32> to vector<16xf32>
          %parallel_loop3A_532 = arith.addf %parallel_loop3A_488, %parallel_loop3A_531 : vector<16xf32>
          %parallel_loop3A_533 = arith.constant 3 : i32
          %parallel_loop3A_534 = arith.addi %parallel_loop3A_482, %parallel_loop3A_533 : i32
          %parallel_loop3A_535 = arith.index_cast %parallel_loop3A_534 : i32 to index
          %parallel_loop3A_536 = arith.constant 0 : index
          %parallel_loop3A_537 = tpu.vector_load %arg9[%parallel_loop3A_535, %parallel_loop3A_536] {strides = array<i32>} : memref<104x32xf32, #tpu.memory_space<vmem>>, vector<1x16xf32>,
          %parallel_loop3A_538 = vector.shape_cast %parallel_loop3A_537 : vector<1x16xf32> to vector<16xf32>
          %parallel_loop3A_539 = arith.addf %parallel_loop3A_489, %parallel_loop3A_538 : vector<16xf32>
          %parallel_loop3A_540 = arith.constant 3 : i32
          %parallel_loop3A_541 = arith.addi %parallel_loop3A_482, %parallel_loop3A_540 : i32
          %parallel_loop3A_542 = arith.index_cast %parallel_loop3A_541 : i32 to index
          %parallel_loop3A_543 = arith.constant 16 : index
          %parallel_loop3A_544 = tpu.vector_load %arg9[%parallel_loop3A_542, %parallel_loop3A_543] {strides = array<i32>} : memref<104x32xf32, #tpu.memory_space<vmem>>, vector<1x16xf32>,
          %parallel_loop3A_545 = vector.shape_cast %parallel_loop3A_544 : vector<1x16xf32> to vector<16xf32>
          %parallel_loop3A_546 = arith.addf %parallel_loop3A_490, %parallel_loop3A_545 : vector<16xf32>
          scf.yield %parallel_loop3A_497, %parallel_loop3A_504, %parallel_loop3A_511, %parallel_loop3A_518, %parallel_loop3A_525, %parallel_loop3A_532, %parallel_loop3A_539, %parallel_loop3A_546 : vector<16xf32>, vector<16xf32>, vector<16xf32>, vector<16xf32>, vector<16xf32>, vector<16xf32>, vector<16xf32>, vector<16xf32>
        } {sc.loop_unroll_factor = 2 : i64, sc.parallel_access}
        %add3A_230 = arith.addf %parallel_loop3A_229#0, %parallel_loop3A_229#2 : vector<16xf32>
        %add3A_231 = arith.addf %add3A_230, %parallel_loop3A_229#4 : vector<16xf32>
        %add3A_232 = arith.addf %add3A_231, %parallel_loop3A_229#6 : vector<16xf32>
        %add3A_233 = arith.addf %parallel_loop3A_229#1, %parallel_loop3A_229#3 : vector<16xf32>
        %add3A_234 = arith.addf %add3A_233, %parallel_loop3A_229#5 : vector<16xf32>
        %add3A_235 = arith.addf %add3A_234, %parallel_loop3A_229#7 : vector<16xf32>
        %add3A_236 = arith.constant 4 : i32
        %add3A_237 = arith.addi %add3A_217, %add3A_236 : i32
        %lt3A_238 = arith.constant 128 : i32
        %lt3A_239 = arith.cmpi slt, %add3A_237, %lt3A_238 : i32
        %convert_element_type3A_240 = arith.extui %lt3A_239 : i1 to i32
        %cond3A_241 = arith.constant 0 : i32
        %cond3A_242 = arith.cmpi ne, %convert_element_type3A_240, %cond3A_241 : i32
        scf.if %cond3A_242 {
          %add3A_482 = arith.constant 4 : i32
          %add3A_483 = arith.addi %add3A_217, %add3A_482 : i32
          %dma_start3A_484 = arith.constant 0 : i32
          %dma_start3A_485 = tpu.memref_slice %arg5[%add3A_483, %dma_start3A_484] : memref<128x104xi32, #tpu.memory_space<vmem>> -> memref<1x104xi32, #tpu.memory_space<vmem>>
          %dma_start3A_486 = tpu.memref_squeeze %dma_start3A_485 : memref<1x104xi32, #tpu.memory_space<vmem>> -> memref<104xi32, #tpu.memory_space<vmem>>
          %dma_start3A_487 = arith.constant 0 : i32
          %dma_start3A_488 = arith.constant 0 : i32
          %dma_start3A_489 = tpu.memref_slice %arg3[%dma_start3A_487, %dma_start3A_488] : memref<1000000x32xf32, #tpu.memory_space<hbm>> -> memref<1000000x32xf32, #tpu.memory_space<hbm>>
          tpu.enqueue_indirect_dma source(%dma_start3A_489 : memref<1000000x32xf32, #tpu.memory_space<hbm>>) target(%arg9 : memref<104x32xf32, #tpu.memory_space<vmem>>) offsets(%dma_start3A_486 : memref<104xi32, #tpu.memory_space<vmem>>) semaphore(%arg21 : memref<!tpu.dma_semaphore, #tpu.memory_space<semaphore_mem>>)
        } else {
        }
        %dma_wait3A_243 = arith.constant 0 : i32
        %dma_wait3A_244 = arith.constant 0 : i32
        %dma_wait3A_245 = tpu.memref_slice %arg5[%dma_wait3A_243, %dma_wait3A_244] : memref<128x104xi32, #tpu.memory_space<vmem>> -> memref<1x104xi32, #tpu.memory_space<vmem>>
        %dma_wait3A_246 = tpu.memref_squeeze %dma_wait3A_245 : memref<1x104xi32, #tpu.memory_space<vmem>> -> memref<104xi32, #tpu.memory_space<vmem>>
        %dma_wait3A_247 = arith.constant 0 : i32
        %dma_wait3A_248 = arith.constant 0 : i32
        %dma_wait3A_249 = tpu.memref_slice %arg3[%dma_wait3A_247, %dma_wait3A_248] : memref<1000000x32xf32, #tpu.memory_space<hbm>> -> memref<1000000x32xf32, #tpu.memory_space<hbm>>
        tpu.wait_indirect_dma semaphore(%arg22 : memref<!tpu.dma_semaphore, #tpu.memory_space<semaphore_mem>>) src(%dma_wait3A_249 : memref<1000000x32xf32, #tpu.memory_space<hbm>>) dst(%arg10 : memref<104x32xf32, #tpu.memory_space<vmem>>)
        %broadcast_in_dim3A_250 = arith.constant 0.000000e+00 : f32
        %broadcast_in_dim3A_251 = vector.broadcast %broadcast_in_dim3A_250 : f32 to vector<16xf32>
        %parallel_loop3A_252 = arith.constant 4 : i32
        %parallel_loop3A_253 = arith.constant 104 : i32
        %parallel_loop3A_254 = arith.constant 4 : i32
        %parallel_loop3A_255:8 = scf.for %parallel_loop3A_482 = %parallel_loop3A_252 to %parallel_loop3A_253 step %parallel_loop3A_254 iter_args(%parallel_loop3A_483 = %add3A_232, %parallel_loop3A_484 = %add3A_235, %parallel_loop3A_485 = %broadcast_in_dim3A_251, %parallel_loop3A_486 = %broadcast_in_dim3A_251, %parallel_loop3A_487 = %broadcast_in_dim3A_251, %parallel_loop3A_488 = %broadcast_in_dim3A_251, %parallel_loop3A_489 = %broadcast_in_dim3A_251, %parallel_loop3A_490 = %broadcast_in_dim3A_251) -> (vector<16xf32>, vector<16xf32>, vector<16xf32>, vector<16xf32>, vector<16xf32>, vector<16xf32>, vector<16xf32>, vector<16xf32>)  : i32 {
          %parallel_loop3A_491 = arith.constant 0 : i32
          %parallel_loop3A_492 = arith.addi %parallel_loop3A_482, %parallel_loop3A_491 : i32
          %parallel_loop3A_493 = arith.index_cast %parallel_loop3A_492 : i32 to index
          %parallel_loop3A_494 = arith.constant 0 : index
          %parallel_loop3A_495 = tpu.vector_load %arg10[%parallel_loop3A_493, %parallel_loop3A_494] {strides = array<i32>} : memref<104x32xf32, #tpu.memory_space<vmem>>, vector<1x16xf32>,
          %parallel_loop3A_496 = vector.shape_cast %parallel_loop3A_495 : vector<1x16xf32> to vector<16xf32>
          %parallel_loop3A_497 = arith.addf %parallel_loop3A_483, %parallel_loop3A_496 : vector<16xf32>
          %parallel_loop3A_498 = arith.constant 0 : i32
          %parallel_loop3A_499 = arith.addi %parallel_loop3A_482, %parallel_loop3A_498 : i32
          %parallel_loop3A_500 = arith.index_cast %parallel_loop3A_499 : i32 to index
          %parallel_loop3A_501 = arith.constant 16 : index
          %parallel_loop3A_502 = tpu.vector_load %arg10[%parallel_loop3A_500, %parallel_loop3A_501] {strides = array<i32>} : memref<104x32xf32, #tpu.memory_space<vmem>>, vector<1x16xf32>,
          %parallel_loop3A_503 = vector.shape_cast %parallel_loop3A_502 : vector<1x16xf32> to vector<16xf32>
          %parallel_loop3A_504 = arith.addf %parallel_loop3A_484, %parallel_loop3A_503 : vector<16xf32>
          %parallel_loop3A_505 = arith.constant 1 : i32
          %parallel_loop3A_506 = arith.addi %parallel_loop3A_482, %parallel_loop3A_505 : i32
          %parallel_loop3A_507 = arith.index_cast %parallel_loop3A_506 : i32 to index
          %parallel_loop3A_508 = arith.constant 0 : index
          %parallel_loop3A_509 = tpu.vector_load %arg10[%parallel_loop3A_507, %parallel_loop3A_508] {strides = array<i32>} : memref<104x32xf32, #tpu.memory_space<vmem>>, vector<1x16xf32>,
          %parallel_loop3A_510 = vector.shape_cast %parallel_loop3A_509 : vector<1x16xf32> to vector<16xf32>
          %parallel_loop3A_511 = arith.addf %parallel_loop3A_485, %parallel_loop3A_510 : vector<16xf32>
          %parallel_loop3A_512 = arith.constant 1 : i32
          %parallel_loop3A_513 = arith.addi %parallel_loop3A_482, %parallel_loop3A_512 : i32
          %parallel_loop3A_514 = arith.index_cast %parallel_loop3A_513 : i32 to index
          %parallel_loop3A_515 = arith.constant 16 : index
          %parallel_loop3A_516 = tpu.vector_load %arg10[%parallel_loop3A_514, %parallel_loop3A_515] {strides = array<i32>} : memref<104x32xf32, #tpu.memory_space<vmem>>, vector<1x16xf32>,
          %parallel_loop3A_517 = vector.shape_cast %parallel_loop3A_516 : vector<1x16xf32> to vector<16xf32>
          %parallel_loop3A_518 = arith.addf %parallel_loop3A_486, %parallel_loop3A_517 : vector<16xf32>
          %parallel_loop3A_519 = arith.constant 2 : i32
          %parallel_loop3A_520 = arith.addi %parallel_loop3A_482, %parallel_loop3A_519 : i32
          %parallel_loop3A_521 = arith.index_cast %parallel_loop3A_520 : i32 to index
          %parallel_loop3A_522 = arith.constant 0 : index
          %parallel_loop3A_523 = tpu.vector_load %arg10[%parallel_loop3A_521, %parallel_loop3A_522] {strides = array<i32>} : memref<104x32xf32, #tpu.memory_space<vmem>>, vector<1x16xf32>,
          %parallel_loop3A_524 = vector.shape_cast %parallel_loop3A_523 : vector<1x16xf32> to vector<16xf32>
          %parallel_loop3A_525 = arith.addf %parallel_loop3A_487, %parallel_loop3A_524 : vector<16xf32>
          %parallel_loop3A_526 = arith.constant 2 : i32
          %parallel_loop3A_527 = arith.addi %parallel_loop3A_482, %parallel_loop3A_526 : i32
          %parallel_loop3A_528 = arith.index_cast %parallel_loop3A_527 : i32 to index
          %parallel_loop3A_529 = arith.constant 16 : index
          %parallel_loop3A_530 = tpu.vector_load %arg10[%parallel_loop3A_528, %parallel_loop3A_529] {strides = array<i32>} : memref<104x32xf32, #tpu.memory_space<vmem>>, vector<1x16xf32>,
          %parallel_loop3A_531 = vector.shape_cast %parallel_loop3A_530 : vector<1x16xf32> to vector<16xf32>
          %parallel_loop3A_532 = arith.addf %parallel_loop3A_488, %parallel_loop3A_531 : vector<16xf32>
          %parallel_loop3A_533 = arith.constant 3 : i32
          %parallel_loop3A_534 = arith.addi %parallel_loop3A_482, %parallel_loop3A_533 : i32
          %parallel_loop3A_535 = arith.index_cast %parallel_loop3A_534 : i32 to index
          %parallel_loop3A_536 = arith.constant 0 : index
          %parallel_loop3A_537 = tpu.vector_load %arg10[%parallel_loop3A_535, %parallel_loop3A_536] {strides = array<i32>} : memref<104x32xf32, #tpu.memory_space<vmem>>, vector<1x16xf32>,
          %parallel_loop3A_538 = vector.shape_cast %parallel_loop3A_537 : vector<1x16xf32> to vector<16xf32>
          %parallel_loop3A_539 = arith.addf %parallel_loop3A_489, %parallel_loop3A_538 : vector<16xf32>
          %parallel_loop3A_540 = arith.constant 3 : i32
          %parallel_loop3A_541 = arith.addi %parallel_loop3A_482, %parallel_loop3A_540 : i32
          %parallel_loop3A_542 = arith.index_cast %parallel_loop3A_541 : i32 to index
          %parallel_loop3A_543 = arith.constant 16 : index
          %parallel_loop3A_544 = tpu.vector_load %arg10[%parallel_loop3A_542, %parallel_loop3A_543] {strides = array<i32>} : memref<104x32xf32, #tpu.memory_space<vmem>>, vector<1x16xf32>,
          %parallel_loop3A_545 = vector.shape_cast %parallel_loop3A_544 : vector<1x16xf32> to vector<16xf32>
          %parallel_loop3A_546 = arith.addf %parallel_loop3A_490, %parallel_loop3A_545 : vector<16xf32>
          scf.yield %parallel_loop3A_497, %parallel_loop3A_504, %parallel_loop3A_511, %parallel_loop3A_518, %parallel_loop3A_525, %parallel_loop3A_532, %parallel_loop3A_539, %parallel_loop3A_546 : vector<16xf32>, vector<16xf32>, vector<16xf32>, vector<16xf32>, vector<16xf32>, vector<16xf32>, vector<16xf32>, vector<16xf32>
        } {sc.loop_unroll_factor = 2 : i64, sc.parallel_access}
        %add3A_256 = arith.addf %parallel_loop3A_255#0, %parallel_loop3A_255#2 : vector<16xf32>
        %add3A_257 = arith.addf %add3A_256, %parallel_loop3A_255#4 : vector<16xf32>
        %add3A_258 = arith.addf %add3A_257, %parallel_loop3A_255#6 : vector<16xf32>
        %add3A_259 = arith.addf %parallel_loop3A_255#1, %parallel_loop3A_255#3 : vector<16xf32>
        %add3A_260 = arith.addf %add3A_259, %parallel_loop3A_255#5 : vector<16xf32>
        %add3A_261 = arith.addf %add3A_260, %parallel_loop3A_255#7 : vector<16xf32>
        %add3A_262 = arith.constant 4 : i32
        %add3A_263 = arith.addi %add3A_217, %add3A_262 : i32
        %lt3A_264 = arith.constant 128 : i32
        %lt3A_265 = arith.cmpi slt, %add3A_263, %lt3A_264 : i32
        %convert_element_type3A_266 = arith.extui %lt3A_265 : i1 to i32
        %cond3A_267 = arith.constant 0 : i32
        %cond3A_268 = arith.cmpi ne, %convert_element_type3A_266, %cond3A_267 : i32
        scf.if %cond3A_268 {
          %add3A_482 = arith.constant 4 : i32
          %add3A_483 = arith.addi %add3A_217, %add3A_482 : i32
          %dma_start3A_484 = arith.constant 0 : i32
          %dma_start3A_485 = tpu.memref_slice %arg6[%add3A_483, %dma_start3A_484] : memref<128x104xi32, #tpu.memory_space<vmem>> -> memref<1x104xi32, #tpu.memory_space<vmem>>
          %dma_start3A_486 = tpu.memref_squeeze %dma_start3A_485 : memref<1x104xi32, #tpu.memory_space<vmem>> -> memref<104xi32, #tpu.memory_space<vmem>>
          %dma_start3A_487 = arith.constant 0 : i32
          %dma_start3A_488 = arith.constant 0 : i32
          %dma_start3A_489 = tpu.memref_slice %arg3[%dma_start3A_487, %dma_start3A_488] : memref<1000000x32xf32, #tpu.memory_space<hbm>> -> memref<1000000x32xf32, #tpu.memory_space<hbm>>
          tpu.enqueue_indirect_dma source(%dma_start3A_489 : memref<1000000x32xf32, #tpu.memory_space<hbm>>) target(%arg10 : memref<104x32xf32, #tpu.memory_space<vmem>>) offsets(%dma_start3A_486 : memref<104xi32, #tpu.memory_space<vmem>>) semaphore(%arg22 : memref<!tpu.dma_semaphore, #tpu.memory_space<semaphore_mem>>)
        } else {
        }
        %swap3A = arith.index_cast %add3A_217 : i32 to index
        %swap3A_269 = arith.constant 0 : index
        %swap3A_270 = tpu.vector_load %arg17[%swap3A, %swap3A_269] {strides = array<i32>} : memref<128x32xf32, #tpu.memory_space<vmem>>, vector<1x16xf32>,
        %swap3A_271 = vector.shape_cast %swap3A_270 : vector<1x16xf32> to vector<16xf32>
        %swap3A_272 = vector.shape_cast %add3A_258 : vector<16xf32> to vector<1x16xf32>
        tpu.vector_store %arg17[%swap3A, %swap3A_269], %swap3A_272 {strides = array<i32>} : memref<128x32xf32, #tpu.memory_space<vmem>>, vector<1x16xf32>,
        %swap3A_273 = arith.index_cast %add3A_217 : i32 to index
        %swap3A_274 = arith.constant 16 : index
        %swap3A_275 = tpu.vector_load %arg17[%swap3A_273, %swap3A_274] {strides = array<i32>} : memref<128x32xf32, #tpu.memory_space<vmem>>, vector<1x16xf32>,
        %swap3A_276 = vector.shape_cast %swap3A_275 : vector<1x16xf32> to vector<16xf32>
        %swap3A_277 = vector.shape_cast %add3A_261 : vector<16xf32> to vector<1x16xf32>
        tpu.vector_store %arg17[%swap3A_273, %swap3A_274], %swap3A_277 {strides = array<i32>} : memref<128x32xf32, #tpu.memory_space<vmem>>, vector<1x16xf32>,
        %broadcast_in_dim3A_278 = arith.constant 0.000000e+00 : f32
        %broadcast_in_dim3A_279 = vector.broadcast %broadcast_in_dim3A_278 : f32 to vector<16xf32>
        %mul3A_280 = arith.constant 4 : i32
        %mul3A_281 = arith.muli %mul3A_280, %scan3A_212 : i32
        %add3A_282 = arith.constant 1 : i32
        %add3A_283 = arith.addi %mul3A_281, %add3A_282 : i32
        %dma_wait3A_284 = arith.constant 0 : i32
        %dma_wait3A_285 = arith.constant 0 : i32
        %dma_wait3A_286 = tpu.memref_slice %arg5[%dma_wait3A_284, %dma_wait3A_285] : memref<128x104xi32, #tpu.memory_space<vmem>> -> memref<1x104xi32, #tpu.memory_space<vmem>>
        %dma_wait3A_287 = tpu.memref_squeeze %dma_wait3A_286 : memref<1x104xi32, #tpu.memory_space<vmem>> -> memref<104xi32, #tpu.memory_space<vmem>>
        %dma_wait3A_288 = arith.constant 0 : i32
        %dma_wait3A_289 = arith.constant 0 : i32
        %dma_wait3A_290 = tpu.memref_slice %arg3[%dma_wait3A_288, %dma_wait3A_289] : memref<1000000x32xf32, #tpu.memory_space<hbm>> -> memref<1000000x32xf32, #tpu.memory_space<hbm>>
        tpu.wait_indirect_dma semaphore(%arg23 : memref<!tpu.dma_semaphore, #tpu.memory_space<semaphore_mem>>) src(%dma_wait3A_290 : memref<1000000x32xf32, #tpu.memory_space<hbm>>) dst(%arg11 : memref<104x32xf32, #tpu.memory_space<vmem>>)
        %broadcast_in_dim3A_291 = arith.constant 0.000000e+00 : f32
        %broadcast_in_dim3A_292 = vector.broadcast %broadcast_in_dim3A_291 : f32 to vector<16xf32>
        %parallel_loop3A_293 = arith.constant 0 : i32
        %parallel_loop3A_294 = arith.constant 100 : i32
        %parallel_loop3A_295 = arith.constant 4 : i32
        %parallel_loop3A_296:8 = scf.for %parallel_loop3A_482 = %parallel_loop3A_293 to %parallel_loop3A_294 step %parallel_loop3A_295 iter_args(%parallel_loop3A_483 = %broadcast_in_dim3A_279, %parallel_loop3A_484 = %broadcast_in_dim3A_279, %parallel_loop3A_485 = %broadcast_in_dim3A_292, %parallel_loop3A_486 = %broadcast_in_dim3A_292, %parallel_loop3A_487 = %broadcast_in_dim3A_292, %parallel_loop3A_488 = %broadcast_in_dim3A_292, %parallel_loop3A_489 = %broadcast_in_dim3A_292, %parallel_loop3A_490 = %broadcast_in_dim3A_292) -> (vector<16xf32>, vector<16xf32>, vector<16xf32>, vector<16xf32>, vector<16xf32>, vector<16xf32>, vector<16xf32>, vector<16xf32>)  : i32 {
          %parallel_loop3A_491 = arith.constant 0 : i32
          %parallel_loop3A_492 = arith.addi %parallel_loop3A_482, %parallel_loop3A_491 : i32
          %parallel_loop3A_493 = arith.index_cast %parallel_loop3A_492 : i32 to index
          %parallel_loop3A_494 = arith.constant 0 : index
          %parallel_loop3A_495 = tpu.vector_load %arg11[%parallel_loop3A_493, %parallel_loop3A_494] {strides = array<i32>} : memref<104x32xf32, #tpu.memory_space<vmem>>, vector<1x16xf32>,
          %parallel_loop3A_496 = vector.shape_cast %parallel_loop3A_495 : vector<1x16xf32> to vector<16xf32>
          %parallel_loop3A_497 = arith.addf %parallel_loop3A_483, %parallel_loop3A_496 : vector<16xf32>
          %parallel_loop3A_498 = arith.constant 0 : i32
          %parallel_loop3A_499 = arith.addi %parallel_loop3A_482, %parallel_loop3A_498 : i32
          %parallel_loop3A_500 = arith.index_cast %parallel_loop3A_499 : i32 to index
          %parallel_loop3A_501 = arith.constant 16 : index
          %parallel_loop3A_502 = tpu.vector_load %arg11[%parallel_loop3A_500, %parallel_loop3A_501] {strides = array<i32>} : memref<104x32xf32, #tpu.memory_space<vmem>>, vector<1x16xf32>,
          %parallel_loop3A_503 = vector.shape_cast %parallel_loop3A_502 : vector<1x16xf32> to vector<16xf32>
          %parallel_loop3A_504 = arith.addf %parallel_loop3A_484, %parallel_loop3A_503 : vector<16xf32>
          %parallel_loop3A_505 = arith.constant 1 : i32
          %parallel_loop3A_506 = arith.addi %parallel_loop3A_482, %parallel_loop3A_505 : i32
          %parallel_loop3A_507 = arith.index_cast %parallel_loop3A_506 : i32 to index
          %parallel_loop3A_508 = arith.constant 0 : index
          %parallel_loop3A_509 = tpu.vector_load %arg11[%parallel_loop3A_507, %parallel_loop3A_508] {strides = array<i32>} : memref<104x32xf32, #tpu.memory_space<vmem>>, vector<1x16xf32>,
          %parallel_loop3A_510 = vector.shape_cast %parallel_loop3A_509 : vector<1x16xf32> to vector<16xf32>
          %parallel_loop3A_511 = arith.addf %parallel_loop3A_485, %parallel_loop3A_510 : vector<16xf32>
          %parallel_loop3A_512 = arith.constant 1 : i32
          %parallel_loop3A_513 = arith.addi %parallel_loop3A_482, %parallel_loop3A_512 : i32
          %parallel_loop3A_514 = arith.index_cast %parallel_loop3A_513 : i32 to index
          %parallel_loop3A_515 = arith.constant 16 : index
          %parallel_loop3A_516 = tpu.vector_load %arg11[%parallel_loop3A_514, %parallel_loop3A_515] {strides = array<i32>} : memref<104x32xf32, #tpu.memory_space<vmem>>, vector<1x16xf32>,
          %parallel_loop3A_517 = vector.shape_cast %parallel_loop3A_516 : vector<1x16xf32> to vector<16xf32>
          %parallel_loop3A_518 = arith.addf %parallel_loop3A_486, %parallel_loop3A_517 : vector<16xf32>
          %parallel_loop3A_519 = arith.constant 2 : i32
          %parallel_loop3A_520 = arith.addi %parallel_loop3A_482, %parallel_loop3A_519 : i32
          %parallel_loop3A_521 = arith.index_cast %parallel_loop3A_520 : i32 to index
          %parallel_loop3A_522 = arith.constant 0 : index
          %parallel_loop3A_523 = tpu.vector_load %arg11[%parallel_loop3A_521, %parallel_loop3A_522] {strides = array<i32>} : memref<104x32xf32, #tpu.memory_space<vmem>>, vector<1x16xf32>,
          %parallel_loop3A_524 = vector.shape_cast %parallel_loop3A_523 : vector<1x16xf32> to vector<16xf32>
          %parallel_loop3A_525 = arith.addf %parallel_loop3A_487, %parallel_loop3A_524 : vector<16xf32>
          %parallel_loop3A_526 = arith.constant 2 : i32
          %parallel_loop3A_527 = arith.addi %parallel_loop3A_482, %parallel_loop3A_526 : i32
          %parallel_loop3A_528 = arith.index_cast %parallel_loop3A_527 : i32 to index
          %parallel_loop3A_529 = arith.constant 16 : index
          %parallel_loop3A_530 = tpu.vector_load %arg11[%parallel_loop3A_528, %parallel_loop3A_529] {strides = array<i32>} : memref<104x32xf32, #tpu.memory_space<vmem>>, vector<1x16xf32>,
          %parallel_loop3A_531 = vector.shape_cast %parallel_loop3A_530 : vector<1x16xf32> to vector<16xf32>
          %parallel_loop3A_532 = arith.addf %parallel_loop3A_488, %parallel_loop3A_531 : vector<16xf32>
          %parallel_loop3A_533 = arith.constant 3 : i32
          %parallel_loop3A_534 = arith.addi %parallel_loop3A_482, %parallel_loop3A_533 : i32
          %parallel_loop3A_535 = arith.index_cast %parallel_loop3A_534 : i32 to index
          %parallel_loop3A_536 = arith.constant 0 : index
          %parallel_loop3A_537 = tpu.vector_load %arg11[%parallel_loop3A_535, %parallel_loop3A_536] {strides = array<i32>} : memref<104x32xf32, #tpu.memory_space<vmem>>, vector<1x16xf32>,
          %parallel_loop3A_538 = vector.shape_cast %parallel_loop3A_537 : vector<1x16xf32> to vector<16xf32>
          %parallel_loop3A_539 = arith.addf %parallel_loop3A_489, %parallel_loop3A_538 : vector<16xf32>
          %parallel_loop3A_540 = arith.constant 3 : i32
          %parallel_loop3A_541 = arith.addi %parallel_loop3A_482, %parallel_loop3A_540 : i32
          %parallel_loop3A_542 = arith.index_cast %parallel_loop3A_541 : i32 to index
          %parallel_loop3A_543 = arith.constant 16 : index
          %parallel_loop3A_544 = tpu.vector_load %arg11[%parallel_loop3A_542, %parallel_loop3A_543] {strides = array<i32>} : memref<104x32xf32, #tpu.memory_space<vmem>>, vector<1x16xf32>,
          %parallel_loop3A_545 = vector.shape_cast %parallel_loop3A_544 : vector<1x16xf32> to vector<16xf32>
          %parallel_loop3A_546 = arith.addf %parallel_loop3A_490, %parallel_loop3A_545 : vector<16xf32>
          scf.yield %parallel_loop3A_497, %parallel_loop3A_504, %parallel_loop3A_511, %parallel_loop3A_518, %parallel_loop3A_525, %parallel_loop3A_532, %parallel_loop3A_539, %parallel_loop3A_546 : vector<16xf32>, vector<16xf32>, vector<16xf32>, vector<16xf32>, vector<16xf32>, vector<16xf32>, vector<16xf32>, vector<16xf32>
        } {sc.loop_unroll_factor = 2 : i64, sc.parallel_access}
        %add3A_297 = arith.addf %parallel_loop3A_296#0, %parallel_loop3A_296#2 : vector<16xf32>
        %add3A_298 = arith.addf %add3A_297, %parallel_loop3A_296#4 : vector<16xf32>
        %add3A_299 = arith.addf %add3A_298, %parallel_loop3A_296#6 : vector<16xf32>
        %add3A_300 = arith.addf %parallel_loop3A_296#1, %parallel_loop3A_296#3 : vector<16xf32>
        %add3A_301 = arith.addf %add3A_300, %parallel_loop3A_296#5 : vector<16xf32>
        %add3A_302 = arith.addf %add3A_301, %parallel_loop3A_296#7 : vector<16xf32>
        %add3A_303 = arith.constant 4 : i32
        %add3A_304 = arith.addi %add3A_283, %add3A_303 : i32
        %lt3A_305 = arith.constant 128 : i32
        %lt3A_306 = arith.cmpi slt, %add3A_304, %lt3A_305 : i32
        %convert_element_type3A_307 = arith.extui %lt3A_306 : i1 to i32
        %cond3A_308 = arith.constant 0 : i32
        %cond3A_309 = arith.cmpi ne, %convert_element_type3A_307, %cond3A_308 : i32
        scf.if %cond3A_309 {
          %add3A_482 = arith.constant 4 : i32
          %add3A_483 = arith.addi %add3A_283, %add3A_482 : i32
          %dma_start3A_484 = arith.constant 0 : i32
          %dma_start3A_485 = tpu.memref_slice %arg5[%add3A_483, %dma_start3A_484] : memref<128x104xi32, #tpu.memory_space<vmem>> -> memref<1x104xi32, #tpu.memory_space<vmem>>
          %dma_start3A_486 = tpu.memref_squeeze %dma_start3A_485 : memref<1x104xi32, #tpu.memory_space<vmem>> -> memref<104xi32, #tpu.memory_space<vmem>>
          %dma_start3A_487 = arith.constant 0 : i32
          %dma_start3A_488 = arith.constant 0 : i32
          %dma_start3A_489 = tpu.memref_slice %arg3[%dma_start3A_487, %dma_start3A_488] : memref<1000000x32xf32, #tpu.memory_space<hbm>> -> memref<1000000x32xf32, #tpu.memory_space<hbm>>
          tpu.enqueue_indirect_dma source(%dma_start3A_489 : memref<1000000x32xf32, #tpu.memory_space<hbm>>) target(%arg11 : memref<104x32xf32, #tpu.memory_space<vmem>>) offsets(%dma_start3A_486 : memref<104xi32, #tpu.memory_space<vmem>>) semaphore(%arg23 : memref<!tpu.dma_semaphore, #tpu.memory_space<semaphore_mem>>)
        } else {
        }
        %dma_wait3A_310 = arith.constant 0 : i32
        %dma_wait3A_311 = arith.constant 0 : i32
        %dma_wait3A_312 = tpu.memref_slice %arg5[%dma_wait3A_310, %dma_wait3A_311] : memref<128x104xi32, #tpu.memory_space<vmem>> -> memref<1x104xi32, #tpu.memory_space<vmem>>
        %dma_wait3A_313 = tpu.memref_squeeze %dma_wait3A_312 : memref<1x104xi32, #tpu.memory_space<vmem>> -> memref<104xi32, #tpu.memory_space<vmem>>
        %dma_wait3A_314 = arith.constant 0 : i32
        %dma_wait3A_315 = arith.constant 0 : i32
        %dma_wait3A_316 = tpu.memref_slice %arg3[%dma_wait3A_314, %dma_wait3A_315] : memref<1000000x32xf32, #tpu.memory_space<hbm>> -> memref<1000000x32xf32, #tpu.memory_space<hbm>>
        tpu.wait_indirect_dma semaphore(%arg24 : memref<!tpu.dma_semaphore, #tpu.memory_space<semaphore_mem>>) src(%dma_wait3A_316 : memref<1000000x32xf32, #tpu.memory_space<hbm>>) dst(%arg12 : memref<104x32xf32, #tpu.memory_space<vmem>>)
        %broadcast_in_dim3A_317 = arith.constant 0.000000e+00 : f32
        %broadcast_in_dim3A_318 = vector.broadcast %broadcast_in_dim3A_317 : f32 to vector<16xf32>
        %parallel_loop3A_319 = arith.constant 4 : i32
        %parallel_loop3A_320 = arith.constant 104 : i32
        %parallel_loop3A_321 = arith.constant 4 : i32
        %parallel_loop3A_322:8 = scf.for %parallel_loop3A_482 = %parallel_loop3A_319 to %parallel_loop3A_320 step %parallel_loop3A_321 iter_args(%parallel_loop3A_483 = %add3A_299, %parallel_loop3A_484 = %add3A_302, %parallel_loop3A_485 = %broadcast_in_dim3A_318, %parallel_loop3A_486 = %broadcast_in_dim3A_318, %parallel_loop3A_487 = %broadcast_in_dim3A_318, %parallel_loop3A_488 = %broadcast_in_dim3A_318, %parallel_loop3A_489 = %broadcast_in_dim3A_318, %parallel_loop3A_490 = %broadcast_in_dim3A_318) -> (vector<16xf32>, vector<16xf32>, vector<16xf32>, vector<16xf32>, vector<16xf32>, vector<16xf32>, vector<16xf32>, vector<16xf32>)  : i32 {
          %parallel_loop3A_491 = arith.constant 0 : i32
          %parallel_loop3A_492 = arith.addi %parallel_loop3A_482, %parallel_loop3A_491 : i32
          %parallel_loop3A_493 = arith.index_cast %parallel_loop3A_492 : i32 to index
          %parallel_loop3A_494 = arith.constant 0 : index
          %parallel_loop3A_495 = tpu.vector_load %arg12[%parallel_loop3A_493, %parallel_loop3A_494] {strides = array<i32>} : memref<104x32xf32, #tpu.memory_space<vmem>>, vector<1x16xf32>,
          %parallel_loop3A_496 = vector.shape_cast %parallel_loop3A_495 : vector<1x16xf32> to vector<16xf32>
          %parallel_loop3A_497 = arith.addf %parallel_loop3A_483, %parallel_loop3A_496 : vector<16xf32>
          %parallel_loop3A_498 = arith.constant 0 : i32
          %parallel_loop3A_499 = arith.addi %parallel_loop3A_482, %parallel_loop3A_498 : i32
          %parallel_loop3A_500 = arith.index_cast %parallel_loop3A_499 : i32 to index
          %parallel_loop3A_501 = arith.constant 16 : index
          %parallel_loop3A_502 = tpu.vector_load %arg12[%parallel_loop3A_500, %parallel_loop3A_501] {strides = array<i32>} : memref<104x32xf32, #tpu.memory_space<vmem>>, vector<1x16xf32>,
          %parallel_loop3A_503 = vector.shape_cast %parallel_loop3A_502 : vector<1x16xf32> to vector<16xf32>
          %parallel_loop3A_504 = arith.addf %parallel_loop3A_484, %parallel_loop3A_503 : vector<16xf32>
          %parallel_loop3A_505 = arith.constant 1 : i32
          %parallel_loop3A_506 = arith.addi %parallel_loop3A_482, %parallel_loop3A_505 : i32
          %parallel_loop3A_507 = arith.index_cast %parallel_loop3A_506 : i32 to index
          %parallel_loop3A_508 = arith.constant 0 : index
          %parallel_loop3A_509 = tpu.vector_load %arg12[%parallel_loop3A_507, %parallel_loop3A_508] {strides = array<i32>} : memref<104x32xf32, #tpu.memory_space<vmem>>, vector<1x16xf32>,
          %parallel_loop3A_510 = vector.shape_cast %parallel_loop3A_509 : vector<1x16xf32> to vector<16xf32>
          %parallel_loop3A_511 = arith.addf %parallel_loop3A_485, %parallel_loop3A_510 : vector<16xf32>
          %parallel_loop3A_512 = arith.constant 1 : i32
          %parallel_loop3A_513 = arith.addi %parallel_loop3A_482, %parallel_loop3A_512 : i32
          %parallel_loop3A_514 = arith.index_cast %parallel_loop3A_513 : i32 to index
          %parallel_loop3A_515 = arith.constant 16 : index
          %parallel_loop3A_516 = tpu.vector_load %arg12[%parallel_loop3A_514, %parallel_loop3A_515] {strides = array<i32>} : memref<104x32xf32, #tpu.memory_space<vmem>>, vector<1x16xf32>,
          %parallel_loop3A_517 = vector.shape_cast %parallel_loop3A_516 : vector<1x16xf32> to vector<16xf32>
          %parallel_loop3A_518 = arith.addf %parallel_loop3A_486, %parallel_loop3A_517 : vector<16xf32>
          %parallel_loop3A_519 = arith.constant 2 : i32
          %parallel_loop3A_520 = arith.addi %parallel_loop3A_482, %parallel_loop3A_519 : i32
          %parallel_loop3A_521 = arith.index_cast %parallel_loop3A_520 : i32 to index
          %parallel_loop3A_522 = arith.constant 0 : index
          %parallel_loop3A_523 = tpu.vector_load %arg12[%parallel_loop3A_521, %parallel_loop3A_522] {strides = array<i32>} : memref<104x32xf32, #tpu.memory_space<vmem>>, vector<1x16xf32>,
          %parallel_loop3A_524 = vector.shape_cast %parallel_loop3A_523 : vector<1x16xf32> to vector<16xf32>
          %parallel_loop3A_525 = arith.addf %parallel_loop3A_487, %parallel_loop3A_524 : vector<16xf32>
          %parallel_loop3A_526 = arith.constant 2 : i32
          %parallel_loop3A_527 = arith.addi %parallel_loop3A_482, %parallel_loop3A_526 : i32
          %parallel_loop3A_528 = arith.index_cast %parallel_loop3A_527 : i32 to index
          %parallel_loop3A_529 = arith.constant 16 : index
          %parallel_loop3A_530 = tpu.vector_load %arg12[%parallel_loop3A_528, %parallel_loop3A_529] {strides = array<i32>} : memref<104x32xf32, #tpu.memory_space<vmem>>, vector<1x16xf32>,
          %parallel_loop3A_531 = vector.shape_cast %parallel_loop3A_530 : vector<1x16xf32> to vector<16xf32>
          %parallel_loop3A_532 = arith.addf %parallel_loop3A_488, %parallel_loop3A_531 : vector<16xf32>
          %parallel_loop3A_533 = arith.constant 3 : i32
          %parallel_loop3A_534 = arith.addi %parallel_loop3A_482, %parallel_loop3A_533 : i32
          %parallel_loop3A_535 = arith.index_cast %parallel_loop3A_534 : i32 to index
          %parallel_loop3A_536 = arith.constant 0 : index
          %parallel_loop3A_537 = tpu.vector_load %arg12[%parallel_loop3A_535, %parallel_loop3A_536] {strides = array<i32>} : memref<104x32xf32, #tpu.memory_space<vmem>>, vector<1x16xf32>,
          %parallel_loop3A_538 = vector.shape_cast %parallel_loop3A_537 : vector<1x16xf32> to vector<16xf32>
          %parallel_loop3A_539 = arith.addf %parallel_loop3A_489, %parallel_loop3A_538 : vector<16xf32>
          %parallel_loop3A_540 = arith.constant 3 : i32
          %parallel_loop3A_541 = arith.addi %parallel_loop3A_482, %parallel_loop3A_540 : i32
          %parallel_loop3A_542 = arith.index_cast %parallel_loop3A_541 : i32 to index
          %parallel_loop3A_543 = arith.constant 16 : index
          %parallel_loop3A_544 = tpu.vector_load %arg12[%parallel_loop3A_542, %parallel_loop3A_543] {strides = array<i32>} : memref<104x32xf32, #tpu.memory_space<vmem>>, vector<1x16xf32>,
          %parallel_loop3A_545 = vector.shape_cast %parallel_loop3A_544 : vector<1x16xf32> to vector<16xf32>
          %parallel_loop3A_546 = arith.addf %parallel_loop3A_490, %parallel_loop3A_545 : vector<16xf32>
          scf.yield %parallel_loop3A_497, %parallel_loop3A_504, %parallel_loop3A_511, %parallel_loop3A_518, %parallel_loop3A_525, %parallel_loop3A_532, %parallel_loop3A_539, %parallel_loop3A_546 : vector<16xf32>, vector<16xf32>, vector<16xf32>, vector<16xf32>, vector<16xf32>, vector<16xf32>, vector<16xf32>, vector<16xf32>
        } {sc.loop_unroll_factor = 2 : i64, sc.parallel_access}
        %add3A_323 = arith.addf %parallel_loop3A_322#0, %parallel_loop3A_322#2 : vector<16xf32>
        %add3A_324 = arith.addf %add3A_323, %parallel_loop3A_322#4 : vector<16xf32>
        %add3A_325 = arith.addf %add3A_324, %parallel_loop3A_322#6 : vector<16xf32>
        %add3A_326 = arith.addf %parallel_loop3A_322#1, %parallel_loop3A_322#3 : vector<16xf32>
        %add3A_327 = arith.addf %add3A_326, %parallel_loop3A_322#5 : vector<16xf32>
        %add3A_328 = arith.addf %add3A_327, %parallel_loop3A_322#7 : vector<16xf32>
        %add3A_329 = arith.constant 4 : i32
        %add3A_330 = arith.addi %add3A_283, %add3A_329 : i32
        %lt3A_331 = arith.constant 128 : i32
        %lt3A_332 = arith.cmpi slt, %add3A_330, %lt3A_331 : i32
        %convert_element_type3A_333 = arith.extui %lt3A_332 : i1 to i32
        %cond3A_334 = arith.constant 0 : i32
        %cond3A_335 = arith.cmpi ne, %convert_element_type3A_333, %cond3A_334 : i32
        scf.if %cond3A_335 {
          %add3A_482 = arith.constant 4 : i32
          %add3A_483 = arith.addi %add3A_283, %add3A_482 : i32
          %dma_start3A_484 = arith.constant 0 : i32
          %dma_start3A_485 = tpu.memref_slice %arg6[%add3A_483, %dma_start3A_484] : memref<128x104xi32, #tpu.memory_space<vmem>> -> memref<1x104xi32, #tpu.memory_space<vmem>>
          %dma_start3A_486 = tpu.memref_squeeze %dma_start3A_485 : memref<1x104xi32, #tpu.memory_space<vmem>> -> memref<104xi32, #tpu.memory_space<vmem>>
          %dma_start3A_487 = arith.constant 0 : i32
          %dma_start3A_488 = arith.constant 0 : i32
          %dma_start3A_489 = tpu.memref_slice %arg3[%dma_start3A_487, %dma_start3A_488] : memref<1000000x32xf32, #tpu.memory_space<hbm>> -> memref<1000000x32xf32, #tpu.memory_space<hbm>>
          tpu.enqueue_indirect_dma source(%dma_start3A_489 : memref<1000000x32xf32, #tpu.memory_space<hbm>>) target(%arg12 : memref<104x32xf32, #tpu.memory_space<vmem>>) offsets(%dma_start3A_486 : memref<104xi32, #tpu.memory_space<vmem>>) semaphore(%arg24 : memref<!tpu.dma_semaphore, #tpu.memory_space<semaphore_mem>>)
        } else {
        }
        %swap3A_336 = arith.index_cast %add3A_283 : i32 to index
        %swap3A_337 = arith.constant 0 : index
        %swap3A_338 = tpu.vector_load %arg17[%swap3A_336, %swap3A_337] {strides = array<i32>} : memref<128x32xf32, #tpu.memory_space<vmem>>, vector<1x16xf32>,
        %swap3A_339 = vector.shape_cast %swap3A_338 : vector<1x16xf32> to vector<16xf32>
        %swap3A_340 = vector.shape_cast %add3A_325 : vector<16xf32> to vector<1x16xf32>
        tpu.vector_store %arg17[%swap3A_336, %swap3A_337], %swap3A_340 {strides = array<i32>} : memref<128x32xf32, #tpu.memory_space<vmem>>, vector<1x16xf32>,
        %swap3A_341 = arith.index_cast %add3A_283 : i32 to index
        %swap3A_342 = arith.constant 16 : index
        %swap3A_343 = tpu.vector_load %arg17[%swap3A_341, %swap3A_342] {strides = array<i32>} : memref<128x32xf32, #tpu.memory_space<vmem>>, vector<1x16xf32>,
        %swap3A_344 = vector.shape_cast %swap3A_343 : vector<1x16xf32> to vector<16xf32>
        %swap3A_345 = vector.shape_cast %add3A_328 : vector<16xf32> to vector<1x16xf32>
        tpu.vector_store %arg17[%swap3A_341, %swap3A_342], %swap3A_345 {strides = array<i32>} : memref<128x32xf32, #tpu.memory_space<vmem>>, vector<1x16xf32>,
        %broadcast_in_dim3A_346 = arith.constant 0.000000e+00 : f32
        %broadcast_in_dim3A_347 = vector.broadcast %broadcast_in_dim3A_346 : f32 to vector<16xf32>
        %mul3A_348 = arith.constant 4 : i32
        %mul3A_349 = arith.muli %mul3A_348, %scan3A_212 : i32
        %add3A_350 = arith.constant 2 : i32
        %add3A_351 = arith.addi %mul3A_349, %add3A_350 : i32
        %dma_wait3A_352 = arith.constant 0 : i32
        %dma_wait3A_353 = arith.constant 0 : i32
        %dma_wait3A_354 = tpu.memref_slice %arg5[%dma_wait3A_352, %dma_wait3A_353] : memref<128x104xi32, #tpu.memory_space<vmem>> -> memref<1x104xi32, #tpu.memory_space<vmem>>
        %dma_wait3A_355 = tpu.memref_squeeze %dma_wait3A_354 : memref<1x104xi32, #tpu.memory_space<vmem>> -> memref<104xi32, #tpu.memory_space<vmem>>
        %dma_wait3A_356 = arith.constant 0 : i32
        %dma_wait3A_357 = arith.constant 0 : i32
        %dma_wait3A_358 = tpu.memref_slice %arg3[%dma_wait3A_356, %dma_wait3A_357] : memref<1000000x32xf32, #tpu.memory_space<hbm>> -> memref<1000000x32xf32, #tpu.memory_space<hbm>>
        tpu.wait_indirect_dma semaphore(%arg25 : memref<!tpu.dma_semaphore, #tpu.memory_space<semaphore_mem>>) src(%dma_wait3A_358 : memref<1000000x32xf32, #tpu.memory_space<hbm>>) dst(%arg13 : memref<104x32xf32, #tpu.memory_space<vmem>>)
        %broadcast_in_dim3A_359 = arith.constant 0.000000e+00 : f32
        %broadcast_in_dim3A_360 = vector.broadcast %broadcast_in_dim3A_359 : f32 to vector<16xf32>
        %parallel_loop3A_361 = arith.constant 0 : i32
        %parallel_loop3A_362 = arith.constant 100 : i32
        %parallel_loop3A_363 = arith.constant 4 : i32
        %parallel_loop3A_364:8 = scf.for %parallel_loop3A_482 = %parallel_loop3A_361 to %parallel_loop3A_362 step %parallel_loop3A_363 iter_args(%parallel_loop3A_483 = %broadcast_in_dim3A_347, %parallel_loop3A_484 = %broadcast_in_dim3A_347, %parallel_loop3A_485 = %broadcast_in_dim3A_360, %parallel_loop3A_486 = %broadcast_in_dim3A_360, %parallel_loop3A_487 = %broadcast_in_dim3A_360, %parallel_loop3A_488 = %broadcast_in_dim3A_360, %parallel_loop3A_489 = %broadcast_in_dim3A_360, %parallel_loop3A_490 = %broadcast_in_dim3A_360) -> (vector<16xf32>, vector<16xf32>, vector<16xf32>, vector<16xf32>, vector<16xf32>, vector<16xf32>, vector<16xf32>, vector<16xf32>)  : i32 {
          %parallel_loop3A_491 = arith.constant 0 : i32
          %parallel_loop3A_492 = arith.addi %parallel_loop3A_482, %parallel_loop3A_491 : i32
          %parallel_loop3A_493 = arith.index_cast %parallel_loop3A_492 : i32 to index
          %parallel_loop3A_494 = arith.constant 0 : index
          %parallel_loop3A_495 = tpu.vector_load %arg13[%parallel_loop3A_493, %parallel_loop3A_494] {strides = array<i32>} : memref<104x32xf32, #tpu.memory_space<vmem>>, vector<1x16xf32>,
          %parallel_loop3A_496 = vector.shape_cast %parallel_loop3A_495 : vector<1x16xf32> to vector<16xf32>
          %parallel_loop3A_497 = arith.addf %parallel_loop3A_483, %parallel_loop3A_496 : vector<16xf32>
          %parallel_loop3A_498 = arith.constant 0 : i32
          %parallel_loop3A_499 = arith.addi %parallel_loop3A_482, %parallel_loop3A_498 : i32
          %parallel_loop3A_500 = arith.index_cast %parallel_loop3A_499 : i32 to index
          %parallel_loop3A_501 = arith.constant 16 : index
          %parallel_loop3A_502 = tpu.vector_load %arg13[%parallel_loop3A_500, %parallel_loop3A_501] {strides = array<i32>} : memref<104x32xf32, #tpu.memory_space<vmem>>, vector<1x16xf32>,
          %parallel_loop3A_503 = vector.shape_cast %parallel_loop3A_502 : vector<1x16xf32> to vector<16xf32>
          %parallel_loop3A_504 = arith.addf %parallel_loop3A_484, %parallel_loop3A_503 : vector<16xf32>
          %parallel_loop3A_505 = arith.constant 1 : i32
          %parallel_loop3A_506 = arith.addi %parallel_loop3A_482, %parallel_loop3A_505 : i32
          %parallel_loop3A_507 = arith.index_cast %parallel_loop3A_506 : i32 to index
          %parallel_loop3A_508 = arith.constant 0 : index
          %parallel_loop3A_509 = tpu.vector_load %arg13[%parallel_loop3A_507, %parallel_loop3A_508] {strides = array<i32>} : memref<104x32xf32, #tpu.memory_space<vmem>>, vector<1x16xf32>,
          %parallel_loop3A_510 = vector.shape_cast %parallel_loop3A_509 : vector<1x16xf32> to vector<16xf32>
          %parallel_loop3A_511 = arith.addf %parallel_loop3A_485, %parallel_loop3A_510 : vector<16xf32>
          %parallel_loop3A_512 = arith.constant 1 : i32
          %parallel_loop3A_513 = arith.addi %parallel_loop3A_482, %parallel_loop3A_512 : i32
          %parallel_loop3A_514 = arith.index_cast %parallel_loop3A_513 : i32 to index
          %parallel_loop3A_515 = arith.constant 16 : index
          %parallel_loop3A_516 = tpu.vector_load %arg13[%parallel_loop3A_514, %parallel_loop3A_515] {strides = array<i32>} : memref<104x32xf32, #tpu.memory_space<vmem>>, vector<1x16xf32>,
          %parallel_loop3A_517 = vector.shape_cast %parallel_loop3A_516 : vector<1x16xf32> to vector<16xf32>
          %parallel_loop3A_518 = arith.addf %parallel_loop3A_486, %parallel_loop3A_517 : vector<16xf32>
          %parallel_loop3A_519 = arith.constant 2 : i32
          %parallel_loop3A_520 = arith.addi %parallel_loop3A_482, %parallel_loop3A_519 : i32
          %parallel_loop3A_521 = arith.index_cast %parallel_loop3A_520 : i32 to index
          %parallel_loop3A_522 = arith.constant 0 : index
          %parallel_loop3A_523 = tpu.vector_load %arg13[%parallel_loop3A_521, %parallel_loop3A_522] {strides = array<i32>} : memref<104x32xf32, #tpu.memory_space<vmem>>, vector<1x16xf32>,
          %parallel_loop3A_524 = vector.shape_cast %parallel_loop3A_523 : vector<1x16xf32> to vector<16xf32>
          %parallel_loop3A_525 = arith.addf %parallel_loop3A_487, %parallel_loop3A_524 : vector<16xf32>
          %parallel_loop3A_526 = arith.constant 2 : i32
          %parallel_loop3A_527 = arith.addi %parallel_loop3A_482, %parallel_loop3A_526 : i32
          %parallel_loop3A_528 = arith.index_cast %parallel_loop3A_527 : i32 to index
          %parallel_loop3A_529 = arith.constant 16 : index
          %parallel_loop3A_530 = tpu.vector_load %arg13[%parallel_loop3A_528, %parallel_loop3A_529] {strides = array<i32>} : memref<104x32xf32, #tpu.memory_space<vmem>>, vector<1x16xf32>,
          %parallel_loop3A_531 = vector.shape_cast %parallel_loop3A_530 : vector<1x16xf32> to vector<16xf32>
          %parallel_loop3A_532 = arith.addf %parallel_loop3A_488, %parallel_loop3A_531 : vector<16xf32>
          %parallel_loop3A_533 = arith.constant 3 : i32
          %parallel_loop3A_534 = arith.addi %parallel_loop3A_482, %parallel_loop3A_533 : i32
          %parallel_loop3A_535 = arith.index_cast %parallel_loop3A_534 : i32 to index
          %parallel_loop3A_536 = arith.constant 0 : index
          %parallel_loop3A_537 = tpu.vector_load %arg13[%parallel_loop3A_535, %parallel_loop3A_536] {strides = array<i32>} : memref<104x32xf32, #tpu.memory_space<vmem>>, vector<1x16xf32>,
          %parallel_loop3A_538 = vector.shape_cast %parallel_loop3A_537 : vector<1x16xf32> to vector<16xf32>
          %parallel_loop3A_539 = arith.addf %parallel_loop3A_489, %parallel_loop3A_538 : vector<16xf32>
          %parallel_loop3A_540 = arith.constant 3 : i32
          %parallel_loop3A_541 = arith.addi %parallel_loop3A_482, %parallel_loop3A_540 : i32
          %parallel_loop3A_542 = arith.index_cast %parallel_loop3A_541 : i32 to index
          %parallel_loop3A_543 = arith.constant 16 : index
          %parallel_loop3A_544 = tpu.vector_load %arg13[%parallel_loop3A_542, %parallel_loop3A_543] {strides = array<i32>} : memref<104x32xf32, #tpu.memory_space<vmem>>, vector<1x16xf32>,
          %parallel_loop3A_545 = vector.shape_cast %parallel_loop3A_544 : vector<1x16xf32> to vector<16xf32>
          %parallel_loop3A_546 = arith.addf %parallel_loop3A_490, %parallel_loop3A_545 : vector<16xf32>
          scf.yield %parallel_loop3A_497, %parallel_loop3A_504, %parallel_loop3A_511, %parallel_loop3A_518, %parallel_loop3A_525, %parallel_loop3A_532, %parallel_loop3A_539, %parallel_loop3A_546 : vector<16xf32>, vector<16xf32>, vector<16xf32>, vector<16xf32>, vector<16xf32>, vector<16xf32>, vector<16xf32>, vector<16xf32>
        } {sc.loop_unroll_factor = 2 : i64, sc.parallel_access}
        %add3A_365 = arith.addf %parallel_loop3A_364#0, %parallel_loop3A_364#2 : vector<16xf32>
        %add3A_366 = arith.addf %add3A_365, %parallel_loop3A_364#4 : vector<16xf32>
        %add3A_367 = arith.addf %add3A_366, %parallel_loop3A_364#6 : vector<16xf32>
        %add3A_368 = arith.addf %parallel_loop3A_364#1, %parallel_loop3A_364#3 : vector<16xf32>
        %add3A_369 = arith.addf %add3A_368, %parallel_loop3A_364#5 : vector<16xf32>
        %add3A_370 = arith.addf %add3A_369, %parallel_loop3A_364#7 : vector<16xf32>
        %add3A_371 = arith.constant 4 : i32
        %add3A_372 = arith.addi %add3A_351, %add3A_371 : i32
        %lt3A_373 = arith.constant 128 : i32
        %lt3A_374 = arith.cmpi slt, %add3A_372, %lt3A_373 : i32
        %convert_element_type3A_375 = arith.extui %lt3A_374 : i1 to i32
        %cond3A_376 = arith.constant 0 : i32
        %cond3A_377 = arith.cmpi ne, %convert_element_type3A_375, %cond3A_376 : i32
        scf.if %cond3A_377 {
          %add3A_482 = arith.constant 4 : i32
          %add3A_483 = arith.addi %add3A_351, %add3A_482 : i32
          %dma_start3A_484 = arith.constant 0 : i32
          %dma_start3A_485 = tpu.memref_slice %arg5[%add3A_483, %dma_start3A_484] : memref<128x104xi32, #tpu.memory_space<vmem>> -> memref<1x104xi32, #tpu.memory_space<vmem>>
          %dma_start3A_486 = tpu.memref_squeeze %dma_start3A_485 : memref<1x104xi32, #tpu.memory_space<vmem>> -> memref<104xi32, #tpu.memory_space<vmem>>
          %dma_start3A_487 = arith.constant 0 : i32
          %dma_start3A_488 = arith.constant 0 : i32
          %dma_start3A_489 = tpu.memref_slice %arg3[%dma_start3A_487, %dma_start3A_488] : memref<1000000x32xf32, #tpu.memory_space<hbm>> -> memref<1000000x32xf32, #tpu.memory_space<hbm>>
          tpu.enqueue_indirect_dma source(%dma_start3A_489 : memref<1000000x32xf32, #tpu.memory_space<hbm>>) target(%arg13 : memref<104x32xf32, #tpu.memory_space<vmem>>) offsets(%dma_start3A_486 : memref<104xi32, #tpu.memory_space<vmem>>) semaphore(%arg25 : memref<!tpu.dma_semaphore, #tpu.memory_space<semaphore_mem>>)
        } else {
        }
        %dma_wait3A_378 = arith.constant 0 : i32
        %dma_wait3A_379 = arith.constant 0 : i32
        %dma_wait3A_380 = tpu.memref_slice %arg5[%dma_wait3A_378, %dma_wait3A_379] : memref<128x104xi32, #tpu.memory_space<vmem>> -> memref<1x104xi32, #tpu.memory_space<vmem>>
        %dma_wait3A_381 = tpu.memref_squeeze %dma_wait3A_380 : memref<1x104xi32, #tpu.memory_space<vmem>> -> memref<104xi32, #tpu.memory_space<vmem>>
        %dma_wait3A_382 = arith.constant 0 : i32
        %dma_wait3A_383 = arith.constant 0 : i32
        %dma_wait3A_384 = tpu.memref_slice %arg3[%dma_wait3A_382, %dma_wait3A_383] : memref<1000000x32xf32, #tpu.memory_space<hbm>> -> memref<1000000x32xf32, #tpu.memory_space<hbm>>
        tpu.wait_indirect_dma semaphore(%arg26 : memref<!tpu.dma_semaphore, #tpu.memory_space<semaphore_mem>>) src(%dma_wait3A_384 : memref<1000000x32xf32, #tpu.memory_space<hbm>>) dst(%arg14 : memref<104x32xf32, #tpu.memory_space<vmem>>)
        %broadcast_in_dim3A_385 = arith.constant 0.000000e+00 : f32
        %broadcast_in_dim3A_386 = vector.broadcast %broadcast_in_dim3A_385 : f32 to vector<16xf32>
        %parallel_loop3A_387 = arith.constant 4 : i32
        %parallel_loop3A_388 = arith.constant 104 : i32
        %parallel_loop3A_389 = arith.constant 4 : i32
        %parallel_loop3A_390:8 = scf.for %parallel_loop3A_482 = %parallel_loop3A_387 to %parallel_loop3A_388 step %parallel_loop3A_389 iter_args(%parallel_loop3A_483 = %add3A_367, %parallel_loop3A_484 = %add3A_370, %parallel_loop3A_485 = %broadcast_in_dim3A_386, %parallel_loop3A_486 = %broadcast_in_dim3A_386, %parallel_loop3A_487 = %broadcast_in_dim3A_386, %parallel_loop3A_488 = %broadcast_in_dim3A_386, %parallel_loop3A_489 = %broadcast_in_dim3A_386, %parallel_loop3A_490 = %broadcast_in_dim3A_386) -> (vector<16xf32>, vector<16xf32>, vector<16xf32>, vector<16xf32>, vector<16xf32>, vector<16xf32>, vector<16xf32>, vector<16xf32>)  : i32 {
          %parallel_loop3A_491 = arith.constant 0 : i32
          %parallel_loop3A_492 = arith.addi %parallel_loop3A_482, %parallel_loop3A_491 : i32
          %parallel_loop3A_493 = arith.index_cast %parallel_loop3A_492 : i32 to index
          %parallel_loop3A_494 = arith.constant 0 : index
          %parallel_loop3A_495 = tpu.vector_load %arg14[%parallel_loop3A_493, %parallel_loop3A_494] {strides = array<i32>} : memref<104x32xf32, #tpu.memory_space<vmem>>, vector<1x16xf32>,
          %parallel_loop3A_496 = vector.shape_cast %parallel_loop3A_495 : vector<1x16xf32> to vector<16xf32>
          %parallel_loop3A_497 = arith.addf %parallel_loop3A_483, %parallel_loop3A_496 : vector<16xf32>
          %parallel_loop3A_498 = arith.constant 0 : i32
          %parallel_loop3A_499 = arith.addi %parallel_loop3A_482, %parallel_loop3A_498 : i32
          %parallel_loop3A_500 = arith.index_cast %parallel_loop3A_499 : i32 to index
          %parallel_loop3A_501 = arith.constant 16 : index
          %parallel_loop3A_502 = tpu.vector_load %arg14[%parallel_loop3A_500, %parallel_loop3A_501] {strides = array<i32>} : memref<104x32xf32, #tpu.memory_space<vmem>>, vector<1x16xf32>,
          %parallel_loop3A_503 = vector.shape_cast %parallel_loop3A_502 : vector<1x16xf32> to vector<16xf32>
          %parallel_loop3A_504 = arith.addf %parallel_loop3A_484, %parallel_loop3A_503 : vector<16xf32>
          %parallel_loop3A_505 = arith.constant 1 : i32
          %parallel_loop3A_506 = arith.addi %parallel_loop3A_482, %parallel_loop3A_505 : i32
          %parallel_loop3A_507 = arith.index_cast %parallel_loop3A_506 : i32 to index
          %parallel_loop3A_508 = arith.constant 0 : index
          %parallel_loop3A_509 = tpu.vector_load %arg14[%parallel_loop3A_507, %parallel_loop3A_508] {strides = array<i32>} : memref<104x32xf32, #tpu.memory_space<vmem>>, vector<1x16xf32>,
          %parallel_loop3A_510 = vector.shape_cast %parallel_loop3A_509 : vector<1x16xf32> to vector<16xf32>
          %parallel_loop3A_511 = arith.addf %parallel_loop3A_485, %parallel_loop3A_510 : vector<16xf32>
          %parallel_loop3A_512 = arith.constant 1 : i32
          %parallel_loop3A_513 = arith.addi %parallel_loop3A_482, %parallel_loop3A_512 : i32
          %parallel_loop3A_514 = arith.index_cast %parallel_loop3A_513 : i32 to index
          %parallel_loop3A_515 = arith.constant 16 : index
          %parallel_loop3A_516 = tpu.vector_load %arg14[%parallel_loop3A_514, %parallel_loop3A_515] {strides = array<i32>} : memref<104x32xf32, #tpu.memory_space<vmem>>, vector<1x16xf32>,
          %parallel_loop3A_517 = vector.shape_cast %parallel_loop3A_516 : vector<1x16xf32> to vector<16xf32>
          %parallel_loop3A_518 = arith.addf %parallel_loop3A_486, %parallel_loop3A_517 : vector<16xf32>
          %parallel_loop3A_519 = arith.constant 2 : i32
          %parallel_loop3A_520 = arith.addi %parallel_loop3A_482, %parallel_loop3A_519 : i32
          %parallel_loop3A_521 = arith.index_cast %parallel_loop3A_520 : i32 to index
          %parallel_loop3A_522 = arith.constant 0 : index
          %parallel_loop3A_523 = tpu.vector_load %arg14[%parallel_loop3A_521, %parallel_loop3A_522] {strides = array<i32>} : memref<104x32xf32, #tpu.memory_space<vmem>>, vector<1x16xf32>,
          %parallel_loop3A_524 = vector.shape_cast %parallel_loop3A_523 : vector<1x16xf32> to vector<16xf32>
          %parallel_loop3A_525 = arith.addf %parallel_loop3A_487, %parallel_loop3A_524 : vector<16xf32>
          %parallel_loop3A_526 = arith.constant 2 : i32
          %parallel_loop3A_527 = arith.addi %parallel_loop3A_482, %parallel_loop3A_526 : i32
          %parallel_loop3A_528 = arith.index_cast %parallel_loop3A_527 : i32 to index
          %parallel_loop3A_529 = arith.constant 16 : index
          %parallel_loop3A_530 = tpu.vector_load %arg14[%parallel_loop3A_528, %parallel_loop3A_529] {strides = array<i32>} : memref<104x32xf32, #tpu.memory_space<vmem>>, vector<1x16xf32>,
          %parallel_loop3A_531 = vector.shape_cast %parallel_loop3A_530 : vector<1x16xf32> to vector<16xf32>
          %parallel_loop3A_532 = arith.addf %parallel_loop3A_488, %parallel_loop3A_531 : vector<16xf32>
          %parallel_loop3A_533 = arith.constant 3 : i32
          %parallel_loop3A_534 = arith.addi %parallel_loop3A_482, %parallel_loop3A_533 : i32
          %parallel_loop3A_535 = arith.index_cast %parallel_loop3A_534 : i32 to index
          %parallel_loop3A_536 = arith.constant 0 : index
          %parallel_loop3A_537 = tpu.vector_load %arg14[%parallel_loop3A_535, %parallel_loop3A_536] {strides = array<i32>} : memref<104x32xf32, #tpu.memory_space<vmem>>, vector<1x16xf32>,
          %parallel_loop3A_538 = vector.shape_cast %parallel_loop3A_537 : vector<1x16xf32> to vector<16xf32>
          %parallel_loop3A_539 = arith.addf %parallel_loop3A_489, %parallel_loop3A_538 : vector<16xf32>
          %parallel_loop3A_540 = arith.constant 3 : i32
          %parallel_loop3A_541 = arith.addi %parallel_loop3A_482, %parallel_loop3A_540 : i32
          %parallel_loop3A_542 = arith.index_cast %parallel_loop3A_541 : i32 to index
          %parallel_loop3A_543 = arith.constant 16 : index
          %parallel_loop3A_544 = tpu.vector_load %arg14[%parallel_loop3A_542, %parallel_loop3A_543] {strides = array<i32>} : memref<104x32xf32, #tpu.memory_space<vmem>>, vector<1x16xf32>,
          %parallel_loop3A_545 = vector.shape_cast %parallel_loop3A_544 : vector<1x16xf32> to vector<16xf32>
          %parallel_loop3A_546 = arith.addf %parallel_loop3A_490, %parallel_loop3A_545 : vector<16xf32>
          scf.yield %parallel_loop3A_497, %parallel_loop3A_504, %parallel_loop3A_511, %parallel_loop3A_518, %parallel_loop3A_525, %parallel_loop3A_532, %parallel_loop3A_539, %parallel_loop3A_546 : vector<16xf32>, vector<16xf32>, vector<16xf32>, vector<16xf32>, vector<16xf32>, vector<16xf32>, vector<16xf32>, vector<16xf32>
        } {sc.loop_unroll_factor = 2 : i64, sc.parallel_access}
        %add3A_391 = arith.addf %parallel_loop3A_390#0, %parallel_loop3A_390#2 : vector<16xf32>
        %add3A_392 = arith.addf %add3A_391, %parallel_loop3A_390#4 : vector<16xf32>
        %add3A_393 = arith.addf %add3A_392, %parallel_loop3A_390#6 : vector<16xf32>
        %add3A_394 = arith.addf %parallel_loop3A_390#1, %parallel_loop3A_390#3 : vector<16xf32>
        %add3A_395 = arith.addf %add3A_394, %parallel_loop3A_390#5 : vector<16xf32>
        %add3A_396 = arith.addf %add3A_395, %parallel_loop3A_390#7 : vector<16xf32>
        %add3A_397 = arith.constant 4 : i32
        %add3A_398 = arith.addi %add3A_351, %add3A_397 : i32
        %lt3A_399 = arith.constant 128 : i32
        %lt3A_400 = arith.cmpi slt, %add3A_398, %lt3A_399 : i32
        %convert_element_type3A_401 = arith.extui %lt3A_400 : i1 to i32
        %cond3A_402 = arith.constant 0 : i32
        %cond3A_403 = arith.cmpi ne, %convert_element_type3A_401, %cond3A_402 : i32
        scf.if %cond3A_403 {
          %add3A_482 = arith.constant 4 : i32
          %add3A_483 = arith.addi %add3A_351, %add3A_482 : i32
          %dma_start3A_484 = arith.constant 0 : i32
          %dma_start3A_485 = tpu.memref_slice %arg6[%add3A_483, %dma_start3A_484] : memref<128x104xi32, #tpu.memory_space<vmem>> -> memref<1x104xi32, #tpu.memory_space<vmem>>
          %dma_start3A_486 = tpu.memref_squeeze %dma_start3A_485 : memref<1x104xi32, #tpu.memory_space<vmem>> -> memref<104xi32, #tpu.memory_space<vmem>>
          %dma_start3A_487 = arith.constant 0 : i32
          %dma_start3A_488 = arith.constant 0 : i32
          %dma_start3A_489 = tpu.memref_slice %arg3[%dma_start3A_487, %dma_start3A_488] : memref<1000000x32xf32, #tpu.memory_space<hbm>> -> memref<1000000x32xf32, #tpu.memory_space<hbm>>
          tpu.enqueue_indirect_dma source(%dma_start3A_489 : memref<1000000x32xf32, #tpu.memory_space<hbm>>) target(%arg14 : memref<104x32xf32, #tpu.memory_space<vmem>>) offsets(%dma_start3A_486 : memref<104xi32, #tpu.memory_space<vmem>>) semaphore(%arg26 : memref<!tpu.dma_semaphore, #tpu.memory_space<semaphore_mem>>)
        } else {
        }
        %swap3A_404 = arith.index_cast %add3A_351 : i32 to index
        %swap3A_405 = arith.constant 0 : index
        %swap3A_406 = tpu.vector_load %arg17[%swap3A_404, %swap3A_405] {strides = array<i32>} : memref<128x32xf32, #tpu.memory_space<vmem>>, vector<1x16xf32>,
        %swap3A_407 = vector.shape_cast %swap3A_406 : vector<1x16xf32> to vector<16xf32>
        %swap3A_408 = vector.shape_cast %add3A_393 : vector<16xf32> to vector<1x16xf32>
        tpu.vector_store %arg17[%swap3A_404, %swap3A_405], %swap3A_408 {strides = array<i32>} : memref<128x32xf32, #tpu.memory_space<vmem>>, vector<1x16xf32>,
        %swap3A_409 = arith.index_cast %add3A_351 : i32 to index
        %swap3A_410 = arith.constant 16 : index
        %swap3A_411 = tpu.vector_load %arg17[%swap3A_409, %swap3A_410] {strides = array<i32>} : memref<128x32xf32, #tpu.memory_space<vmem>>, vector<1x16xf32>,
        %swap3A_412 = vector.shape_cast %swap3A_411 : vector<1x16xf32> to vector<16xf32>
        %swap3A_413 = vector.shape_cast %add3A_396 : vector<16xf32> to vector<1x16xf32>
        tpu.vector_store %arg17[%swap3A_409, %swap3A_410], %swap3A_413 {strides = array<i32>} : memref<128x32xf32, #tpu.memory_space<vmem>>, vector<1x16xf32>,
        %broadcast_in_dim3A_414 = arith.constant 0.000000e+00 : f32
        %broadcast_in_dim3A_415 = vector.broadcast %broadcast_in_dim3A_414 : f32 to vector<16xf32>
        %mul3A_416 = arith.constant 4 : i32
        %mul3A_417 = arith.muli %mul3A_416, %scan3A_212 : i32
        %add3A_418 = arith.constant 3 : i32
        %add3A_419 = arith.addi %mul3A_417, %add3A_418 : i32
        %dma_wait3A_420 = arith.constant 0 : i32
        %dma_wait3A_421 = arith.constant 0 : i32
        %dma_wait3A_422 = tpu.memref_slice %arg5[%dma_wait3A_420, %dma_wait3A_421] : memref<128x104xi32, #tpu.memory_space<vmem>> -> memref<1x104xi32, #tpu.memory_space<vmem>>
        %dma_wait3A_423 = tpu.memref_squeeze %dma_wait3A_422 : memref<1x104xi32, #tpu.memory_space<vmem>> -> memref<104xi32, #tpu.memory_space<vmem>>
        %dma_wait3A_424 = arith.constant 0 : i32
        %dma_wait3A_425 = arith.constant 0 : i32
        %dma_wait3A_426 = tpu.memref_slice %arg3[%dma_wait3A_424, %dma_wait3A_425] : memref<1000000x32xf32, #tpu.memory_space<hbm>> -> memref<1000000x32xf32, #tpu.memory_space<hbm>>
        tpu.wait_indirect_dma semaphore(%arg27 : memref<!tpu.dma_semaphore, #tpu.memory_space<semaphore_mem>>) src(%dma_wait3A_426 : memref<1000000x32xf32, #tpu.memory_space<hbm>>) dst(%arg15 : memref<104x32xf32, #tpu.memory_space<vmem>>)
        %broadcast_in_dim3A_427 = arith.constant 0.000000e+00 : f32
        %broadcast_in_dim3A_428 = vector.broadcast %broadcast_in_dim3A_427 : f32 to vector<16xf32>
        %parallel_loop3A_429 = arith.constant 0 : i32
        %parallel_loop3A_430 = arith.constant 100 : i32
        %parallel_loop3A_431 = arith.constant 4 : i32
        %parallel_loop3A_432:8 = scf.for %parallel_loop3A_482 = %parallel_loop3A_429 to %parallel_loop3A_430 step %parallel_loop3A_431 iter_args(%parallel_loop3A_483 = %broadcast_in_dim3A_415, %parallel_loop3A_484 = %broadcast_in_dim3A_415, %parallel_loop3A_485 = %broadcast_in_dim3A_428, %parallel_loop3A_486 = %broadcast_in_dim3A_428, %parallel_loop3A_487 = %broadcast_in_dim3A_428, %parallel_loop3A_488 = %broadcast_in_dim3A_428, %parallel_loop3A_489 = %broadcast_in_dim3A_428, %parallel_loop3A_490 = %broadcast_in_dim3A_428) -> (vector<16xf32>, vector<16xf32>, vector<16xf32>, vector<16xf32>, vector<16xf32>, vector<16xf32>, vector<16xf32>, vector<16xf32>)  : i32 {
          %parallel_loop3A_491 = arith.constant 0 : i32
          %parallel_loop3A_492 = arith.addi %parallel_loop3A_482, %parallel_loop3A_491 : i32
          %parallel_loop3A_493 = arith.index_cast %parallel_loop3A_492 : i32 to index
          %parallel_loop3A_494 = arith.constant 0 : index
          %parallel_loop3A_495 = tpu.vector_load %arg15[%parallel_loop3A_493, %parallel_loop3A_494] {strides = array<i32>} : memref<104x32xf32, #tpu.memory_space<vmem>>, vector<1x16xf32>,
          %parallel_loop3A_496 = vector.shape_cast %parallel_loop3A_495 : vector<1x16xf32> to vector<16xf32>
          %parallel_loop3A_497 = arith.addf %parallel_loop3A_483, %parallel_loop3A_496 : vector<16xf32>
          %parallel_loop3A_498 = arith.constant 0 : i32
          %parallel_loop3A_499 = arith.addi %parallel_loop3A_482, %parallel_loop3A_498 : i32
          %parallel_loop3A_500 = arith.index_cast %parallel_loop3A_499 : i32 to index
          %parallel_loop3A_501 = arith.constant 16 : index
          %parallel_loop3A_502 = tpu.vector_load %arg15[%parallel_loop3A_500, %parallel_loop3A_501] {strides = array<i32>} : memref<104x32xf32, #tpu.memory_space<vmem>>, vector<1x16xf32>,
          %parallel_loop3A_503 = vector.shape_cast %parallel_loop3A_502 : vector<1x16xf32> to vector<16xf32>
          %parallel_loop3A_504 = arith.addf %parallel_loop3A_484, %parallel_loop3A_503 : vector<16xf32>
          %parallel_loop3A_505 = arith.constant 1 : i32
          %parallel_loop3A_506 = arith.addi %parallel_loop3A_482, %parallel_loop3A_505 : i32
          %parallel_loop3A_507 = arith.index_cast %parallel_loop3A_506 : i32 to index
          %parallel_loop3A_508 = arith.constant 0 : index
          %parallel_loop3A_509 = tpu.vector_load %arg15[%parallel_loop3A_507, %parallel_loop3A_508] {strides = array<i32>} : memref<104x32xf32, #tpu.memory_space<vmem>>, vector<1x16xf32>,
          %parallel_loop3A_510 = vector.shape_cast %parallel_loop3A_509 : vector<1x16xf32> to vector<16xf32>
          %parallel_loop3A_511 = arith.addf %parallel_loop3A_485, %parallel_loop3A_510 : vector<16xf32>
          %parallel_loop3A_512 = arith.constant 1 : i32
          %parallel_loop3A_513 = arith.addi %parallel_loop3A_482, %parallel_loop3A_512 : i32
          %parallel_loop3A_514 = arith.index_cast %parallel_loop3A_513 : i32 to index
          %parallel_loop3A_515 = arith.constant 16 : index
          %parallel_loop3A_516 = tpu.vector_load %arg15[%parallel_loop3A_514, %parallel_loop3A_515] {strides = array<i32>} : memref<104x32xf32, #tpu.memory_space<vmem>>, vector<1x16xf32>,
          %parallel_loop3A_517 = vector.shape_cast %parallel_loop3A_516 : vector<1x16xf32> to vector<16xf32>
          %parallel_loop3A_518 = arith.addf %parallel_loop3A_486, %parallel_loop3A_517 : vector<16xf32>
          %parallel_loop3A_519 = arith.constant 2 : i32
          %parallel_loop3A_520 = arith.addi %parallel_loop3A_482, %parallel_loop3A_519 : i32
          %parallel_loop3A_521 = arith.index_cast %parallel_loop3A_520 : i32 to index
          %parallel_loop3A_522 = arith.constant 0 : index
          %parallel_loop3A_523 = tpu.vector_load %arg15[%parallel_loop3A_521, %parallel_loop3A_522] {strides = array<i32>} : memref<104x32xf32, #tpu.memory_space<vmem>>, vector<1x16xf32>,
          %parallel_loop3A_524 = vector.shape_cast %parallel_loop3A_523 : vector<1x16xf32> to vector<16xf32>
          %parallel_loop3A_525 = arith.addf %parallel_loop3A_487, %parallel_loop3A_524 : vector<16xf32>
          %parallel_loop3A_526 = arith.constant 2 : i32
          %parallel_loop3A_527 = arith.addi %parallel_loop3A_482, %parallel_loop3A_526 : i32
          %parallel_loop3A_528 = arith.index_cast %parallel_loop3A_527 : i32 to index
          %parallel_loop3A_529 = arith.constant 16 : index
          %parallel_loop3A_530 = tpu.vector_load %arg15[%parallel_loop3A_528, %parallel_loop3A_529] {strides = array<i32>} : memref<104x32xf32, #tpu.memory_space<vmem>>, vector<1x16xf32>,
          %parallel_loop3A_531 = vector.shape_cast %parallel_loop3A_530 : vector<1x16xf32> to vector<16xf32>
          %parallel_loop3A_532 = arith.addf %parallel_loop3A_488, %parallel_loop3A_531 : vector<16xf32>
          %parallel_loop3A_533 = arith.constant 3 : i32
          %parallel_loop3A_534 = arith.addi %parallel_loop3A_482, %parallel_loop3A_533 : i32
          %parallel_loop3A_535 = arith.index_cast %parallel_loop3A_534 : i32 to index
          %parallel_loop3A_536 = arith.constant 0 : index
          %parallel_loop3A_537 = tpu.vector_load %arg15[%parallel_loop3A_535, %parallel_loop3A_536] {strides = array<i32>} : memref<104x32xf32, #tpu.memory_space<vmem>>, vector<1x16xf32>,
          %parallel_loop3A_538 = vector.shape_cast %parallel_loop3A_537 : vector<1x16xf32> to vector<16xf32>
          %parallel_loop3A_539 = arith.addf %parallel_loop3A_489, %parallel_loop3A_538 : vector<16xf32>
          %parallel_loop3A_540 = arith.constant 3 : i32
          %parallel_loop3A_541 = arith.addi %parallel_loop3A_482, %parallel_loop3A_540 : i32
          %parallel_loop3A_542 = arith.index_cast %parallel_loop3A_541 : i32 to index
          %parallel_loop3A_543 = arith.constant 16 : index
          %parallel_loop3A_544 = tpu.vector_load %arg15[%parallel_loop3A_542, %parallel_loop3A_543] {strides = array<i32>} : memref<104x32xf32, #tpu.memory_space<vmem>>, vector<1x16xf32>,
          %parallel_loop3A_545 = vector.shape_cast %parallel_loop3A_544 : vector<1x16xf32> to vector<16xf32>
          %parallel_loop3A_546 = arith.addf %parallel_loop3A_490, %parallel_loop3A_545 : vector<16xf32>
          scf.yield %parallel_loop3A_497, %parallel_loop3A_504, %parallel_loop3A_511, %parallel_loop3A_518, %parallel_loop3A_525, %parallel_loop3A_532, %parallel_loop3A_539, %parallel_loop3A_546 : vector<16xf32>, vector<16xf32>, vector<16xf32>, vector<16xf32>, vector<16xf32>, vector<16xf32>, vector<16xf32>, vector<16xf32>
        } {sc.loop_unroll_factor = 2 : i64, sc.parallel_access}
        %add3A_433 = arith.addf %parallel_loop3A_432#0, %parallel_loop3A_432#2 : vector<16xf32>
        %add3A_434 = arith.addf %add3A_433, %parallel_loop3A_432#4 : vector<16xf32>
        %add3A_435 = arith.addf %add3A_434, %parallel_loop3A_432#6 : vector<16xf32>
        %add3A_436 = arith.addf %parallel_loop3A_432#1, %parallel_loop3A_432#3 : vector<16xf32>
        %add3A_437 = arith.addf %add3A_436, %parallel_loop3A_432#5 : vector<16xf32>
        %add3A_438 = arith.addf %add3A_437, %parallel_loop3A_432#7 : vector<16xf32>
        %add3A_439 = arith.constant 4 : i32
        %add3A_440 = arith.addi %add3A_419, %add3A_439 : i32
        %lt3A_441 = arith.constant 128 : i32
        %lt3A_442 = arith.cmpi slt, %add3A_440, %lt3A_441 : i32
        %convert_element_type3A_443 = arith.extui %lt3A_442 : i1 to i32
        %cond3A_444 = arith.constant 0 : i32
        %cond3A_445 = arith.cmpi ne, %convert_element_type3A_443, %cond3A_444 : i32
        scf.if %cond3A_445 {
          %add3A_482 = arith.constant 4 : i32
          %add3A_483 = arith.addi %add3A_419, %add3A_482 : i32
          %dma_start3A_484 = arith.constant 0 : i32
          %dma_start3A_485 = tpu.memref_slice %arg5[%add3A_483, %dma_start3A_484] : memref<128x104xi32, #tpu.memory_space<vmem>> -> memref<1x104xi32, #tpu.memory_space<vmem>>
          %dma_start3A_486 = tpu.memref_squeeze %dma_start3A_485 : memref<1x104xi32, #tpu.memory_space<vmem>> -> memref<104xi32, #tpu.memory_space<vmem>>
          %dma_start3A_487 = arith.constant 0 : i32
          %dma_start3A_488 = arith.constant 0 : i32
          %dma_start3A_489 = tpu.memref_slice %arg3[%dma_start3A_487, %dma_start3A_488] : memref<1000000x32xf32, #tpu.memory_space<hbm>> -> memref<1000000x32xf32, #tpu.memory_space<hbm>>
          tpu.enqueue_indirect_dma source(%dma_start3A_489 : memref<1000000x32xf32, #tpu.memory_space<hbm>>) target(%arg15 : memref<104x32xf32, #tpu.memory_space<vmem>>) offsets(%dma_start3A_486 : memref<104xi32, #tpu.memory_space<vmem>>) semaphore(%arg27 : memref<!tpu.dma_semaphore, #tpu.memory_space<semaphore_mem>>)
        } else {
        }
        %dma_wait3A_446 = arith.constant 0 : i32
        %dma_wait3A_447 = arith.constant 0 : i32
        %dma_wait3A_448 = tpu.memref_slice %arg5[%dma_wait3A_446, %dma_wait3A_447] : memref<128x104xi32, #tpu.memory_space<vmem>> -> memref<1x104xi32, #tpu.memory_space<vmem>>
        %dma_wait3A_449 = tpu.memref_squeeze %dma_wait3A_448 : memref<1x104xi32, #tpu.memory_space<vmem>> -> memref<104xi32, #tpu.memory_space<vmem>>
        %dma_wait3A_450 = arith.constant 0 : i32
        %dma_wait3A_451 = arith.constant 0 : i32
        %dma_wait3A_452 = tpu.memref_slice %arg3[%dma_wait3A_450, %dma_wait3A_451] : memref<1000000x32xf32, #tpu.memory_space<hbm>> -> memref<1000000x32xf32, #tpu.memory_space<hbm>>
        tpu.wait_indirect_dma semaphore(%arg28 : memref<!tpu.dma_semaphore, #tpu.memory_space<semaphore_mem>>) src(%dma_wait3A_452 : memref<1000000x32xf32, #tpu.memory_space<hbm>>) dst(%arg16 : memref<104x32xf32, #tpu.memory_space<vmem>>)
        %broadcast_in_dim3A_453 = arith.constant 0.000000e+00 : f32
        %broadcast_in_dim3A_454 = vector.broadcast %broadcast_in_dim3A_453 : f32 to vector<16xf32>
        %parallel_loop3A_455 = arith.constant 4 : i32
        %parallel_loop3A_456 = arith.constant 104 : i32
        %parallel_loop3A_457 = arith.constant 4 : i32
        %parallel_loop3A_458:8 = scf.for %parallel_loop3A_482 = %parallel_loop3A_455 to %parallel_loop3A_456 step %parallel_loop3A_457 iter_args(%parallel_loop3A_483 = %add3A_435, %parallel_loop3A_484 = %add3A_438, %parallel_loop3A_485 = %broadcast_in_dim3A_454, %parallel_loop3A_486 = %broadcast_in_dim3A_454, %parallel_loop3A_487 = %broadcast_in_dim3A_454, %parallel_loop3A_488 = %broadcast_in_dim3A_454, %parallel_loop3A_489 = %broadcast_in_dim3A_454, %parallel_loop3A_490 = %broadcast_in_dim3A_454) -> (vector<16xf32>, vector<16xf32>, vector<16xf32>, vector<16xf32>, vector<16xf32>, vector<16xf32>, vector<16xf32>, vector<16xf32>)  : i32 {
          %parallel_loop3A_491 = arith.constant 0 : i32
          %parallel_loop3A_492 = arith.addi %parallel_loop3A_482, %parallel_loop3A_491 : i32
          %parallel_loop3A_493 = arith.index_cast %parallel_loop3A_492 : i32 to index
          %parallel_loop3A_494 = arith.constant 0 : index
          %parallel_loop3A_495 = tpu.vector_load %arg16[%parallel_loop3A_493, %parallel_loop3A_494] {strides = array<i32>} : memref<104x32xf32, #tpu.memory_space<vmem>>, vector<1x16xf32>,
          %parallel_loop3A_496 = vector.shape_cast %parallel_loop3A_495 : vector<1x16xf32> to vector<16xf32>
          %parallel_loop3A_497 = arith.addf %parallel_loop3A_483, %parallel_loop3A_496 : vector<16xf32>
          %parallel_loop3A_498 = arith.constant 0 : i32
          %parallel_loop3A_499 = arith.addi %parallel_loop3A_482, %parallel_loop3A_498 : i32
          %parallel_loop3A_500 = arith.index_cast %parallel_loop3A_499 : i32 to index
          %parallel_loop3A_501 = arith.constant 16 : index
          %parallel_loop3A_502 = tpu.vector_load %arg16[%parallel_loop3A_500, %parallel_loop3A_501] {strides = array<i32>} : memref<104x32xf32, #tpu.memory_space<vmem>>, vector<1x16xf32>,
          %parallel_loop3A_503 = vector.shape_cast %parallel_loop3A_502 : vector<1x16xf32> to vector<16xf32>
          %parallel_loop3A_504 = arith.addf %parallel_loop3A_484, %parallel_loop3A_503 : vector<16xf32>
          %parallel_loop3A_505 = arith.constant 1 : i32
          %parallel_loop3A_506 = arith.addi %parallel_loop3A_482, %parallel_loop3A_505 : i32
          %parallel_loop3A_507 = arith.index_cast %parallel_loop3A_506 : i32 to index
          %parallel_loop3A_508 = arith.constant 0 : index
          %parallel_loop3A_509 = tpu.vector_load %arg16[%parallel_loop3A_507, %parallel_loop3A_508] {strides = array<i32>} : memref<104x32xf32, #tpu.memory_space<vmem>>, vector<1x16xf32>,
          %parallel_loop3A_510 = vector.shape_cast %parallel_loop3A_509 : vector<1x16xf32> to vector<16xf32>
          %parallel_loop3A_511 = arith.addf %parallel_loop3A_485, %parallel_loop3A_510 : vector<16xf32>
          %parallel_loop3A_512 = arith.constant 1 : i32
          %parallel_loop3A_513 = arith.addi %parallel_loop3A_482, %parallel_loop3A_512 : i32
          %parallel_loop3A_514 = arith.index_cast %parallel_loop3A_513 : i32 to index
          %parallel_loop3A_515 = arith.constant 16 : index
          %parallel_loop3A_516 = tpu.vector_load %arg16[%parallel_loop3A_514, %parallel_loop3A_515] {strides = array<i32>} : memref<104x32xf32, #tpu.memory_space<vmem>>, vector<1x16xf32>,
          %parallel_loop3A_517 = vector.shape_cast %parallel_loop3A_516 : vector<1x16xf32> to vector<16xf32>
          %parallel_loop3A_518 = arith.addf %parallel_loop3A_486, %parallel_loop3A_517 : vector<16xf32>
          %parallel_loop3A_519 = arith.constant 2 : i32
          %parallel_loop3A_520 = arith.addi %parallel_loop3A_482, %parallel_loop3A_519 : i32
          %parallel_loop3A_521 = arith.index_cast %parallel_loop3A_520 : i32 to index
          %parallel_loop3A_522 = arith.constant 0 : index
          %parallel_loop3A_523 = tpu.vector_load %arg16[%parallel_loop3A_521, %parallel_loop3A_522] {strides = array<i32>} : memref<104x32xf32, #tpu.memory_space<vmem>>, vector<1x16xf32>,
          %parallel_loop3A_524 = vector.shape_cast %parallel_loop3A_523 : vector<1x16xf32> to vector<16xf32>
          %parallel_loop3A_525 = arith.addf %parallel_loop3A_487, %parallel_loop3A_524 : vector<16xf32>
          %parallel_loop3A_526 = arith.constant 2 : i32
          %parallel_loop3A_527 = arith.addi %parallel_loop3A_482, %parallel_loop3A_526 : i32
          %parallel_loop3A_528 = arith.index_cast %parallel_loop3A_527 : i32 to index
          %parallel_loop3A_529 = arith.constant 16 : index
          %parallel_loop3A_530 = tpu.vector_load %arg16[%parallel_loop3A_528, %parallel_loop3A_529] {strides = array<i32>} : memref<104x32xf32, #tpu.memory_space<vmem>>, vector<1x16xf32>,
          %parallel_loop3A_531 = vector.shape_cast %parallel_loop3A_530 : vector<1x16xf32> to vector<16xf32>
          %parallel_loop3A_532 = arith.addf %parallel_loop3A_488, %parallel_loop3A_531 : vector<16xf32>
          %parallel_loop3A_533 = arith.constant 3 : i32
          %parallel_loop3A_534 = arith.addi %parallel_loop3A_482, %parallel_loop3A_533 : i32
          %parallel_loop3A_535 = arith.index_cast %parallel_loop3A_534 : i32 to index
          %parallel_loop3A_536 = arith.constant 0 : index
          %parallel_loop3A_537 = tpu.vector_load %arg16[%parallel_loop3A_535, %parallel_loop3A_536] {strides = array<i32>} : memref<104x32xf32, #tpu.memory_space<vmem>>, vector<1x16xf32>,
          %parallel_loop3A_538 = vector.shape_cast %parallel_loop3A_537 : vector<1x16xf32> to vector<16xf32>
          %parallel_loop3A_539 = arith.addf %parallel_loop3A_489, %parallel_loop3A_538 : vector<16xf32>
          %parallel_loop3A_540 = arith.constant 3 : i32
          %parallel_loop3A_541 = arith.addi %parallel_loop3A_482, %parallel_loop3A_540 : i32
          %parallel_loop3A_542 = arith.index_cast %parallel_loop3A_541 : i32 to index
          %parallel_loop3A_543 = arith.constant 16 : index
          %parallel_loop3A_544 = tpu.vector_load %arg16[%parallel_loop3A_542, %parallel_loop3A_543] {strides = array<i32>} : memref<104x32xf32, #tpu.memory_space<vmem>>, vector<1x16xf32>,
          %parallel_loop3A_545 = vector.shape_cast %parallel_loop3A_544 : vector<1x16xf32> to vector<16xf32>
          %parallel_loop3A_546 = arith.addf %parallel_loop3A_490, %parallel_loop3A_545 : vector<16xf32>
          scf.yield %parallel_loop3A_497, %parallel_loop3A_504, %parallel_loop3A_511, %parallel_loop3A_518, %parallel_loop3A_525, %parallel_loop3A_532, %parallel_loop3A_539, %parallel_loop3A_546 : vector<16xf32>, vector<16xf32>, vector<16xf32>, vector<16xf32>, vector<16xf32>, vector<16xf32>, vector<16xf32>, vector<16xf32>
        } {sc.loop_unroll_factor = 2 : i64, sc.parallel_access}
        %add3A_459 = arith.addf %parallel_loop3A_458#0, %parallel_loop3A_458#2 : vector<16xf32>
        %add3A_460 = arith.addf %add3A_459, %parallel_loop3A_458#4 : vector<16xf32>
        %add3A_461 = arith.addf %add3A_460, %parallel_loop3A_458#6 : vector<16xf32>
        %add3A_462 = arith.addf %parallel_loop3A_458#1, %parallel_loop3A_458#3 : vector<16xf32>
        %add3A_463 = arith.addf %add3A_462, %parallel_loop3A_458#5 : vector<16xf32>
        %add3A_464 = arith.addf %add3A_463, %parallel_loop3A_458#7 : vector<16xf32>
        %add3A_465 = arith.constant 4 : i32
        %add3A_466 = arith.addi %add3A_419, %add3A_465 : i32
        %lt3A_467 = arith.constant 128 : i32
        %lt3A_468 = arith.cmpi slt, %add3A_466, %lt3A_467 : i32
        %convert_element_type3A_469 = arith.extui %lt3A_468 : i1 to i32
        %cond3A_470 = arith.constant 0 : i32
        %cond3A_471 = arith.cmpi ne, %convert_element_type3A_469, %cond3A_470 : i32
        scf.if %cond3A_471 {
          %add3A_482 = arith.constant 4 : i32
          %add3A_483 = arith.addi %add3A_419, %add3A_482 : i32
          %dma_start3A_484 = arith.constant 0 : i32
          %dma_start3A_485 = tpu.memref_slice %arg6[%add3A_483, %dma_start3A_484] : memref<128x104xi32, #tpu.memory_space<vmem>> -> memref<1x104xi32, #tpu.memory_space<vmem>>
          %dma_start3A_486 = tpu.memref_squeeze %dma_start3A_485 : memref<1x104xi32, #tpu.memory_space<vmem>> -> memref<104xi32, #tpu.memory_space<vmem>>
          %dma_start3A_487 = arith.constant 0 : i32
          %dma_start3A_488 = arith.constant 0 : i32
          %dma_start3A_489 = tpu.memref_slice %arg3[%dma_start3A_487, %dma_start3A_488] : memref<1000000x32xf32, #tpu.memory_space<hbm>> -> memref<1000000x32xf32, #tpu.memory_space<hbm>>
          tpu.enqueue_indirect_dma source(%dma_start3A_489 : memref<1000000x32xf32, #tpu.memory_space<hbm>>) target(%arg16 : memref<104x32xf32, #tpu.memory_space<vmem>>) offsets(%dma_start3A_486 : memref<104xi32, #tpu.memory_space<vmem>>) semaphore(%arg28 : memref<!tpu.dma_semaphore, #tpu.memory_space<semaphore_mem>>)
        } else {
        }
        %swap3A_472 = arith.index_cast %add3A_419 : i32 to index
        %swap3A_473 = arith.constant 0 : index
        %swap3A_474 = tpu.vector_load %arg17[%swap3A_472, %swap3A_473] {strides = array<i32>} : memref<128x32xf32, #tpu.memory_space<vmem>>, vector<1x16xf32>,
        %swap3A_475 = vector.shape_cast %swap3A_474 : vector<1x16xf32> to vector<16xf32>
        %swap3A_476 = vector.shape_cast %add3A_461 : vector<16xf32> to vector<1x16xf32>
        tpu.vector_store %arg17[%swap3A_472, %swap3A_473], %swap3A_476 {strides = array<i32>} : memref<128x32xf32, #tpu.memory_space<vmem>>, vector<1x16xf32>,
        %swap3A_477 = arith.index_cast %add3A_419 : i32 to index
        %swap3A_478 = arith.constant 16 : index
        %swap3A_479 = tpu.vector_load %arg17[%swap3A_477, %swap3A_478] {strides = array<i32>} : memref<128x32xf32, #tpu.memory_space<vmem>>, vector<1x16xf32>,
        %swap3A_480 = vector.shape_cast %swap3A_479 : vector<1x16xf32> to vector<16xf32>
        %swap3A_481 = vector.shape_cast %add3A_464 : vector<16xf32> to vector<1x16xf32>
        tpu.vector_store %arg17[%swap3A_477, %swap3A_478], %swap3A_481 {strides = array<i32>} : memref<128x32xf32, #tpu.memory_space<vmem>>, vector<1x16xf32>,
      }
      %scan3A_113 = arith.constant 32 : i32
      %dma_start3A_114 = arith.constant 0 : i32
      %dma_start3A_115 = tpu.memref_slice %arg4[%add3A_34, %dma_start3A_114] : memref<16384x32xf32, #tpu.memory_space<hbm>> -> memref<128x32xf32, #tpu.memory_space<hbm>>
      %dma_start3A_116 = arith.constant 0 : i32
      %dma_start3A_117 = tpu.memref_slice %arg4[%add3A_34, %dma_start3A_116] : memref<16384x32xf32, #tpu.memory_space<hbm>> -> memref<128x32xf32, #tpu.memory_space<hbm>>
      tpu.enqueue_dma source(%arg17 : memref<128x32xf32, #tpu.memory_space<vmem>>) target(%dma_start3A_117 : memref<128x32xf32, #tpu.memory_space<hbm>>) target_semaphore(%arg29 : memref<!tpu.dma_semaphore, #tpu.memory_space<semaphore_mem>>)
      %mul3A_118 = arith.constant 2 : i32
      %mul3A_119 = arith.muli %mul3A_118, %scan3A_27 : i32
      %add3A_120 = arith.constant 1 : i32
      %add3A_121 = arith.addi %mul3A_119, %add3A_120 : i32
      %mul3A_122 = arith.constant 128 : i32
      %mul3A_123 = arith.muli %add3A_121, %mul3A_122 : i32
      %add3A_124 = arith.addi %mul3A_2, %mul3A_123 : i32
      %dma_wait3A_125 = arith.constant 0 : i32
      %dma_wait3A_126 = arith.constant 0 : i32
      %dma_wait3A_127 = tpu.memref_slice %arg2[%dma_wait3A_125, %dma_wait3A_126] : memref<16384x200xi32, #tpu.memory_space<hbm>> -> memref<128x104xi32, #tpu.memory_space<hbm>>
      %dma_wait3A_128 = arith.constant 0 : i32
      %dma_wait3A_129 = arith.constant 0 : i32
      %dma_wait3A_130 = tpu.memref_slice %arg2[%dma_wait3A_128, %dma_wait3A_129] : memref<16384x200xi32, #tpu.memory_space<hbm>> -> memref<128x104xi32, #tpu.memory_space<hbm>>
      tpu.wait_dma2 semaphore(%arg20 : memref<!tpu.dma_semaphore, #tpu.memory_space<semaphore_mem>>) src(%dma_wait3A_130 : memref<128x104xi32, #tpu.memory_space<hbm>>) dst(%arg7 : memref<128x104xi32, #tpu.memory_space<vmem>>)
      %dma_wait3A_131 = arith.constant 0 : i32
      %dma_wait3A_132 = arith.constant 0 : i32
      %dma_wait3A_133 = tpu.memref_slice %arg2[%dma_wait3A_131, %dma_wait3A_132] : memref<16384x200xi32, #tpu.memory_space<hbm>> -> memref<128x104xi32, #tpu.memory_space<hbm>>
      %dma_wait3A_134 = arith.constant 0 : i32
      %dma_wait3A_135 = arith.constant 0 : i32
      %dma_wait3A_136 = tpu.memref_slice %arg2[%dma_wait3A_134, %dma_wait3A_135] : memref<16384x200xi32, #tpu.memory_space<hbm>> -> memref<128x104xi32, #tpu.memory_space<hbm>>
      tpu.wait_dma2 semaphore(%arg20 : memref<!tpu.dma_semaphore, #tpu.memory_space<semaphore_mem>>) src(%dma_wait3A_136 : memref<128x104xi32, #tpu.memory_space<hbm>>) dst(%arg8 : memref<128x104xi32, #tpu.memory_space<vmem>>)
      %lt3A_137 = arith.constant 3 : i32
      %lt3A_138 = arith.cmpi slt, %add3A_121, %lt3A_137 : i32
      %convert_element_type3A_139 = arith.extui %lt3A_138 : i1 to i32
      %cond3A_140 = arith.constant 0 : i32
      %cond3A_141 = arith.cmpi ne, %convert_element_type3A_139, %cond3A_140 : i32
      scf.if %cond3A_141 {
        %add3A_212 = arith.constant 1 : i32
        %add3A_213 = arith.addi %add3A_121, %add3A_212 : i32
        %mul3A_214 = arith.constant 128 : i32
        %mul3A_215 = arith.muli %add3A_213, %mul3A_214 : i32
        %add3A_216 = arith.addi %mul3A_2, %mul3A_215 : i32
        %dma_start3A_217 = arith.constant 0 : i32
        %dma_start3A_218 = tpu.memref_slice %arg2[%add3A_216, %dma_start3A_217] : memref<16384x200xi32, #tpu.memory_space<hbm>> -> memref<128x104xi32, #tpu.memory_space<hbm>>
        %dma_start3A_219 = arith.constant 0 : i32
        %dma_start3A_220 = tpu.memref_slice %arg2[%add3A_216, %dma_start3A_219] : memref<16384x200xi32, #tpu.memory_space<hbm>> -> memref<128x104xi32, #tpu.memory_space<hbm>>
        tpu.enqueue_dma source(%dma_start3A_220 : memref<128x104xi32, #tpu.memory_space<hbm>>) target(%arg5 : memref<128x104xi32, #tpu.memory_space<vmem>>) target_semaphore(%arg19 : memref<!tpu.dma_semaphore, #tpu.memory_space<semaphore_mem>>)
        %dma_start3A_221 = arith.constant 96 : i32
        %dma_start3A_222 = tpu.memref_slice %arg2[%add3A_216, %dma_start3A_221] : memref<16384x200xi32, #tpu.memory_space<hbm>> -> memref<128x104xi32, #tpu.memory_space<hbm>>
        %dma_start3A_223 = arith.constant 96 : i32
        %dma_start3A_224 = tpu.memref_slice %arg2[%add3A_216, %dma_start3A_223] : memref<16384x200xi32, #tpu.memory_space<hbm>> -> memref<128x104xi32, #tpu.memory_space<hbm>>
        tpu.enqueue_dma source(%dma_start3A_224 : memref<128x104xi32, #tpu.memory_space<hbm>>) target(%arg6 : memref<128x104xi32, #tpu.memory_space<vmem>>) target_semaphore(%arg19 : memref<!tpu.dma_semaphore, #tpu.memory_space<semaphore_mem>>)
      } else {
      }
      %ge3A_142 = arith.constant 2 : i32
      %ge3A_143 = arith.cmpi sge, %add3A_121, %ge3A_142 : i32
      %convert_element_type3A_144 = arith.extui %ge3A_143 : i1 to i32
      %cond3A_145 = arith.constant 0 : i32
      %cond3A_146 = arith.cmpi ne, %convert_element_type3A_144, %cond3A_145 : i32
      scf.if %cond3A_146 {
        %dma_wait3A_212 = arith.constant 0 : i32
        %dma_wait3A_213 = arith.constant 0 : i32
        %dma_wait3A_214 = tpu.memref_slice %arg4[%dma_wait3A_212, %dma_wait3A_213] : memref<16384x32xf32, #tpu.memory_space<hbm>> -> memref<128x32xf32, #tpu.memory_space<hbm>>
        %dma_wait3A_215 = arith.constant 0 : i32
        %dma_wait3A_216 = arith.constant 0 : i32
        %dma_wait3A_217 = tpu.memref_slice %arg4[%dma_wait3A_215, %dma_wait3A_216] : memref<16384x32xf32, #tpu.memory_space<hbm>> -> memref<128x32xf32, #tpu.memory_space<hbm>>
        tpu.wait_dma2 semaphore(%arg30 : memref<!tpu.dma_semaphore, #tpu.memory_space<semaphore_mem>>) src(%arg18 : memref<128x32xf32, #tpu.memory_space<vmem>>) dst(%dma_wait3A_217 : memref<128x32xf32, #tpu.memory_space<hbm>>)
      } else {
      }
      %dma_start3A_147 = arith.constant 0 : i32
      %dma_start3A_148 = arith.constant 0 : i32
      %dma_start3A_149 = tpu.memref_slice %arg7[%dma_start3A_147, %dma_start3A_148] : memref<128x104xi32, #tpu.memory_space<vmem>> -> memref<1x104xi32, #tpu.memory_space<vmem>>
      %dma_start3A_150 = tpu.memref_squeeze %dma_start3A_149 : memref<1x104xi32, #tpu.memory_space<vmem>> -> memref<104xi32, #tpu.memory_space<vmem>>
      %dma_start3A_151 = arith.constant 0 : i32
      %dma_start3A_152 = arith.constant 0 : i32
      %dma_start3A_153 = tpu.memref_slice %arg3[%dma_start3A_151, %dma_start3A_152] : memref<1000000x32xf32, #tpu.memory_space<hbm>> -> memref<1000000x32xf32, #tpu.memory_space<hbm>>
      tpu.enqueue_indirect_dma source(%dma_start3A_153 : memref<1000000x32xf32, #tpu.memory_space<hbm>>) target(%arg9 : memref<104x32xf32, #tpu.memory_space<vmem>>) offsets(%dma_start3A_150 : memref<104xi32, #tpu.memory_space<vmem>>) semaphore(%arg21 : memref<!tpu.dma_semaphore, #tpu.memory_space<semaphore_mem>>)
      %dma_start3A_154 = arith.constant 0 : i32
      %dma_start3A_155 = arith.constant 0 : i32
      %dma_start3A_156 = tpu.memref_slice %arg8[%dma_start3A_154, %dma_start3A_155] : memref<128x104xi32, #tpu.memory_space<vmem>> -> memref<1x104xi32, #tpu.memory_space<vmem>>
      %dma_start3A_157 = tpu.memref_squeeze %dma_start3A_156 : memref<1x104xi32, #tpu.memory_space<vmem>> -> memref<104xi32, #tpu.memory_space<vmem>>
      %dma_start3A_158 = arith.constant 0 : i32
      %dma_start3A_159 = arith.constant 0 : i32
      %dma_start3A_160 = tpu.memref_slice %arg3[%dma_start3A_158, %dma_start3A_159] : memref<1000000x32xf32, #tpu.memory_space<hbm>> -> memref<1000000x32xf32, #tpu.memory_space<hbm>>
      tpu.enqueue_indirect_dma source(%dma_start3A_160 : memref<1000000x32xf32, #tpu.memory_space<hbm>>) target(%arg10 : memref<104x32xf32, #tpu.memory_space<vmem>>) offsets(%dma_start3A_157 : memref<104xi32, #tpu.memory_space<vmem>>) semaphore(%arg22 : memref<!tpu.dma_semaphore, #tpu.memory_space<semaphore_mem>>)
      %dma_start3A_161 = arith.constant 1 : i32
      %dma_start3A_162 = arith.constant 0 : i32
      %dma_start3A_163 = tpu.memref_slice %arg7[%dma_start3A_161, %dma_start3A_162] : memref<128x104xi32, #tpu.memory_space<vmem>> -> memref<1x104xi32, #tpu.memory_space<vmem>>
      %dma_start3A_164 = tpu.memref_squeeze %dma_start3A_163 : memref<1x104xi32, #tpu.memory_space<vmem>> -> memref<104xi32, #tpu.memory_space<vmem>>
      %dma_start3A_165 = arith.constant 0 : i32
      %dma_start3A_166 = arith.constant 0 : i32
      %dma_start3A_167 = tpu.memref_slice %arg3[%dma_start3A_165, %dma_start3A_166] : memref<1000000x32xf32, #tpu.memory_space<hbm>> -> memref<1000000x32xf32, #tpu.memory_space<hbm>>
      tpu.enqueue_indirect_dma source(%dma_start3A_167 : memref<1000000x32xf32, #tpu.memory_space<hbm>>) target(%arg11 : memref<104x32xf32, #tpu.memory_space<vmem>>) offsets(%dma_start3A_164 : memref<104xi32, #tpu.memory_space<vmem>>) semaphore(%arg23 : memref<!tpu.dma_semaphore, #tpu.memory_space<semaphore_mem>>)
      %dma_start3A_168 = arith.constant 1 : i32
      %dma_start3A_169 = arith.constant 0 : i32
      %dma_start3A_170 = tpu.memref_slice %arg8[%dma_start3A_168, %dma_start3A_169] : memref<128x104xi32, #tpu.memory_space<vmem>> -> memref<1x104xi32, #tpu.memory_space<vmem>>
      %dma_start3A_171 = tpu.memref_squeeze %dma_start3A_170 : memref<1x104xi32, #tpu.memory_space<vmem>> -> memref<104xi32, #tpu.memory_space<vmem>>
      %dma_start3A_172 = arith.constant 0 : i32
      %dma_start3A_173 = arith.constant 0 : i32
      %dma_start3A_174 = tpu.memref_slice %arg3[%dma_start3A_172, %dma_start3A_173] : memref<1000000x32xf32, #tpu.memory_space<hbm>> -> memref<1000000x32xf32, #tpu.memory_space<hbm>>
      tpu.enqueue_indirect_dma source(%dma_start3A_174 : memref<1000000x32xf32, #tpu.memory_space<hbm>>) target(%arg12 : memref<104x32xf32, #tpu.memory_space<vmem>>) offsets(%dma_start3A_171 : memref<104xi32, #tpu.memory_space<vmem>>) semaphore(%arg24 : memref<!tpu.dma_semaphore, #tpu.memory_space<semaphore_mem>>)
      %dma_start3A_175 = arith.constant 2 : i32
      %dma_start3A_176 = arith.constant 0 : i32
      %dma_start3A_177 = tpu.memref_slice %arg7[%dma_start3A_175, %dma_start3A_176] : memref<128x104xi32, #tpu.memory_space<vmem>> -> memref<1x104xi32, #tpu.memory_space<vmem>>
      %dma_start3A_178 = tpu.memref_squeeze %dma_start3A_177 : memref<1x104xi32, #tpu.memory_space<vmem>> -> memref<104xi32, #tpu.memory_space<vmem>>
      %dma_start3A_179 = arith.constant 0 : i32
      %dma_start3A_180 = arith.constant 0 : i32
      %dma_start3A_181 = tpu.memref_slice %arg3[%dma_start3A_179, %dma_start3A_180] : memref<1000000x32xf32, #tpu.memory_space<hbm>> -> memref<1000000x32xf32, #tpu.memory_space<hbm>>
      tpu.enqueue_indirect_dma source(%dma_start3A_181 : memref<1000000x32xf32, #tpu.memory_space<hbm>>) target(%arg13 : memref<104x32xf32, #tpu.memory_space<vmem>>) offsets(%dma_start3A_178 : memref<104xi32, #tpu.memory_space<vmem>>) semaphore(%arg25 : memref<!tpu.dma_semaphore, #tpu.memory_space<semaphore_mem>>)
      %dma_start3A_182 = arith.constant 2 : i32
      %dma_start3A_183 = arith.constant 0 : i32
      %dma_start3A_184 = tpu.memref_slice %arg8[%dma_start3A_182, %dma_start3A_183] : memref<128x104xi32, #tpu.memory_space<vmem>> -> memref<1x104xi32, #tpu.memory_space<vmem>>
      %dma_start3A_185 = tpu.memref_squeeze %dma_start3A_184 : memref<1x104xi32, #tpu.memory_space<vmem>> -> memref<104xi32, #tpu.memory_space<vmem>>
      %dma_start3A_186 = arith.constant 0 : i32
      %dma_start3A_187 = arith.constant 0 : i32
      %dma_start3A_188 = tpu.memref_slice %arg3[%dma_start3A_186, %dma_start3A_187] : memref<1000000x32xf32, #tpu.memory_space<hbm>> -> memref<1000000x32xf32, #tpu.memory_space<hbm>>
      tpu.enqueue_indirect_dma source(%dma_start3A_188 : memref<1000000x32xf32, #tpu.memory_space<hbm>>) target(%arg14 : memref<104x32xf32, #tpu.memory_space<vmem>>) offsets(%dma_start3A_185 : memref<104xi32, #tpu.memory_space<vmem>>) semaphore(%arg26 : memref<!tpu.dma_semaphore, #tpu.memory_space<semaphore_mem>>)
      %dma_start3A_189 = arith.constant 3 : i32
      %dma_start3A_190 = arith.constant 0 : i32
      %dma_start3A_191 = tpu.memref_slice %arg7[%dma_start3A_189, %dma_start3A_190] : memref<128x104xi32, #tpu.memory_space<vmem>> -> memref<1x104xi32, #tpu.memory_space<vmem>>
      %dma_start3A_192 = tpu.memref_squeeze %dma_start3A_191 : memref<1x104xi32, #tpu.memory_space<vmem>> -> memref<104xi32, #tpu.memory_space<vmem>>
      %dma_start3A_193 = arith.constant 0 : i32
      %dma_start3A_194 = arith.constant 0 : i32
      %dma_start3A_195 = tpu.memref_slice %arg3[%dma_start3A_193, %dma_start3A_194] : memref<1000000x32xf32, #tpu.memory_space<hbm>> -> memref<1000000x32xf32, #tpu.memory_space<hbm>>
      tpu.enqueue_indirect_dma source(%dma_start3A_195 : memref<1000000x32xf32, #tpu.memory_space<hbm>>) target(%arg15 : memref<104x32xf32, #tpu.memory_space<vmem>>) offsets(%dma_start3A_192 : memref<104xi32, #tpu.memory_space<vmem>>) semaphore(%arg27 : memref<!tpu.dma_semaphore, #tpu.memory_space<semaphore_mem>>)
      %dma_start3A_196 = arith.constant 3 : i32
      %dma_start3A_197 = arith.constant 0 : i32
      %dma_start3A_198 = tpu.memref_slice %arg8[%dma_start3A_196, %dma_start3A_197] : memref<128x104xi32, #tpu.memory_space<vmem>> -> memref<1x104xi32, #tpu.memory_space<vmem>>
      %dma_start3A_199 = tpu.memref_squeeze %dma_start3A_198 : memref<1x104xi32, #tpu.memory_space<vmem>> -> memref<104xi32, #tpu.memory_space<vmem>>
      %dma_start3A_200 = arith.constant 0 : i32
      %dma_start3A_201 = arith.constant 0 : i32
      %dma_start3A_202 = tpu.memref_slice %arg3[%dma_start3A_200, %dma_start3A_201] : memref<1000000x32xf32, #tpu.memory_space<hbm>> -> memref<1000000x32xf32, #tpu.memory_space<hbm>>
      tpu.enqueue_indirect_dma source(%dma_start3A_202 : memref<1000000x32xf32, #tpu.memory_space<hbm>>) target(%arg16 : memref<104x32xf32, #tpu.memory_space<vmem>>) offsets(%dma_start3A_199 : memref<104xi32, #tpu.memory_space<vmem>>) semaphore(%arg28 : memref<!tpu.dma_semaphore, #tpu.memory_space<semaphore_mem>>)
      %scan3A_203 = arith.constant 0 : i32
      %scan3A_204 = arith.constant 32 : i32
      %scan3A_205 = arith.addi %scan3A_203, %scan3A_204 : i32
      %scan3A_206 = arith.constant 1 : i32
      scf.for %scan3A_212 = %scan3A_203 to %scan3A_205 step %scan3A_206  : i32 {
        %broadcast_in_dim3A = arith.constant 0.000000e+00 : f32
        %broadcast_in_dim3A_213 = vector.broadcast %broadcast_in_dim3A : f32 to vector<16xf32>
        %mul3A_214 = arith.constant 4 : i32
        %mul3A_215 = arith.muli %mul3A_214, %scan3A_212 : i32
        %add3A_216 = arith.constant 0 : i32
        %add3A_217 = arith.addi %mul3A_215, %add3A_216 : i32
        %dma_wait3A_218 = arith.constant 0 : i32
        %dma_wait3A_219 = arith.constant 0 : i32
        %dma_wait3A_220 = tpu.memref_slice %arg7[%dma_wait3A_218, %dma_wait3A_219] : memref<128x104xi32, #tpu.memory_space<vmem>> -> memref<1x104xi32, #tpu.memory_space<vmem>>
        %dma_wait3A_221 = tpu.memref_squeeze %dma_wait3A_220 : memref<1x104xi32, #tpu.memory_space<vmem>> -> memref<104xi32, #tpu.memory_space<vmem>>
        %dma_wait3A_222 = arith.constant 0 : i32
        %dma_wait3A_223 = arith.constant 0 : i32
        %dma_wait3A_224 = tpu.memref_slice %arg3[%dma_wait3A_222, %dma_wait3A_223] : memref<1000000x32xf32, #tpu.memory_space<hbm>> -> memref<1000000x32xf32, #tpu.memory_space<hbm>>
        tpu.wait_indirect_dma semaphore(%arg21 : memref<!tpu.dma_semaphore, #tpu.memory_space<semaphore_mem>>) src(%dma_wait3A_224 : memref<1000000x32xf32, #tpu.memory_space<hbm>>) dst(%arg9 : memref<104x32xf32, #tpu.memory_space<vmem>>)
        %broadcast_in_dim3A_225 = arith.constant 0.000000e+00 : f32
        %broadcast_in_dim3A_226 = vector.broadcast %broadcast_in_dim3A_225 : f32 to vector<16xf32>
        %parallel_loop3A = arith.constant 0 : i32
        %parallel_loop3A_227 = arith.constant 100 : i32
        %parallel_loop3A_228 = arith.constant 4 : i32
        %parallel_loop3A_229:8 = scf.for %parallel_loop3A_482 = %parallel_loop3A to %parallel_loop3A_227 step %parallel_loop3A_228 iter_args(%parallel_loop3A_483 = %broadcast_in_dim3A_213, %parallel_loop3A_484 = %broadcast_in_dim3A_213, %parallel_loop3A_485 = %broadcast_in_dim3A_226, %parallel_loop3A_486 = %broadcast_in_dim3A_226, %parallel_loop3A_487 = %broadcast_in_dim3A_226, %parallel_loop3A_488 = %broadcast_in_dim3A_226, %parallel_loop3A_489 = %broadcast_in_dim3A_226, %parallel_loop3A_490 = %broadcast_in_dim3A_226) -> (vector<16xf32>, vector<16xf32>, vector<16xf32>, vector<16xf32>, vector<16xf32>, vector<16xf32>, vector<16xf32>, vector<16xf32>)  : i32 {
          %parallel_loop3A_491 = arith.constant 0 : i32
          %parallel_loop3A_492 = arith.addi %parallel_loop3A_482, %parallel_loop3A_491 : i32
          %parallel_loop3A_493 = arith.index_cast %parallel_loop3A_492 : i32 to index
          %parallel_loop3A_494 = arith.constant 0 : index
          %parallel_loop3A_495 = tpu.vector_load %arg9[%parallel_loop3A_493, %parallel_loop3A_494] {strides = array<i32>} : memref<104x32xf32, #tpu.memory_space<vmem>>, vector<1x16xf32>,
          %parallel_loop3A_496 = vector.shape_cast %parallel_loop3A_495 : vector<1x16xf32> to vector<16xf32>
          %parallel_loop3A_497 = arith.addf %parallel_loop3A_483, %parallel_loop3A_496 : vector<16xf32>
          %parallel_loop3A_498 = arith.constant 0 : i32
          %parallel_loop3A_499 = arith.addi %parallel_loop3A_482, %parallel_loop3A_498 : i32
          %parallel_loop3A_500 = arith.index_cast %parallel_loop3A_499 : i32 to index
          %parallel_loop3A_501 = arith.constant 16 : index
          %parallel_loop3A_502 = tpu.vector_load %arg9[%parallel_loop3A_500, %parallel_loop3A_501] {strides = array<i32>} : memref<104x32xf32, #tpu.memory_space<vmem>>, vector<1x16xf32>,
          %parallel_loop3A_503 = vector.shape_cast %parallel_loop3A_502 : vector<1x16xf32> to vector<16xf32>
          %parallel_loop3A_504 = arith.addf %parallel_loop3A_484, %parallel_loop3A_503 : vector<16xf32>
          %parallel_loop3A_505 = arith.constant 1 : i32
          %parallel_loop3A_506 = arith.addi %parallel_loop3A_482, %parallel_loop3A_505 : i32
          %parallel_loop3A_507 = arith.index_cast %parallel_loop3A_506 : i32 to index
          %parallel_loop3A_508 = arith.constant 0 : index
          %parallel_loop3A_509 = tpu.vector_load %arg9[%parallel_loop3A_507, %parallel_loop3A_508] {strides = array<i32>} : memref<104x32xf32, #tpu.memory_space<vmem>>, vector<1x16xf32>,
          %parallel_loop3A_510 = vector.shape_cast %parallel_loop3A_509 : vector<1x16xf32> to vector<16xf32>
          %parallel_loop3A_511 = arith.addf %parallel_loop3A_485, %parallel_loop3A_510 : vector<16xf32>
          %parallel_loop3A_512 = arith.constant 1 : i32
          %parallel_loop3A_513 = arith.addi %parallel_loop3A_482, %parallel_loop3A_512 : i32
          %parallel_loop3A_514 = arith.index_cast %parallel_loop3A_513 : i32 to index
          %parallel_loop3A_515 = arith.constant 16 : index
          %parallel_loop3A_516 = tpu.vector_load %arg9[%parallel_loop3A_514, %parallel_loop3A_515] {strides = array<i32>} : memref<104x32xf32, #tpu.memory_space<vmem>>, vector<1x16xf32>,
          %parallel_loop3A_517 = vector.shape_cast %parallel_loop3A_516 : vector<1x16xf32> to vector<16xf32>
          %parallel_loop3A_518 = arith.addf %parallel_loop3A_486, %parallel_loop3A_517 : vector<16xf32>
          %parallel_loop3A_519 = arith.constant 2 : i32
          %parallel_loop3A_520 = arith.addi %parallel_loop3A_482, %parallel_loop3A_519 : i32
          %parallel_loop3A_521 = arith.index_cast %parallel_loop3A_520 : i32 to index
          %parallel_loop3A_522 = arith.constant 0 : index
          %parallel_loop3A_523 = tpu.vector_load %arg9[%parallel_loop3A_521, %parallel_loop3A_522] {strides = array<i32>} : memref<104x32xf32, #tpu.memory_space<vmem>>, vector<1x16xf32>,
          %parallel_loop3A_524 = vector.shape_cast %parallel_loop3A_523 : vector<1x16xf32> to vector<16xf32>
          %parallel_loop3A_525 = arith.addf %parallel_loop3A_487, %parallel_loop3A_524 : vector<16xf32>
          %parallel_loop3A_526 = arith.constant 2 : i32
          %parallel_loop3A_527 = arith.addi %parallel_loop3A_482, %parallel_loop3A_526 : i32
          %parallel_loop3A_528 = arith.index_cast %parallel_loop3A_527 : i32 to index
          %parallel_loop3A_529 = arith.constant 16 : index
          %parallel_loop3A_530 = tpu.vector_load %arg9[%parallel_loop3A_528, %parallel_loop3A_529] {strides = array<i32>} : memref<104x32xf32, #tpu.memory_space<vmem>>, vector<1x16xf32>,
          %parallel_loop3A_531 = vector.shape_cast %parallel_loop3A_530 : vector<1x16xf32> to vector<16xf32>
          %parallel_loop3A_532 = arith.addf %parallel_loop3A_488, %parallel_loop3A_531 : vector<16xf32>
          %parallel_loop3A_533 = arith.constant 3 : i32
          %parallel_loop3A_534 = arith.addi %parallel_loop3A_482, %parallel_loop3A_533 : i32
          %parallel_loop3A_535 = arith.index_cast %parallel_loop3A_534 : i32 to index
          %parallel_loop3A_536 = arith.constant 0 : index
          %parallel_loop3A_537 = tpu.vector_load %arg9[%parallel_loop3A_535, %parallel_loop3A_536] {strides = array<i32>} : memref<104x32xf32, #tpu.memory_space<vmem>>, vector<1x16xf32>,
          %parallel_loop3A_538 = vector.shape_cast %parallel_loop3A_537 : vector<1x16xf32> to vector<16xf32>
          %parallel_loop3A_539 = arith.addf %parallel_loop3A_489, %parallel_loop3A_538 : vector<16xf32>
          %parallel_loop3A_540 = arith.constant 3 : i32
          %parallel_loop3A_541 = arith.addi %parallel_loop3A_482, %parallel_loop3A_540 : i32
          %parallel_loop3A_542 = arith.index_cast %parallel_loop3A_541 : i32 to index
          %parallel_loop3A_543 = arith.constant 16 : index
          %parallel_loop3A_544 = tpu.vector_load %arg9[%parallel_loop3A_542, %parallel_loop3A_543] {strides = array<i32>} : memref<104x32xf32, #tpu.memory_space<vmem>>, vector<1x16xf32>,
          %parallel_loop3A_545 = vector.shape_cast %parallel_loop3A_544 : vector<1x16xf32> to vector<16xf32>
          %parallel_loop3A_546 = arith.addf %parallel_loop3A_490, %parallel_loop3A_545 : vector<16xf32>
          scf.yield %parallel_loop3A_497, %parallel_loop3A_504, %parallel_loop3A_511, %parallel_loop3A_518, %parallel_loop3A_525, %parallel_loop3A_532, %parallel_loop3A_539, %parallel_loop3A_546 : vector<16xf32>, vector<16xf32>, vector<16xf32>, vector<16xf32>, vector<16xf32>, vector<16xf32>, vector<16xf32>, vector<16xf32>
        } {sc.loop_unroll_factor = 2 : i64, sc.parallel_access}
        %add3A_230 = arith.addf %parallel_loop3A_229#0, %parallel_loop3A_229#2 : vector<16xf32>
        %add3A_231 = arith.addf %add3A_230, %parallel_loop3A_229#4 : vector<16xf32>
        %add3A_232 = arith.addf %add3A_231, %parallel_loop3A_229#6 : vector<16xf32>
        %add3A_233 = arith.addf %parallel_loop3A_229#1, %parallel_loop3A_229#3 : vector<16xf32>
        %add3A_234 = arith.addf %add3A_233, %parallel_loop3A_229#5 : vector<16xf32>
        %add3A_235 = arith.addf %add3A_234, %parallel_loop3A_229#7 : vector<16xf32>
        %add3A_236 = arith.constant 4 : i32
        %add3A_237 = arith.addi %add3A_217, %add3A_236 : i32
        %lt3A_238 = arith.constant 128 : i32
        %lt3A_239 = arith.cmpi slt, %add3A_237, %lt3A_238 : i32
        %convert_element_type3A_240 = arith.extui %lt3A_239 : i1 to i32
        %cond3A_241 = arith.constant 0 : i32
        %cond3A_242 = arith.cmpi ne, %convert_element_type3A_240, %cond3A_241 : i32
        scf.if %cond3A_242 {
          %add3A_482 = arith.constant 4 : i32
          %add3A_483 = arith.addi %add3A_217, %add3A_482 : i32
          %dma_start3A_484 = arith.constant 0 : i32
          %dma_start3A_485 = tpu.memref_slice %arg7[%add3A_483, %dma_start3A_484] : memref<128x104xi32, #tpu.memory_space<vmem>> -> memref<1x104xi32, #tpu.memory_space<vmem>>
          %dma_start3A_486 = tpu.memref_squeeze %dma_start3A_485 : memref<1x104xi32, #tpu.memory_space<vmem>> -> memref<104xi32, #tpu.memory_space<vmem>>
          %dma_start3A_487 = arith.constant 0 : i32
          %dma_start3A_488 = arith.constant 0 : i32
          %dma_start3A_489 = tpu.memref_slice %arg3[%dma_start3A_487, %dma_start3A_488] : memref<1000000x32xf32, #tpu.memory_space<hbm>> -> memref<1000000x32xf32, #tpu.memory_space<hbm>>
          tpu.enqueue_indirect_dma source(%dma_start3A_489 : memref<1000000x32xf32, #tpu.memory_space<hbm>>) target(%arg9 : memref<104x32xf32, #tpu.memory_space<vmem>>) offsets(%dma_start3A_486 : memref<104xi32, #tpu.memory_space<vmem>>) semaphore(%arg21 : memref<!tpu.dma_semaphore, #tpu.memory_space<semaphore_mem>>)
        } else {
        }
        %dma_wait3A_243 = arith.constant 0 : i32
        %dma_wait3A_244 = arith.constant 0 : i32
        %dma_wait3A_245 = tpu.memref_slice %arg7[%dma_wait3A_243, %dma_wait3A_244] : memref<128x104xi32, #tpu.memory_space<vmem>> -> memref<1x104xi32, #tpu.memory_space<vmem>>
        %dma_wait3A_246 = tpu.memref_squeeze %dma_wait3A_245 : memref<1x104xi32, #tpu.memory_space<vmem>> -> memref<104xi32, #tpu.memory_space<vmem>>
        %dma_wait3A_247 = arith.constant 0 : i32
        %dma_wait3A_248 = arith.constant 0 : i32
        %dma_wait3A_249 = tpu.memref_slice %arg3[%dma_wait3A_247, %dma_wait3A_248] : memref<1000000x32xf32, #tpu.memory_space<hbm>> -> memref<1000000x32xf32, #tpu.memory_space<hbm>>
        tpu.wait_indirect_dma semaphore(%arg22 : memref<!tpu.dma_semaphore, #tpu.memory_space<semaphore_mem>>) src(%dma_wait3A_249 : memref<1000000x32xf32, #tpu.memory_space<hbm>>) dst(%arg10 : memref<104x32xf32, #tpu.memory_space<vmem>>)
        %broadcast_in_dim3A_250 = arith.constant 0.000000e+00 : f32
        %broadcast_in_dim3A_251 = vector.broadcast %broadcast_in_dim3A_250 : f32 to vector<16xf32>
        %parallel_loop3A_252 = arith.constant 4 : i32
        %parallel_loop3A_253 = arith.constant 104 : i32
        %parallel_loop3A_254 = arith.constant 4 : i32
        %parallel_loop3A_255:8 = scf.for %parallel_loop3A_482 = %parallel_loop3A_252 to %parallel_loop3A_253 step %parallel_loop3A_254 iter_args(%parallel_loop3A_483 = %add3A_232, %parallel_loop3A_484 = %add3A_235, %parallel_loop3A_485 = %broadcast_in_dim3A_251, %parallel_loop3A_486 = %broadcast_in_dim3A_251, %parallel_loop3A_487 = %broadcast_in_dim3A_251, %parallel_loop3A_488 = %broadcast_in_dim3A_251, %parallel_loop3A_489 = %broadcast_in_dim3A_251, %parallel_loop3A_490 = %broadcast_in_dim3A_251) -> (vector<16xf32>, vector<16xf32>, vector<16xf32>, vector<16xf32>, vector<16xf32>, vector<16xf32>, vector<16xf32>, vector<16xf32>)  : i32 {
          %parallel_loop3A_491 = arith.constant 0 : i32
          %parallel_loop3A_492 = arith.addi %parallel_loop3A_482, %parallel_loop3A_491 : i32
          %parallel_loop3A_493 = arith.index_cast %parallel_loop3A_492 : i32 to index
          %parallel_loop3A_494 = arith.constant 0 : index
          %parallel_loop3A_495 = tpu.vector_load %arg10[%parallel_loop3A_493, %parallel_loop3A_494] {strides = array<i32>} : memref<104x32xf32, #tpu.memory_space<vmem>>, vector<1x16xf32>,
          %parallel_loop3A_496 = vector.shape_cast %parallel_loop3A_495 : vector<1x16xf32> to vector<16xf32>
          %parallel_loop3A_497 = arith.addf %parallel_loop3A_483, %parallel_loop3A_496 : vector<16xf32>
          %parallel_loop3A_498 = arith.constant 0 : i32
          %parallel_loop3A_499 = arith.addi %parallel_loop3A_482, %parallel_loop3A_498 : i32
          %parallel_loop3A_500 = arith.index_cast %parallel_loop3A_499 : i32 to index
          %parallel_loop3A_501 = arith.constant 16 : index
          %parallel_loop3A_502 = tpu.vector_load %arg10[%parallel_loop3A_500, %parallel_loop3A_501] {strides = array<i32>} : memref<104x32xf32, #tpu.memory_space<vmem>>, vector<1x16xf32>,
          %parallel_loop3A_503 = vector.shape_cast %parallel_loop3A_502 : vector<1x16xf32> to vector<16xf32>
          %parallel_loop3A_504 = arith.addf %parallel_loop3A_484, %parallel_loop3A_503 : vector<16xf32>
          %parallel_loop3A_505 = arith.constant 1 : i32
          %parallel_loop3A_506 = arith.addi %parallel_loop3A_482, %parallel_loop3A_505 : i32
          %parallel_loop3A_507 = arith.index_cast %parallel_loop3A_506 : i32 to index
          %parallel_loop3A_508 = arith.constant 0 : index
          %parallel_loop3A_509 = tpu.vector_load %arg10[%parallel_loop3A_507, %parallel_loop3A_508] {strides = array<i32>} : memref<104x32xf32, #tpu.memory_space<vmem>>, vector<1x16xf32>,
          %parallel_loop3A_510 = vector.shape_cast %parallel_loop3A_509 : vector<1x16xf32> to vector<16xf32>
          %parallel_loop3A_511 = arith.addf %parallel_loop3A_485, %parallel_loop3A_510 : vector<16xf32>
          %parallel_loop3A_512 = arith.constant 1 : i32
          %parallel_loop3A_513 = arith.addi %parallel_loop3A_482, %parallel_loop3A_512 : i32
          %parallel_loop3A_514 = arith.index_cast %parallel_loop3A_513 : i32 to index
          %parallel_loop3A_515 = arith.constant 16 : index
          %parallel_loop3A_516 = tpu.vector_load %arg10[%parallel_loop3A_514, %parallel_loop3A_515] {strides = array<i32>} : memref<104x32xf32, #tpu.memory_space<vmem>>, vector<1x16xf32>,
          %parallel_loop3A_517 = vector.shape_cast %parallel_loop3A_516 : vector<1x16xf32> to vector<16xf32>
          %parallel_loop3A_518 = arith.addf %parallel_loop3A_486, %parallel_loop3A_517 : vector<16xf32>
          %parallel_loop3A_519 = arith.constant 2 : i32
          %parallel_loop3A_520 = arith.addi %parallel_loop3A_482, %parallel_loop3A_519 : i32
          %parallel_loop3A_521 = arith.index_cast %parallel_loop3A_520 : i32 to index
          %parallel_loop3A_522 = arith.constant 0 : index
          %parallel_loop3A_523 = tpu.vector_load %arg10[%parallel_loop3A_521, %parallel_loop3A_522] {strides = array<i32>} : memref<104x32xf32, #tpu.memory_space<vmem>>, vector<1x16xf32>,
          %parallel_loop3A_524 = vector.shape_cast %parallel_loop3A_523 : vector<1x16xf32> to vector<16xf32>
          %parallel_loop3A_525 = arith.addf %parallel_loop3A_487, %parallel_loop3A_524 : vector<16xf32>
          %parallel_loop3A_526 = arith.constant 2 : i32
          %parallel_loop3A_527 = arith.addi %parallel_loop3A_482, %parallel_loop3A_526 : i32
          %parallel_loop3A_528 = arith.index_cast %parallel_loop3A_527 : i32 to index
          %parallel_loop3A_529 = arith.constant 16 : index
          %parallel_loop3A_530 = tpu.vector_load %arg10[%parallel_loop3A_528, %parallel_loop3A_529] {strides = array<i32>} : memref<104x32xf32, #tpu.memory_space<vmem>>, vector<1x16xf32>,
          %parallel_loop3A_531 = vector.shape_cast %parallel_loop3A_530 : vector<1x16xf32> to vector<16xf32>
          %parallel_loop3A_532 = arith.addf %parallel_loop3A_488, %parallel_loop3A_531 : vector<16xf32>
          %parallel_loop3A_533 = arith.constant 3 : i32
          %parallel_loop3A_534 = arith.addi %parallel_loop3A_482, %parallel_loop3A_533 : i32
          %parallel_loop3A_535 = arith.index_cast %parallel_loop3A_534 : i32 to index
          %parallel_loop3A_536 = arith.constant 0 : index
          %parallel_loop3A_537 = tpu.vector_load %arg10[%parallel_loop3A_535, %parallel_loop3A_536] {strides = array<i32>} : memref<104x32xf32, #tpu.memory_space<vmem>>, vector<1x16xf32>,
          %parallel_loop3A_538 = vector.shape_cast %parallel_loop3A_537 : vector<1x16xf32> to vector<16xf32>
          %parallel_loop3A_539 = arith.addf %parallel_loop3A_489, %parallel_loop3A_538 : vector<16xf32>
          %parallel_loop3A_540 = arith.constant 3 : i32
          %parallel_loop3A_541 = arith.addi %parallel_loop3A_482, %parallel_loop3A_540 : i32
          %parallel_loop3A_542 = arith.index_cast %parallel_loop3A_541 : i32 to index
          %parallel_loop3A_543 = arith.constant 16 : index
          %parallel_loop3A_544 = tpu.vector_load %arg10[%parallel_loop3A_542, %parallel_loop3A_543] {strides = array<i32>} : memref<104x32xf32, #tpu.memory_space<vmem>>, vector<1x16xf32>,
          %parallel_loop3A_545 = vector.shape_cast %parallel_loop3A_544 : vector<1x16xf32> to vector<16xf32>
          %parallel_loop3A_546 = arith.addf %parallel_loop3A_490, %parallel_loop3A_545 : vector<16xf32>
          scf.yield %parallel_loop3A_497, %parallel_loop3A_504, %parallel_loop3A_511, %parallel_loop3A_518, %parallel_loop3A_525, %parallel_loop3A_532, %parallel_loop3A_539, %parallel_loop3A_546 : vector<16xf32>, vector<16xf32>, vector<16xf32>, vector<16xf32>, vector<16xf32>, vector<16xf32>, vector<16xf32>, vector<16xf32>
        } {sc.loop_unroll_factor = 2 : i64, sc.parallel_access}
        %add3A_256 = arith.addf %parallel_loop3A_255#0, %parallel_loop3A_255#2 : vector<16xf32>
        %add3A_257 = arith.addf %add3A_256, %parallel_loop3A_255#4 : vector<16xf32>
        %add3A_258 = arith.addf %add3A_257, %parallel_loop3A_255#6 : vector<16xf32>
        %add3A_259 = arith.addf %parallel_loop3A_255#1, %parallel_loop3A_255#3 : vector<16xf32>
        %add3A_260 = arith.addf %add3A_259, %parallel_loop3A_255#5 : vector<16xf32>
        %add3A_261 = arith.addf %add3A_260, %parallel_loop3A_255#7 : vector<16xf32>
        %add3A_262 = arith.constant 4 : i32
        %add3A_263 = arith.addi %add3A_217, %add3A_262 : i32
        %lt3A_264 = arith.constant 128 : i32
        %lt3A_265 = arith.cmpi slt, %add3A_263, %lt3A_264 : i32
        %convert_element_type3A_266 = arith.extui %lt3A_265 : i1 to i32
        %cond3A_267 = arith.constant 0 : i32
        %cond3A_268 = arith.cmpi ne, %convert_element_type3A_266, %cond3A_267 : i32
        scf.if %cond3A_268 {
          %add3A_482 = arith.constant 4 : i32
          %add3A_483 = arith.addi %add3A_217, %add3A_482 : i32
          %dma_start3A_484 = arith.constant 0 : i32
          %dma_start3A_485 = tpu.memref_slice %arg8[%add3A_483, %dma_start3A_484] : memref<128x104xi32, #tpu.memory_space<vmem>> -> memref<1x104xi32, #tpu.memory_space<vmem>>
          %dma_start3A_486 = tpu.memref_squeeze %dma_start3A_485 : memref<1x104xi32, #tpu.memory_space<vmem>> -> memref<104xi32, #tpu.memory_space<vmem>>
          %dma_start3A_487 = arith.constant 0 : i32
          %dma_start3A_488 = arith.constant 0 : i32
          %dma_start3A_489 = tpu.memref_slice %arg3[%dma_start3A_487, %dma_start3A_488] : memref<1000000x32xf32, #tpu.memory_space<hbm>> -> memref<1000000x32xf32, #tpu.memory_space<hbm>>
          tpu.enqueue_indirect_dma source(%dma_start3A_489 : memref<1000000x32xf32, #tpu.memory_space<hbm>>) target(%arg10 : memref<104x32xf32, #tpu.memory_space<vmem>>) offsets(%dma_start3A_486 : memref<104xi32, #tpu.memory_space<vmem>>) semaphore(%arg22 : memref<!tpu.dma_semaphore, #tpu.memory_space<semaphore_mem>>)
        } else {
        }
        %swap3A = arith.index_cast %add3A_217 : i32 to index
        %swap3A_269 = arith.constant 0 : index
        %swap3A_270 = tpu.vector_load %arg18[%swap3A, %swap3A_269] {strides = array<i32>} : memref<128x32xf32, #tpu.memory_space<vmem>>, vector<1x16xf32>,
        %swap3A_271 = vector.shape_cast %swap3A_270 : vector<1x16xf32> to vector<16xf32>
        %swap3A_272 = vector.shape_cast %add3A_258 : vector<16xf32> to vector<1x16xf32>
        tpu.vector_store %arg18[%swap3A, %swap3A_269], %swap3A_272 {strides = array<i32>} : memref<128x32xf32, #tpu.memory_space<vmem>>, vector<1x16xf32>,
        %swap3A_273 = arith.index_cast %add3A_217 : i32 to index
        %swap3A_274 = arith.constant 16 : index
        %swap3A_275 = tpu.vector_load %arg18[%swap3A_273, %swap3A_274] {strides = array<i32>} : memref<128x32xf32, #tpu.memory_space<vmem>>, vector<1x16xf32>,
        %swap3A_276 = vector.shape_cast %swap3A_275 : vector<1x16xf32> to vector<16xf32>
        %swap3A_277 = vector.shape_cast %add3A_261 : vector<16xf32> to vector<1x16xf32>
        tpu.vector_store %arg18[%swap3A_273, %swap3A_274], %swap3A_277 {strides = array<i32>} : memref<128x32xf32, #tpu.memory_space<vmem>>, vector<1x16xf32>,
        %broadcast_in_dim3A_278 = arith.constant 0.000000e+00 : f32
        %broadcast_in_dim3A_279 = vector.broadcast %broadcast_in_dim3A_278 : f32 to vector<16xf32>
        %mul3A_280 = arith.constant 4 : i32
        %mul3A_281 = arith.muli %mul3A_280, %scan3A_212 : i32
        %add3A_282 = arith.constant 1 : i32
        %add3A_283 = arith.addi %mul3A_281, %add3A_282 : i32
        %dma_wait3A_284 = arith.constant 0 : i32
        %dma_wait3A_285 = arith.constant 0 : i32
        %dma_wait3A_286 = tpu.memref_slice %arg7[%dma_wait3A_284, %dma_wait3A_285] : memref<128x104xi32, #tpu.memory_space<vmem>> -> memref<1x104xi32, #tpu.memory_space<vmem>>
        %dma_wait3A_287 = tpu.memref_squeeze %dma_wait3A_286 : memref<1x104xi32, #tpu.memory_space<vmem>> -> memref<104xi32, #tpu.memory_space<vmem>>
        %dma_wait3A_288 = arith.constant 0 : i32
        %dma_wait3A_289 = arith.constant 0 : i32
        %dma_wait3A_290 = tpu.memref_slice %arg3[%dma_wait3A_288, %dma_wait3A_289] : memref<1000000x32xf32, #tpu.memory_space<hbm>> -> memref<1000000x32xf32, #tpu.memory_space<hbm>>
        tpu.wait_indirect_dma semaphore(%arg23 : memref<!tpu.dma_semaphore, #tpu.memory_space<semaphore_mem>>) src(%dma_wait3A_290 : memref<1000000x32xf32, #tpu.memory_space<hbm>>) dst(%arg11 : memref<104x32xf32, #tpu.memory_space<vmem>>)
        %broadcast_in_dim3A_291 = arith.constant 0.000000e+00 : f32
        %broadcast_in_dim3A_292 = vector.broadcast %broadcast_in_dim3A_291 : f32 to vector<16xf32>
        %parallel_loop3A_293 = arith.constant 0 : i32
        %parallel_loop3A_294 = arith.constant 100 : i32
        %parallel_loop3A_295 = arith.constant 4 : i32
        %parallel_loop3A_296:8 = scf.for %parallel_loop3A_482 = %parallel_loop3A_293 to %parallel_loop3A_294 step %parallel_loop3A_295 iter_args(%parallel_loop3A_483 = %broadcast_in_dim3A_279, %parallel_loop3A_484 = %broadcast_in_dim3A_279, %parallel_loop3A_485 = %broadcast_in_dim3A_292, %parallel_loop3A_486 = %broadcast_in_dim3A_292, %parallel_loop3A_487 = %broadcast_in_dim3A_292, %parallel_loop3A_488 = %broadcast_in_dim3A_292, %parallel_loop3A_489 = %broadcast_in_dim3A_292, %parallel_loop3A_490 = %broadcast_in_dim3A_292) -> (vector<16xf32>, vector<16xf32>, vector<16xf32>, vector<16xf32>, vector<16xf32>, vector<16xf32>, vector<16xf32>, vector<16xf32>)  : i32 {
          %parallel_loop3A_491 = arith.constant 0 : i32
          %parallel_loop3A_492 = arith.addi %parallel_loop3A_482, %parallel_loop3A_491 : i32
          %parallel_loop3A_493 = arith.index_cast %parallel_loop3A_492 : i32 to index
          %parallel_loop3A_494 = arith.constant 0 : index
          %parallel_loop3A_495 = tpu.vector_load %arg11[%parallel_loop3A_493, %parallel_loop3A_494] {strides = array<i32>} : memref<104x32xf32, #tpu.memory_space<vmem>>, vector<1x16xf32>,
          %parallel_loop3A_496 = vector.shape_cast %parallel_loop3A_495 : vector<1x16xf32> to vector<16xf32>
          %parallel_loop3A_497 = arith.addf %parallel_loop3A_483, %parallel_loop3A_496 : vector<16xf32>
          %parallel_loop3A_498 = arith.constant 0 : i32
          %parallel_loop3A_499 = arith.addi %parallel_loop3A_482, %parallel_loop3A_498 : i32
          %parallel_loop3A_500 = arith.index_cast %parallel_loop3A_499 : i32 to index
          %parallel_loop3A_501 = arith.constant 16 : index
          %parallel_loop3A_502 = tpu.vector_load %arg11[%parallel_loop3A_500, %parallel_loop3A_501] {strides = array<i32>} : memref<104x32xf32, #tpu.memory_space<vmem>>, vector<1x16xf32>,
          %parallel_loop3A_503 = vector.shape_cast %parallel_loop3A_502 : vector<1x16xf32> to vector<16xf32>
          %parallel_loop3A_504 = arith.addf %parallel_loop3A_484, %parallel_loop3A_503 : vector<16xf32>
          %parallel_loop3A_505 = arith.constant 1 : i32
          %parallel_loop3A_506 = arith.addi %parallel_loop3A_482, %parallel_loop3A_505 : i32
          %parallel_loop3A_507 = arith.index_cast %parallel_loop3A_506 : i32 to index
          %parallel_loop3A_508 = arith.constant 0 : index
          %parallel_loop3A_509 = tpu.vector_load %arg11[%parallel_loop3A_507, %parallel_loop3A_508] {strides = array<i32>} : memref<104x32xf32, #tpu.memory_space<vmem>>, vector<1x16xf32>,
          %parallel_loop3A_510 = vector.shape_cast %parallel_loop3A_509 : vector<1x16xf32> to vector<16xf32>
          %parallel_loop3A_511 = arith.addf %parallel_loop3A_485, %parallel_loop3A_510 : vector<16xf32>
          %parallel_loop3A_512 = arith.constant 1 : i32
          %parallel_loop3A_513 = arith.addi %parallel_loop3A_482, %parallel_loop3A_512 : i32
          %parallel_loop3A_514 = arith.index_cast %parallel_loop3A_513 : i32 to index
          %parallel_loop3A_515 = arith.constant 16 : index
          %parallel_loop3A_516 = tpu.vector_load %arg11[%parallel_loop3A_514, %parallel_loop3A_515] {strides = array<i32>} : memref<104x32xf32, #tpu.memory_space<vmem>>, vector<1x16xf32>,
          %parallel_loop3A_517 = vector.shape_cast %parallel_loop3A_516 : vector<1x16xf32> to vector<16xf32>
          %parallel_loop3A_518 = arith.addf %parallel_loop3A_486, %parallel_loop3A_517 : vector<16xf32>
          %parallel_loop3A_519 = arith.constant 2 : i32
          %parallel_loop3A_520 = arith.addi %parallel_loop3A_482, %parallel_loop3A_519 : i32
          %parallel_loop3A_521 = arith.index_cast %parallel_loop3A_520 : i32 to index
          %parallel_loop3A_522 = arith.constant 0 : index
          %parallel_loop3A_523 = tpu.vector_load %arg11[%parallel_loop3A_521, %parallel_loop3A_522] {strides = array<i32>} : memref<104x32xf32, #tpu.memory_space<vmem>>, vector<1x16xf32>,
          %parallel_loop3A_524 = vector.shape_cast %parallel_loop3A_523 : vector<1x16xf32> to vector<16xf32>
          %parallel_loop3A_525 = arith.addf %parallel_loop3A_487, %parallel_loop3A_524 : vector<16xf32>
          %parallel_loop3A_526 = arith.constant 2 : i32
          %parallel_loop3A_527 = arith.addi %parallel_loop3A_482, %parallel_loop3A_526 : i32
          %parallel_loop3A_528 = arith.index_cast %parallel_loop3A_527 : i32 to index
          %parallel_loop3A_529 = arith.constant 16 : index
          %parallel_loop3A_530 = tpu.vector_load %arg11[%parallel_loop3A_528, %parallel_loop3A_529] {strides = array<i32>} : memref<104x32xf32, #tpu.memory_space<vmem>>, vector<1x16xf32>,
          %parallel_loop3A_531 = vector.shape_cast %parallel_loop3A_530 : vector<1x16xf32> to vector<16xf32>
          %parallel_loop3A_532 = arith.addf %parallel_loop3A_488, %parallel_loop3A_531 : vector<16xf32>
          %parallel_loop3A_533 = arith.constant 3 : i32
          %parallel_loop3A_534 = arith.addi %parallel_loop3A_482, %parallel_loop3A_533 : i32
          %parallel_loop3A_535 = arith.index_cast %parallel_loop3A_534 : i32 to index
          %parallel_loop3A_536 = arith.constant 0 : index
          %parallel_loop3A_537 = tpu.vector_load %arg11[%parallel_loop3A_535, %parallel_loop3A_536] {strides = array<i32>} : memref<104x32xf32, #tpu.memory_space<vmem>>, vector<1x16xf32>,
          %parallel_loop3A_538 = vector.shape_cast %parallel_loop3A_537 : vector<1x16xf32> to vector<16xf32>
          %parallel_loop3A_539 = arith.addf %parallel_loop3A_489, %parallel_loop3A_538 : vector<16xf32>
          %parallel_loop3A_540 = arith.constant 3 : i32
          %parallel_loop3A_541 = arith.addi %parallel_loop3A_482, %parallel_loop3A_540 : i32
          %parallel_loop3A_542 = arith.index_cast %parallel_loop3A_541 : i32 to index
          %parallel_loop3A_543 = arith.constant 16 : index
          %parallel_loop3A_544 = tpu.vector_load %arg11[%parallel_loop3A_542, %parallel_loop3A_543] {strides = array<i32>} : memref<104x32xf32, #tpu.memory_space<vmem>>, vector<1x16xf32>,
          %parallel_loop3A_545 = vector.shape_cast %parallel_loop3A_544 : vector<1x16xf32> to vector<16xf32>
          %parallel_loop3A_546 = arith.addf %parallel_loop3A_490, %parallel_loop3A_545 : vector<16xf32>
          scf.yield %parallel_loop3A_497, %parallel_loop3A_504, %parallel_loop3A_511, %parallel_loop3A_518, %parallel_loop3A_525, %parallel_loop3A_532, %parallel_loop3A_539, %parallel_loop3A_546 : vector<16xf32>, vector<16xf32>, vector<16xf32>, vector<16xf32>, vector<16xf32>, vector<16xf32>, vector<16xf32>, vector<16xf32>
        } {sc.loop_unroll_factor = 2 : i64, sc.parallel_access}
        %add3A_297 = arith.addf %parallel_loop3A_296#0, %parallel_loop3A_296#2 : vector<16xf32>
        %add3A_298 = arith.addf %add3A_297, %parallel_loop3A_296#4 : vector<16xf32>
        %add3A_299 = arith.addf %add3A_298, %parallel_loop3A_296#6 : vector<16xf32>
        %add3A_300 = arith.addf %parallel_loop3A_296#1, %parallel_loop3A_296#3 : vector<16xf32>
        %add3A_301 = arith.addf %add3A_300, %parallel_loop3A_296#5 : vector<16xf32>
        %add3A_302 = arith.addf %add3A_301, %parallel_loop3A_296#7 : vector<16xf32>
        %add3A_303 = arith.constant 4 : i32
        %add3A_304 = arith.addi %add3A_283, %add3A_303 : i32
        %lt3A_305 = arith.constant 128 : i32
        %lt3A_306 = arith.cmpi slt, %add3A_304, %lt3A_305 : i32
        %convert_element_type3A_307 = arith.extui %lt3A_306 : i1 to i32
        %cond3A_308 = arith.constant 0 : i32
        %cond3A_309 = arith.cmpi ne, %convert_element_type3A_307, %cond3A_308 : i32
        scf.if %cond3A_309 {
          %add3A_482 = arith.constant 4 : i32
          %add3A_483 = arith.addi %add3A_283, %add3A_482 : i32
          %dma_start3A_484 = arith.constant 0 : i32
          %dma_start3A_485 = tpu.memref_slice %arg7[%add3A_483, %dma_start3A_484] : memref<128x104xi32, #tpu.memory_space<vmem>> -> memref<1x104xi32, #tpu.memory_space<vmem>>
          %dma_start3A_486 = tpu.memref_squeeze %dma_start3A_485 : memref<1x104xi32, #tpu.memory_space<vmem>> -> memref<104xi32, #tpu.memory_space<vmem>>
          %dma_start3A_487 = arith.constant 0 : i32
          %dma_start3A_488 = arith.constant 0 : i32
          %dma_start3A_489 = tpu.memref_slice %arg3[%dma_start3A_487, %dma_start3A_488] : memref<1000000x32xf32, #tpu.memory_space<hbm>> -> memref<1000000x32xf32, #tpu.memory_space<hbm>>
          tpu.enqueue_indirect_dma source(%dma_start3A_489 : memref<1000000x32xf32, #tpu.memory_space<hbm>>) target(%arg11 : memref<104x32xf32, #tpu.memory_space<vmem>>) offsets(%dma_start3A_486 : memref<104xi32, #tpu.memory_space<vmem>>) semaphore(%arg23 : memref<!tpu.dma_semaphore, #tpu.memory_space<semaphore_mem>>)
        } else {
        }
        %dma_wait3A_310 = arith.constant 0 : i32
        %dma_wait3A_311 = arith.constant 0 : i32
        %dma_wait3A_312 = tpu.memref_slice %arg7[%dma_wait3A_310, %dma_wait3A_311] : memref<128x104xi32, #tpu.memory_space<vmem>> -> memref<1x104xi32, #tpu.memory_space<vmem>>
        %dma_wait3A_313 = tpu.memref_squeeze %dma_wait3A_312 : memref<1x104xi32, #tpu.memory_space<vmem>> -> memref<104xi32, #tpu.memory_space<vmem>>
        %dma_wait3A_314 = arith.constant 0 : i32
        %dma_wait3A_315 = arith.constant 0 : i32
        %dma_wait3A_316 = tpu.memref_slice %arg3[%dma_wait3A_314, %dma_wait3A_315] : memref<1000000x32xf32, #tpu.memory_space<hbm>> -> memref<1000000x32xf32, #tpu.memory_space<hbm>>
        tpu.wait_indirect_dma semaphore(%arg24 : memref<!tpu.dma_semaphore, #tpu.memory_space<semaphore_mem>>) src(%dma_wait3A_316 : memref<1000000x32xf32, #tpu.memory_space<hbm>>) dst(%arg12 : memref<104x32xf32, #tpu.memory_space<vmem>>)
        %broadcast_in_dim3A_317 = arith.constant 0.000000e+00 : f32
        %broadcast_in_dim3A_318 = vector.broadcast %broadcast_in_dim3A_317 : f32 to vector<16xf32>
        %parallel_loop3A_319 = arith.constant 4 : i32
        %parallel_loop3A_320 = arith.constant 104 : i32
        %parallel_loop3A_321 = arith.constant 4 : i32
        %parallel_loop3A_322:8 = scf.for %parallel_loop3A_482 = %parallel_loop3A_319 to %parallel_loop3A_320 step %parallel_loop3A_321 iter_args(%parallel_loop3A_483 = %add3A_299, %parallel_loop3A_484 = %add3A_302, %parallel_loop3A_485 = %broadcast_in_dim3A_318, %parallel_loop3A_486 = %broadcast_in_dim3A_318, %parallel_loop3A_487 = %broadcast_in_dim3A_318, %parallel_loop3A_488 = %broadcast_in_dim3A_318, %parallel_loop3A_489 = %broadcast_in_dim3A_318, %parallel_loop3A_490 = %broadcast_in_dim3A_318) -> (vector<16xf32>, vector<16xf32>, vector<16xf32>, vector<16xf32>, vector<16xf32>, vector<16xf32>, vector<16xf32>, vector<16xf32>)  : i32 {
          %parallel_loop3A_491 = arith.constant 0 : i32
          %parallel_loop3A_492 = arith.addi %parallel_loop3A_482, %parallel_loop3A_491 : i32
          %parallel_loop3A_493 = arith.index_cast %parallel_loop3A_492 : i32 to index
          %parallel_loop3A_494 = arith.constant 0 : index
          %parallel_loop3A_495 = tpu.vector_load %arg12[%parallel_loop3A_493, %parallel_loop3A_494] {strides = array<i32>} : memref<104x32xf32, #tpu.memory_space<vmem>>, vector<1x16xf32>,
          %parallel_loop3A_496 = vector.shape_cast %parallel_loop3A_495 : vector<1x16xf32> to vector<16xf32>
          %parallel_loop3A_497 = arith.addf %parallel_loop3A_483, %parallel_loop3A_496 : vector<16xf32>
          %parallel_loop3A_498 = arith.constant 0 : i32
          %parallel_loop3A_499 = arith.addi %parallel_loop3A_482, %parallel_loop3A_498 : i32
          %parallel_loop3A_500 = arith.index_cast %parallel_loop3A_499 : i32 to index
          %parallel_loop3A_501 = arith.constant 16 : index
          %parallel_loop3A_502 = tpu.vector_load %arg12[%parallel_loop3A_500, %parallel_loop3A_501] {strides = array<i32>} : memref<104x32xf32, #tpu.memory_space<vmem>>, vector<1x16xf32>,
          %parallel_loop3A_503 = vector.shape_cast %parallel_loop3A_502 : vector<1x16xf32> to vector<16xf32>
          %parallel_loop3A_504 = arith.addf %parallel_loop3A_484, %parallel_loop3A_503 : vector<16xf32>
          %parallel_loop3A_505 = arith.constant 1 : i32
          %parallel_loop3A_506 = arith.addi %parallel_loop3A_482, %parallel_loop3A_505 : i32
          %parallel_loop3A_507 = arith.index_cast %parallel_loop3A_506 : i32 to index
          %parallel_loop3A_508 = arith.constant 0 : index
          %parallel_loop3A_509 = tpu.vector_load %arg12[%parallel_loop3A_507, %parallel_loop3A_508] {strides = array<i32>} : memref<104x32xf32, #tpu.memory_space<vmem>>, vector<1x16xf32>,
          %parallel_loop3A_510 = vector.shape_cast %parallel_loop3A_509 : vector<1x16xf32> to vector<16xf32>
          %parallel_loop3A_511 = arith.addf %parallel_loop3A_485, %parallel_loop3A_510 : vector<16xf32>
          %parallel_loop3A_512 = arith.constant 1 : i32
          %parallel_loop3A_513 = arith.addi %parallel_loop3A_482, %parallel_loop3A_512 : i32
          %parallel_loop3A_514 = arith.index_cast %parallel_loop3A_513 : i32 to index
          %parallel_loop3A_515 = arith.constant 16 : index
          %parallel_loop3A_516 = tpu.vector_load %arg12[%parallel_loop3A_514, %parallel_loop3A_515] {strides = array<i32>} : memref<104x32xf32, #tpu.memory_space<vmem>>, vector<1x16xf32>,
          %parallel_loop3A_517 = vector.shape_cast %parallel_loop3A_516 : vector<1x16xf32> to vector<16xf32>
          %parallel_loop3A_518 = arith.addf %parallel_loop3A_486, %parallel_loop3A_517 : vector<16xf32>
          %parallel_loop3A_519 = arith.constant 2 : i32
          %parallel_loop3A_520 = arith.addi %parallel_loop3A_482, %parallel_loop3A_519 : i32
          %parallel_loop3A_521 = arith.index_cast %parallel_loop3A_520 : i32 to index
          %parallel_loop3A_522 = arith.constant 0 : index
          %parallel_loop3A_523 = tpu.vector_load %arg12[%parallel_loop3A_521, %parallel_loop3A_522] {strides = array<i32>} : memref<104x32xf32, #tpu.memory_space<vmem>>, vector<1x16xf32>,
          %parallel_loop3A_524 = vector.shape_cast %parallel_loop3A_523 : vector<1x16xf32> to vector<16xf32>
          %parallel_loop3A_525 = arith.addf %parallel_loop3A_487, %parallel_loop3A_524 : vector<16xf32>
          %parallel_loop3A_526 = arith.constant 2 : i32
          %parallel_loop3A_527 = arith.addi %parallel_loop3A_482, %parallel_loop3A_526 : i32
          %parallel_loop3A_528 = arith.index_cast %parallel_loop3A_527 : i32 to index
          %parallel_loop3A_529 = arith.constant 16 : index
          %parallel_loop3A_530 = tpu.vector_load %arg12[%parallel_loop3A_528, %parallel_loop3A_529] {strides = array<i32>} : memref<104x32xf32, #tpu.memory_space<vmem>>, vector<1x16xf32>,
          %parallel_loop3A_531 = vector.shape_cast %parallel_loop3A_530 : vector<1x16xf32> to vector<16xf32>
          %parallel_loop3A_532 = arith.addf %parallel_loop3A_488, %parallel_loop3A_531 : vector<16xf32>
          %parallel_loop3A_533 = arith.constant 3 : i32
          %parallel_loop3A_534 = arith.addi %parallel_loop3A_482, %parallel_loop3A_533 : i32
          %parallel_loop3A_535 = arith.index_cast %parallel_loop3A_534 : i32 to index
          %parallel_loop3A_536 = arith.constant 0 : index
          %parallel_loop3A_537 = tpu.vector_load %arg12[%parallel_loop3A_535, %parallel_loop3A_536] {strides = array<i32>} : memref<104x32xf32, #tpu.memory_space<vmem>>, vector<1x16xf32>,
          %parallel_loop3A_538 = vector.shape_cast %parallel_loop3A_537 : vector<1x16xf32> to vector<16xf32>
          %parallel_loop3A_539 = arith.addf %parallel_loop3A_489, %parallel_loop3A_538 : vector<16xf32>
          %parallel_loop3A_540 = arith.constant 3 : i32
          %parallel_loop3A_541 = arith.addi %parallel_loop3A_482, %parallel_loop3A_540 : i32
          %parallel_loop3A_542 = arith.index_cast %parallel_loop3A_541 : i32 to index
          %parallel_loop3A_543 = arith.constant 16 : index
          %parallel_loop3A_544 = tpu.vector_load %arg12[%parallel_loop3A_542, %parallel_loop3A_543] {strides = array<i32>} : memref<104x32xf32, #tpu.memory_space<vmem>>, vector<1x16xf32>,
          %parallel_loop3A_545 = vector.shape_cast %parallel_loop3A_544 : vector<1x16xf32> to vector<16xf32>
          %parallel_loop3A_546 = arith.addf %parallel_loop3A_490, %parallel_loop3A_545 : vector<16xf32>
          scf.yield %parallel_loop3A_497, %parallel_loop3A_504, %parallel_loop3A_511, %parallel_loop3A_518, %parallel_loop3A_525, %parallel_loop3A_532, %parallel_loop3A_539, %parallel_loop3A_546 : vector<16xf32>, vector<16xf32>, vector<16xf32>, vector<16xf32>, vector<16xf32>, vector<16xf32>, vector<16xf32>, vector<16xf32>
        } {sc.loop_unroll_factor = 2 : i64, sc.parallel_access}
        %add3A_323 = arith.addf %parallel_loop3A_322#0, %parallel_loop3A_322#2 : vector<16xf32>
        %add3A_324 = arith.addf %add3A_323, %parallel_loop3A_322#4 : vector<16xf32>
        %add3A_325 = arith.addf %add3A_324, %parallel_loop3A_322#6 : vector<16xf32>
        %add3A_326 = arith.addf %parallel_loop3A_322#1, %parallel_loop3A_322#3 : vector<16xf32>
        %add3A_327 = arith.addf %add3A_326, %parallel_loop3A_322#5 : vector<16xf32>
        %add3A_328 = arith.addf %add3A_327, %parallel_loop3A_322#7 : vector<16xf32>
        %add3A_329 = arith.constant 4 : i32
        %add3A_330 = arith.addi %add3A_283, %add3A_329 : i32
        %lt3A_331 = arith.constant 128 : i32
        %lt3A_332 = arith.cmpi slt, %add3A_330, %lt3A_331 : i32
        %convert_element_type3A_333 = arith.extui %lt3A_332 : i1 to i32
        %cond3A_334 = arith.constant 0 : i32
        %cond3A_335 = arith.cmpi ne, %convert_element_type3A_333, %cond3A_334 : i32
        scf.if %cond3A_335 {
          %add3A_482 = arith.constant 4 : i32
          %add3A_483 = arith.addi %add3A_283, %add3A_482 : i32
          %dma_start3A_484 = arith.constant 0 : i32
          %dma_start3A_485 = tpu.memref_slice %arg8[%add3A_483, %dma_start3A_484] : memref<128x104xi32, #tpu.memory_space<vmem>> -> memref<1x104xi32, #tpu.memory_space<vmem>>
          %dma_start3A_486 = tpu.memref_squeeze %dma_start3A_485 : memref<1x104xi32, #tpu.memory_space<vmem>> -> memref<104xi32, #tpu.memory_space<vmem>>
          %dma_start3A_487 = arith.constant 0 : i32
          %dma_start3A_488 = arith.constant 0 : i32
          %dma_start3A_489 = tpu.memref_slice %arg3[%dma_start3A_487, %dma_start3A_488] : memref<1000000x32xf32, #tpu.memory_space<hbm>> -> memref<1000000x32xf32, #tpu.memory_space<hbm>>
          tpu.enqueue_indirect_dma source(%dma_start3A_489 : memref<1000000x32xf32, #tpu.memory_space<hbm>>) target(%arg12 : memref<104x32xf32, #tpu.memory_space<vmem>>) offsets(%dma_start3A_486 : memref<104xi32, #tpu.memory_space<vmem>>) semaphore(%arg24 : memref<!tpu.dma_semaphore, #tpu.memory_space<semaphore_mem>>)
        } else {
        }
        %swap3A_336 = arith.index_cast %add3A_283 : i32 to index
        %swap3A_337 = arith.constant 0 : index
        %swap3A_338 = tpu.vector_load %arg18[%swap3A_336, %swap3A_337] {strides = array<i32>} : memref<128x32xf32, #tpu.memory_space<vmem>>, vector<1x16xf32>,
        %swap3A_339 = vector.shape_cast %swap3A_338 : vector<1x16xf32> to vector<16xf32>
        %swap3A_340 = vector.shape_cast %add3A_325 : vector<16xf32> to vector<1x16xf32>
        tpu.vector_store %arg18[%swap3A_336, %swap3A_337], %swap3A_340 {strides = array<i32>} : memref<128x32xf32, #tpu.memory_space<vmem>>, vector<1x16xf32>,
        %swap3A_341 = arith.index_cast %add3A_283 : i32 to index
        %swap3A_342 = arith.constant 16 : index
        %swap3A_343 = tpu.vector_load %arg18[%swap3A_341, %swap3A_342] {strides = array<i32>} : memref<128x32xf32, #tpu.memory_space<vmem>>, vector<1x16xf32>,
        %swap3A_344 = vector.shape_cast %swap3A_343 : vector<1x16xf32> to vector<16xf32>
        %swap3A_345 = vector.shape_cast %add3A_328 : vector<16xf32> to vector<1x16xf32>
        tpu.vector_store %arg18[%swap3A_341, %swap3A_342], %swap3A_345 {strides = array<i32>} : memref<128x32xf32, #tpu.memory_space<vmem>>, vector<1x16xf32>,
        %broadcast_in_dim3A_346 = arith.constant 0.000000e+00 : f32
        %broadcast_in_dim3A_347 = vector.broadcast %broadcast_in_dim3A_346 : f32 to vector<16xf32>
        %mul3A_348 = arith.constant 4 : i32
        %mul3A_349 = arith.muli %mul3A_348, %scan3A_212 : i32
        %add3A_350 = arith.constant 2 : i32
        %add3A_351 = arith.addi %mul3A_349, %add3A_350 : i32
        %dma_wait3A_352 = arith.constant 0 : i32
        %dma_wait3A_353 = arith.constant 0 : i32
        %dma_wait3A_354 = tpu.memref_slice %arg7[%dma_wait3A_352, %dma_wait3A_353] : memref<128x104xi32, #tpu.memory_space<vmem>> -> memref<1x104xi32, #tpu.memory_space<vmem>>
        %dma_wait3A_355 = tpu.memref_squeeze %dma_wait3A_354 : memref<1x104xi32, #tpu.memory_space<vmem>> -> memref<104xi32, #tpu.memory_space<vmem>>
        %dma_wait3A_356 = arith.constant 0 : i32
        %dma_wait3A_357 = arith.constant 0 : i32
        %dma_wait3A_358 = tpu.memref_slice %arg3[%dma_wait3A_356, %dma_wait3A_357] : memref<1000000x32xf32, #tpu.memory_space<hbm>> -> memref<1000000x32xf32, #tpu.memory_space<hbm>>
        tpu.wait_indirect_dma semaphore(%arg25 : memref<!tpu.dma_semaphore, #tpu.memory_space<semaphore_mem>>) src(%dma_wait3A_358 : memref<1000000x32xf32, #tpu.memory_space<hbm>>) dst(%arg13 : memref<104x32xf32, #tpu.memory_space<vmem>>)
        %broadcast_in_dim3A_359 = arith.constant 0.000000e+00 : f32
        %broadcast_in_dim3A_360 = vector.broadcast %broadcast_in_dim3A_359 : f32 to vector<16xf32>
        %parallel_loop3A_361 = arith.constant 0 : i32
        %parallel_loop3A_362 = arith.constant 100 : i32
        %parallel_loop3A_363 = arith.constant 4 : i32
        %parallel_loop3A_364:8 = scf.for %parallel_loop3A_482 = %parallel_loop3A_361 to %parallel_loop3A_362 step %parallel_loop3A_363 iter_args(%parallel_loop3A_483 = %broadcast_in_dim3A_347, %parallel_loop3A_484 = %broadcast_in_dim3A_347, %parallel_loop3A_485 = %broadcast_in_dim3A_360, %parallel_loop3A_486 = %broadcast_in_dim3A_360, %parallel_loop3A_487 = %broadcast_in_dim3A_360, %parallel_loop3A_488 = %broadcast_in_dim3A_360, %parallel_loop3A_489 = %broadcast_in_dim3A_360, %parallel_loop3A_490 = %broadcast_in_dim3A_360) -> (vector<16xf32>, vector<16xf32>, vector<16xf32>, vector<16xf32>, vector<16xf32>, vector<16xf32>, vector<16xf32>, vector<16xf32>)  : i32 {
          %parallel_loop3A_491 = arith.constant 0 : i32
          %parallel_loop3A_492 = arith.addi %parallel_loop3A_482, %parallel_loop3A_491 : i32
          %parallel_loop3A_493 = arith.index_cast %parallel_loop3A_492 : i32 to index
          %parallel_loop3A_494 = arith.constant 0 : index
          %parallel_loop3A_495 = tpu.vector_load %arg13[%parallel_loop3A_493, %parallel_loop3A_494] {strides = array<i32>} : memref<104x32xf32, #tpu.memory_space<vmem>>, vector<1x16xf32>,
          %parallel_loop3A_496 = vector.shape_cast %parallel_loop3A_495 : vector<1x16xf32> to vector<16xf32>
          %parallel_loop3A_497 = arith.addf %parallel_loop3A_483, %parallel_loop3A_496 : vector<16xf32>
          %parallel_loop3A_498 = arith.constant 0 : i32
          %parallel_loop3A_499 = arith.addi %parallel_loop3A_482, %parallel_loop3A_498 : i32
          %parallel_loop3A_500 = arith.index_cast %parallel_loop3A_499 : i32 to index
          %parallel_loop3A_501 = arith.constant 16 : index
          %parallel_loop3A_502 = tpu.vector_load %arg13[%parallel_loop3A_500, %parallel_loop3A_501] {strides = array<i32>} : memref<104x32xf32, #tpu.memory_space<vmem>>, vector<1x16xf32>,
          %parallel_loop3A_503 = vector.shape_cast %parallel_loop3A_502 : vector<1x16xf32> to vector<16xf32>
          %parallel_loop3A_504 = arith.addf %parallel_loop3A_484, %parallel_loop3A_503 : vector<16xf32>
          %parallel_loop3A_505 = arith.constant 1 : i32
          %parallel_loop3A_506 = arith.addi %parallel_loop3A_482, %parallel_loop3A_505 : i32
          %parallel_loop3A_507 = arith.index_cast %parallel_loop3A_506 : i32 to index
          %parallel_loop3A_508 = arith.constant 0 : index
          %parallel_loop3A_509 = tpu.vector_load %arg13[%parallel_loop3A_507, %parallel_loop3A_508] {strides = array<i32>} : memref<104x32xf32, #tpu.memory_space<vmem>>, vector<1x16xf32>,
          %parallel_loop3A_510 = vector.shape_cast %parallel_loop3A_509 : vector<1x16xf32> to vector<16xf32>
          %parallel_loop3A_511 = arith.addf %parallel_loop3A_485, %parallel_loop3A_510 : vector<16xf32>
          %parallel_loop3A_512 = arith.constant 1 : i32
          %parallel_loop3A_513 = arith.addi %parallel_loop3A_482, %parallel_loop3A_512 : i32
          %parallel_loop3A_514 = arith.index_cast %parallel_loop3A_513 : i32 to index
          %parallel_loop3A_515 = arith.constant 16 : index
          %parallel_loop3A_516 = tpu.vector_load %arg13[%parallel_loop3A_514, %parallel_loop3A_515] {strides = array<i32>} : memref<104x32xf32, #tpu.memory_space<vmem>>, vector<1x16xf32>,
          %parallel_loop3A_517 = vector.shape_cast %parallel_loop3A_516 : vector<1x16xf32> to vector<16xf32>
          %parallel_loop3A_518 = arith.addf %parallel_loop3A_486, %parallel_loop3A_517 : vector<16xf32>
          %parallel_loop3A_519 = arith.constant 2 : i32
          %parallel_loop3A_520 = arith.addi %parallel_loop3A_482, %parallel_loop3A_519 : i32
          %parallel_loop3A_521 = arith.index_cast %parallel_loop3A_520 : i32 to index
          %parallel_loop3A_522 = arith.constant 0 : index
          %parallel_loop3A_523 = tpu.vector_load %arg13[%parallel_loop3A_521, %parallel_loop3A_522] {strides = array<i32>} : memref<104x32xf32, #tpu.memory_space<vmem>>, vector<1x16xf32>,
          %parallel_loop3A_524 = vector.shape_cast %parallel_loop3A_523 : vector<1x16xf32> to vector<16xf32>
          %parallel_loop3A_525 = arith.addf %parallel_loop3A_487, %parallel_loop3A_524 : vector<16xf32>
          %parallel_loop3A_526 = arith.constant 2 : i32
          %parallel_loop3A_527 = arith.addi %parallel_loop3A_482, %parallel_loop3A_526 : i32
          %parallel_loop3A_528 = arith.index_cast %parallel_loop3A_527 : i32 to index
          %parallel_loop3A_529 = arith.constant 16 : index
          %parallel_loop3A_530 = tpu.vector_load %arg13[%parallel_loop3A_528, %parallel_loop3A_529] {strides = array<i32>} : memref<104x32xf32, #tpu.memory_space<vmem>>, vector<1x16xf32>,
          %parallel_loop3A_531 = vector.shape_cast %parallel_loop3A_530 : vector<1x16xf32> to vector<16xf32>
          %parallel_loop3A_532 = arith.addf %parallel_loop3A_488, %parallel_loop3A_531 : vector<16xf32>
          %parallel_loop3A_533 = arith.constant 3 : i32
          %parallel_loop3A_534 = arith.addi %parallel_loop3A_482, %parallel_loop3A_533 : i32
          %parallel_loop3A_535 = arith.index_cast %parallel_loop3A_534 : i32 to index
          %parallel_loop3A_536 = arith.constant 0 : index
          %parallel_loop3A_537 = tpu.vector_load %arg13[%parallel_loop3A_535, %parallel_loop3A_536] {strides = array<i32>} : memref<104x32xf32, #tpu.memory_space<vmem>>, vector<1x16xf32>,
          %parallel_loop3A_538 = vector.shape_cast %parallel_loop3A_537 : vector<1x16xf32> to vector<16xf32>
          %parallel_loop3A_539 = arith.addf %parallel_loop3A_489, %parallel_loop3A_538 : vector<16xf32>
          %parallel_loop3A_540 = arith.constant 3 : i32
          %parallel_loop3A_541 = arith.addi %parallel_loop3A_482, %parallel_loop3A_540 : i32
          %parallel_loop3A_542 = arith.index_cast %parallel_loop3A_541 : i32 to index
          %parallel_loop3A_543 = arith.constant 16 : index
          %parallel_loop3A_544 = tpu.vector_load %arg13[%parallel_loop3A_542, %parallel_loop3A_543] {strides = array<i32>} : memref<104x32xf32, #tpu.memory_space<vmem>>, vector<1x16xf32>,
          %parallel_loop3A_545 = vector.shape_cast %parallel_loop3A_544 : vector<1x16xf32> to vector<16xf32>
          %parallel_loop3A_546 = arith.addf %parallel_loop3A_490, %parallel_loop3A_545 : vector<16xf32>
          scf.yield %parallel_loop3A_497, %parallel_loop3A_504, %parallel_loop3A_511, %parallel_loop3A_518, %parallel_loop3A_525, %parallel_loop3A_532, %parallel_loop3A_539, %parallel_loop3A_546 : vector<16xf32>, vector<16xf32>, vector<16xf32>, vector<16xf32>, vector<16xf32>, vector<16xf32>, vector<16xf32>, vector<16xf32>
        } {sc.loop_unroll_factor = 2 : i64, sc.parallel_access}
        %add3A_365 = arith.addf %parallel_loop3A_364#0, %parallel_loop3A_364#2 : vector<16xf32>
        %add3A_366 = arith.addf %add3A_365, %parallel_loop3A_364#4 : vector<16xf32>
        %add3A_367 = arith.addf %add3A_366, %parallel_loop3A_364#6 : vector<16xf32>
        %add3A_368 = arith.addf %parallel_loop3A_364#1, %parallel_loop3A_364#3 : vector<16xf32>
        %add3A_369 = arith.addf %add3A_368, %parallel_loop3A_364#5 : vector<16xf32>
        %add3A_370 = arith.addf %add3A_369, %parallel_loop3A_364#7 : vector<16xf32>
        %add3A_371 = arith.constant 4 : i32
        %add3A_372 = arith.addi %add3A_351, %add3A_371 : i32
        %lt3A_373 = arith.constant 128 : i32
        %lt3A_374 = arith.cmpi slt, %add3A_372, %lt3A_373 : i32
        %convert_element_type3A_375 = arith.extui %lt3A_374 : i1 to i32
        %cond3A_376 = arith.constant 0 : i32
        %cond3A_377 = arith.cmpi ne, %convert_element_type3A_375, %cond3A_376 : i32
        scf.if %cond3A_377 {
          %add3A_482 = arith.constant 4 : i32
          %add3A_483 = arith.addi %add3A_351, %add3A_482 : i32
          %dma_start3A_484 = arith.constant 0 : i32
          %dma_start3A_485 = tpu.memref_slice %arg7[%add3A_483, %dma_start3A_484] : memref<128x104xi32, #tpu.memory_space<vmem>> -> memref<1x104xi32, #tpu.memory_space<vmem>>
          %dma_start3A_486 = tpu.memref_squeeze %dma_start3A_485 : memref<1x104xi32, #tpu.memory_space<vmem>> -> memref<104xi32, #tpu.memory_space<vmem>>
          %dma_start3A_487 = arith.constant 0 : i32
          %dma_start3A_488 = arith.constant 0 : i32
          %dma_start3A_489 = tpu.memref_slice %arg3[%dma_start3A_487, %dma_start3A_488] : memref<1000000x32xf32, #tpu.memory_space<hbm>> -> memref<1000000x32xf32, #tpu.memory_space<hbm>>
          tpu.enqueue_indirect_dma source(%dma_start3A_489 : memref<1000000x32xf32, #tpu.memory_space<hbm>>) target(%arg13 : memref<104x32xf32, #tpu.memory_space<vmem>>) offsets(%dma_start3A_486 : memref<104xi32, #tpu.memory_space<vmem>>) semaphore(%arg25 : memref<!tpu.dma_semaphore, #tpu.memory_space<semaphore_mem>>)
        } else {
        }
        %dma_wait3A_378 = arith.constant 0 : i32
        %dma_wait3A_379 = arith.constant 0 : i32
        %dma_wait3A_380 = tpu.memref_slice %arg7[%dma_wait3A_378, %dma_wait3A_379] : memref<128x104xi32, #tpu.memory_space<vmem>> -> memref<1x104xi32, #tpu.memory_space<vmem>>
        %dma_wait3A_381 = tpu.memref_squeeze %dma_wait3A_380 : memref<1x104xi32, #tpu.memory_space<vmem>> -> memref<104xi32, #tpu.memory_space<vmem>>
        %dma_wait3A_382 = arith.constant 0 : i32
        %dma_wait3A_383 = arith.constant 0 : i32
        %dma_wait3A_384 = tpu.memref_slice %arg3[%dma_wait3A_382, %dma_wait3A_383] : memref<1000000x32xf32, #tpu.memory_space<hbm>> -> memref<1000000x32xf32, #tpu.memory_space<hbm>>
        tpu.wait_indirect_dma semaphore(%arg26 : memref<!tpu.dma_semaphore, #tpu.memory_space<semaphore_mem>>) src(%dma_wait3A_384 : memref<1000000x32xf32, #tpu.memory_space<hbm>>) dst(%arg14 : memref<104x32xf32, #tpu.memory_space<vmem>>)
        %broadcast_in_dim3A_385 = arith.constant 0.000000e+00 : f32
        %broadcast_in_dim3A_386 = vector.broadcast %broadcast_in_dim3A_385 : f32 to vector<16xf32>
        %parallel_loop3A_387 = arith.constant 4 : i32
        %parallel_loop3A_388 = arith.constant 104 : i32
        %parallel_loop3A_389 = arith.constant 4 : i32
        %parallel_loop3A_390:8 = scf.for %parallel_loop3A_482 = %parallel_loop3A_387 to %parallel_loop3A_388 step %parallel_loop3A_389 iter_args(%parallel_loop3A_483 = %add3A_367, %parallel_loop3A_484 = %add3A_370, %parallel_loop3A_485 = %broadcast_in_dim3A_386, %parallel_loop3A_486 = %broadcast_in_dim3A_386, %parallel_loop3A_487 = %broadcast_in_dim3A_386, %parallel_loop3A_488 = %broadcast_in_dim3A_386, %parallel_loop3A_489 = %broadcast_in_dim3A_386, %parallel_loop3A_490 = %broadcast_in_dim3A_386) -> (vector<16xf32>, vector<16xf32>, vector<16xf32>, vector<16xf32>, vector<16xf32>, vector<16xf32>, vector<16xf32>, vector<16xf32>)  : i32 {
          %parallel_loop3A_491 = arith.constant 0 : i32
          %parallel_loop3A_492 = arith.addi %parallel_loop3A_482, %parallel_loop3A_491 : i32
          %parallel_loop3A_493 = arith.index_cast %parallel_loop3A_492 : i32 to index
          %parallel_loop3A_494 = arith.constant 0 : index
          %parallel_loop3A_495 = tpu.vector_load %arg14[%parallel_loop3A_493, %parallel_loop3A_494] {strides = array<i32>} : memref<104x32xf32, #tpu.memory_space<vmem>>, vector<1x16xf32>,
          %parallel_loop3A_496 = vector.shape_cast %parallel_loop3A_495 : vector<1x16xf32> to vector<16xf32>
          %parallel_loop3A_497 = arith.addf %parallel_loop3A_483, %parallel_loop3A_496 : vector<16xf32>
          %parallel_loop3A_498 = arith.constant 0 : i32
          %parallel_loop3A_499 = arith.addi %parallel_loop3A_482, %parallel_loop3A_498 : i32
          %parallel_loop3A_500 = arith.index_cast %parallel_loop3A_499 : i32 to index
          %parallel_loop3A_501 = arith.constant 16 : index
          %parallel_loop3A_502 = tpu.vector_load %arg14[%parallel_loop3A_500, %parallel_loop3A_501] {strides = array<i32>} : memref<104x32xf32, #tpu.memory_space<vmem>>, vector<1x16xf32>,
          %parallel_loop3A_503 = vector.shape_cast %parallel_loop3A_502 : vector<1x16xf32> to vector<16xf32>
          %parallel_loop3A_504 = arith.addf %parallel_loop3A_484, %parallel_loop3A_503 : vector<16xf32>
          %parallel_loop3A_505 = arith.constant 1 : i32
          %parallel_loop3A_506 = arith.addi %parallel_loop3A_482, %parallel_loop3A_505 : i32
          %parallel_loop3A_507 = arith.index_cast %parallel_loop3A_506 : i32 to index
          %parallel_loop3A_508 = arith.constant 0 : index
          %parallel_loop3A_509 = tpu.vector_load %arg14[%parallel_loop3A_507, %parallel_loop3A_508] {strides = array<i32>} : memref<104x32xf32, #tpu.memory_space<vmem>>, vector<1x16xf32>,
          %parallel_loop3A_510 = vector.shape_cast %parallel_loop3A_509 : vector<1x16xf32> to vector<16xf32>
          %parallel_loop3A_511 = arith.addf %parallel_loop3A_485, %parallel_loop3A_510 : vector<16xf32>
          %parallel_loop3A_512 = arith.constant 1 : i32
          %parallel_loop3A_513 = arith.addi %parallel_loop3A_482, %parallel_loop3A_512 : i32
          %parallel_loop3A_514 = arith.index_cast %parallel_loop3A_513 : i32 to index
          %parallel_loop3A_515 = arith.constant 16 : index
          %parallel_loop3A_516 = tpu.vector_load %arg14[%parallel_loop3A_514, %parallel_loop3A_515] {strides = array<i32>} : memref<104x32xf32, #tpu.memory_space<vmem>>, vector<1x16xf32>,
          %parallel_loop3A_517 = vector.shape_cast %parallel_loop3A_516 : vector<1x16xf32> to vector<16xf32>
          %parallel_loop3A_518 = arith.addf %parallel_loop3A_486, %parallel_loop3A_517 : vector<16xf32>
          %parallel_loop3A_519 = arith.constant 2 : i32
          %parallel_loop3A_520 = arith.addi %parallel_loop3A_482, %parallel_loop3A_519 : i32
          %parallel_loop3A_521 = arith.index_cast %parallel_loop3A_520 : i32 to index
          %parallel_loop3A_522 = arith.constant 0 : index
          %parallel_loop3A_523 = tpu.vector_load %arg14[%parallel_loop3A_521, %parallel_loop3A_522] {strides = array<i32>} : memref<104x32xf32, #tpu.memory_space<vmem>>, vector<1x16xf32>,
          %parallel_loop3A_524 = vector.shape_cast %parallel_loop3A_523 : vector<1x16xf32> to vector<16xf32>
          %parallel_loop3A_525 = arith.addf %parallel_loop3A_487, %parallel_loop3A_524 : vector<16xf32>
          %parallel_loop3A_526 = arith.constant 2 : i32
          %parallel_loop3A_527 = arith.addi %parallel_loop3A_482, %parallel_loop3A_526 : i32
          %parallel_loop3A_528 = arith.index_cast %parallel_loop3A_527 : i32 to index
          %parallel_loop3A_529 = arith.constant 16 : index
          %parallel_loop3A_530 = tpu.vector_load %arg14[%parallel_loop3A_528, %parallel_loop3A_529] {strides = array<i32>} : memref<104x32xf32, #tpu.memory_space<vmem>>, vector<1x16xf32>,
          %parallel_loop3A_531 = vector.shape_cast %parallel_loop3A_530 : vector<1x16xf32> to vector<16xf32>
          %parallel_loop3A_532 = arith.addf %parallel_loop3A_488, %parallel_loop3A_531 : vector<16xf32>
          %parallel_loop3A_533 = arith.constant 3 : i32
          %parallel_loop3A_534 = arith.addi %parallel_loop3A_482, %parallel_loop3A_533 : i32
          %parallel_loop3A_535 = arith.index_cast %parallel_loop3A_534 : i32 to index
          %parallel_loop3A_536 = arith.constant 0 : index
          %parallel_loop3A_537 = tpu.vector_load %arg14[%parallel_loop3A_535, %parallel_loop3A_536] {strides = array<i32>} : memref<104x32xf32, #tpu.memory_space<vmem>>, vector<1x16xf32>,
          %parallel_loop3A_538 = vector.shape_cast %parallel_loop3A_537 : vector<1x16xf32> to vector<16xf32>
          %parallel_loop3A_539 = arith.addf %parallel_loop3A_489, %parallel_loop3A_538 : vector<16xf32>
          %parallel_loop3A_540 = arith.constant 3 : i32
          %parallel_loop3A_541 = arith.addi %parallel_loop3A_482, %parallel_loop3A_540 : i32
          %parallel_loop3A_542 = arith.index_cast %parallel_loop3A_541 : i32 to index
          %parallel_loop3A_543 = arith.constant 16 : index
          %parallel_loop3A_544 = tpu.vector_load %arg14[%parallel_loop3A_542, %parallel_loop3A_543] {strides = array<i32>} : memref<104x32xf32, #tpu.memory_space<vmem>>, vector<1x16xf32>,
          %parallel_loop3A_545 = vector.shape_cast %parallel_loop3A_544 : vector<1x16xf32> to vector<16xf32>
          %parallel_loop3A_546 = arith.addf %parallel_loop3A_490, %parallel_loop3A_545 : vector<16xf32>
          scf.yield %parallel_loop3A_497, %parallel_loop3A_504, %parallel_loop3A_511, %parallel_loop3A_518, %parallel_loop3A_525, %parallel_loop3A_532, %parallel_loop3A_539, %parallel_loop3A_546 : vector<16xf32>, vector<16xf32>, vector<16xf32>, vector<16xf32>, vector<16xf32>, vector<16xf32>, vector<16xf32>, vector<16xf32>
        } {sc.loop_unroll_factor = 2 : i64, sc.parallel_access}
        %add3A_391 = arith.addf %parallel_loop3A_390#0, %parallel_loop3A_390#2 : vector<16xf32>
        %add3A_392 = arith.addf %add3A_391, %parallel_loop3A_390#4 : vector<16xf32>
        %add3A_393 = arith.addf %add3A_392, %parallel_loop3A_390#6 : vector<16xf32>
        %add3A_394 = arith.addf %parallel_loop3A_390#1, %parallel_loop3A_390#3 : vector<16xf32>
        %add3A_395 = arith.addf %add3A_394, %parallel_loop3A_390#5 : vector<16xf32>
        %add3A_396 = arith.addf %add3A_395, %parallel_loop3A_390#7 : vector<16xf32>
        %add3A_397 = arith.constant 4 : i32
        %add3A_398 = arith.addi %add3A_351, %add3A_397 : i32
        %lt3A_399 = arith.constant 128 : i32
        %lt3A_400 = arith.cmpi slt, %add3A_398, %lt3A_399 : i32
        %convert_element_type3A_401 = arith.extui %lt3A_400 : i1 to i32
        %cond3A_402 = arith.constant 0 : i32
        %cond3A_403 = arith.cmpi ne, %convert_element_type3A_401, %cond3A_402 : i32
        scf.if %cond3A_403 {
          %add3A_482 = arith.constant 4 : i32
          %add3A_483 = arith.addi %add3A_351, %add3A_482 : i32
          %dma_start3A_484 = arith.constant 0 : i32
          %dma_start3A_485 = tpu.memref_slice %arg8[%add3A_483, %dma_start3A_484] : memref<128x104xi32, #tpu.memory_space<vmem>> -> memref<1x104xi32, #tpu.memory_space<vmem>>
          %dma_start3A_486 = tpu.memref_squeeze %dma_start3A_485 : memref<1x104xi32, #tpu.memory_space<vmem>> -> memref<104xi32, #tpu.memory_space<vmem>>
          %dma_start3A_487 = arith.constant 0 : i32
          %dma_start3A_488 = arith.constant 0 : i32
          %dma_start3A_489 = tpu.memref_slice %arg3[%dma_start3A_487, %dma_start3A_488] : memref<1000000x32xf32, #tpu.memory_space<hbm>> -> memref<1000000x32xf32, #tpu.memory_space<hbm>>
          tpu.enqueue_indirect_dma source(%dma_start3A_489 : memref<1000000x32xf32, #tpu.memory_space<hbm>>) target(%arg14 : memref<104x32xf32, #tpu.memory_space<vmem>>) offsets(%dma_start3A_486 : memref<104xi32, #tpu.memory_space<vmem>>) semaphore(%arg26 : memref<!tpu.dma_semaphore, #tpu.memory_space<semaphore_mem>>)
        } else {
        }
        %swap3A_404 = arith.index_cast %add3A_351 : i32 to index
        %swap3A_405 = arith.constant 0 : index
        %swap3A_406 = tpu.vector_load %arg18[%swap3A_404, %swap3A_405] {strides = array<i32>} : memref<128x32xf32, #tpu.memory_space<vmem>>, vector<1x16xf32>,
        %swap3A_407 = vector.shape_cast %swap3A_406 : vector<1x16xf32> to vector<16xf32>
        %swap3A_408 = vector.shape_cast %add3A_393 : vector<16xf32> to vector<1x16xf32>
        tpu.vector_store %arg18[%swap3A_404, %swap3A_405], %swap3A_408 {strides = array<i32>} : memref<128x32xf32, #tpu.memory_space<vmem>>, vector<1x16xf32>,
        %swap3A_409 = arith.index_cast %add3A_351 : i32 to index
        %swap3A_410 = arith.constant 16 : index
        %swap3A_411 = tpu.vector_load %arg18[%swap3A_409, %swap3A_410] {strides = array<i32>} : memref<128x32xf32, #tpu.memory_space<vmem>>, vector<1x16xf32>,
        %swap3A_412 = vector.shape_cast %swap3A_411 : vector<1x16xf32> to vector<16xf32>
        %swap3A_413 = vector.shape_cast %add3A_396 : vector<16xf32> to vector<1x16xf32>
        tpu.vector_store %arg18[%swap3A_409, %swap3A_410], %swap3A_413 {strides = array<i32>} : memref<128x32xf32, #tpu.memory_space<vmem>>, vector<1x16xf32>,
        %broadcast_in_dim3A_414 = arith.constant 0.000000e+00 : f32
        %broadcast_in_dim3A_415 = vector.broadcast %broadcast_in_dim3A_414 : f32 to vector<16xf32>
        %mul3A_416 = arith.constant 4 : i32
        %mul3A_417 = arith.muli %mul3A_416, %scan3A_212 : i32
        %add3A_418 = arith.constant 3 : i32
        %add3A_419 = arith.addi %mul3A_417, %add3A_418 : i32
        %dma_wait3A_420 = arith.constant 0 : i32
        %dma_wait3A_421 = arith.constant 0 : i32
        %dma_wait3A_422 = tpu.memref_slice %arg7[%dma_wait3A_420, %dma_wait3A_421] : memref<128x104xi32, #tpu.memory_space<vmem>> -> memref<1x104xi32, #tpu.memory_space<vmem>>
        %dma_wait3A_423 = tpu.memref_squeeze %dma_wait3A_422 : memref<1x104xi32, #tpu.memory_space<vmem>> -> memref<104xi32, #tpu.memory_space<vmem>>
        %dma_wait3A_424 = arith.constant 0 : i32
        %dma_wait3A_425 = arith.constant 0 : i32
        %dma_wait3A_426 = tpu.memref_slice %arg3[%dma_wait3A_424, %dma_wait3A_425] : memref<1000000x32xf32, #tpu.memory_space<hbm>> -> memref<1000000x32xf32, #tpu.memory_space<hbm>>
        tpu.wait_indirect_dma semaphore(%arg27 : memref<!tpu.dma_semaphore, #tpu.memory_space<semaphore_mem>>) src(%dma_wait3A_426 : memref<1000000x32xf32, #tpu.memory_space<hbm>>) dst(%arg15 : memref<104x32xf32, #tpu.memory_space<vmem>>)
        %broadcast_in_dim3A_427 = arith.constant 0.000000e+00 : f32
        %broadcast_in_dim3A_428 = vector.broadcast %broadcast_in_dim3A_427 : f32 to vector<16xf32>
        %parallel_loop3A_429 = arith.constant 0 : i32
        %parallel_loop3A_430 = arith.constant 100 : i32
        %parallel_loop3A_431 = arith.constant 4 : i32
        %parallel_loop3A_432:8 = scf.for %parallel_loop3A_482 = %parallel_loop3A_429 to %parallel_loop3A_430 step %parallel_loop3A_431 iter_args(%parallel_loop3A_483 = %broadcast_in_dim3A_415, %parallel_loop3A_484 = %broadcast_in_dim3A_415, %parallel_loop3A_485 = %broadcast_in_dim3A_428, %parallel_loop3A_486 = %broadcast_in_dim3A_428, %parallel_loop3A_487 = %broadcast_in_dim3A_428, %parallel_loop3A_488 = %broadcast_in_dim3A_428, %parallel_loop3A_489 = %broadcast_in_dim3A_428, %parallel_loop3A_490 = %broadcast_in_dim3A_428) -> (vector<16xf32>, vector<16xf32>, vector<16xf32>, vector<16xf32>, vector<16xf32>, vector<16xf32>, vector<16xf32>, vector<16xf32>)  : i32 {
          %parallel_loop3A_491 = arith.constant 0 : i32
          %parallel_loop3A_492 = arith.addi %parallel_loop3A_482, %parallel_loop3A_491 : i32
          %parallel_loop3A_493 = arith.index_cast %parallel_loop3A_492 : i32 to index
          %parallel_loop3A_494 = arith.constant 0 : index
          %parallel_loop3A_495 = tpu.vector_load %arg15[%parallel_loop3A_493, %parallel_loop3A_494] {strides = array<i32>} : memref<104x32xf32, #tpu.memory_space<vmem>>, vector<1x16xf32>,
          %parallel_loop3A_496 = vector.shape_cast %parallel_loop3A_495 : vector<1x16xf32> to vector<16xf32>
          %parallel_loop3A_497 = arith.addf %parallel_loop3A_483, %parallel_loop3A_496 : vector<16xf32>
          %parallel_loop3A_498 = arith.constant 0 : i32
          %parallel_loop3A_499 = arith.addi %parallel_loop3A_482, %parallel_loop3A_498 : i32
          %parallel_loop3A_500 = arith.index_cast %parallel_loop3A_499 : i32 to index
          %parallel_loop3A_501 = arith.constant 16 : index
          %parallel_loop3A_502 = tpu.vector_load %arg15[%parallel_loop3A_500, %parallel_loop3A_501] {strides = array<i32>} : memref<104x32xf32, #tpu.memory_space<vmem>>, vector<1x16xf32>,
          %parallel_loop3A_503 = vector.shape_cast %parallel_loop3A_502 : vector<1x16xf32> to vector<16xf32>
          %parallel_loop3A_504 = arith.addf %parallel_loop3A_484, %parallel_loop3A_503 : vector<16xf32>
          %parallel_loop3A_505 = arith.constant 1 : i32
          %parallel_loop3A_506 = arith.addi %parallel_loop3A_482, %parallel_loop3A_505 : i32
          %parallel_loop3A_507 = arith.index_cast %parallel_loop3A_506 : i32 to index
          %parallel_loop3A_508 = arith.constant 0 : index
          %parallel_loop3A_509 = tpu.vector_load %arg15[%parallel_loop3A_507, %parallel_loop3A_508] {strides = array<i32>} : memref<104x32xf32, #tpu.memory_space<vmem>>, vector<1x16xf32>,
          %parallel_loop3A_510 = vector.shape_cast %parallel_loop3A_509 : vector<1x16xf32> to vector<16xf32>
          %parallel_loop3A_511 = arith.addf %parallel_loop3A_485, %parallel_loop3A_510 : vector<16xf32>
          %parallel_loop3A_512 = arith.constant 1 : i32
          %parallel_loop3A_513 = arith.addi %parallel_loop3A_482, %parallel_loop3A_512 : i32
          %parallel_loop3A_514 = arith.index_cast %parallel_loop3A_513 : i32 to index
          %parallel_loop3A_515 = arith.constant 16 : index
          %parallel_loop3A_516 = tpu.vector_load %arg15[%parallel_loop3A_514, %parallel_loop3A_515] {strides = array<i32>} : memref<104x32xf32, #tpu.memory_space<vmem>>, vector<1x16xf32>,
          %parallel_loop3A_517 = vector.shape_cast %parallel_loop3A_516 : vector<1x16xf32> to vector<16xf32>
          %parallel_loop3A_518 = arith.addf %parallel_loop3A_486, %parallel_loop3A_517 : vector<16xf32>
          %parallel_loop3A_519 = arith.constant 2 : i32
          %parallel_loop3A_520 = arith.addi %parallel_loop3A_482, %parallel_loop3A_519 : i32
          %parallel_loop3A_521 = arith.index_cast %parallel_loop3A_520 : i32 to index
          %parallel_loop3A_522 = arith.constant 0 : index
          %parallel_loop3A_523 = tpu.vector_load %arg15[%parallel_loop3A_521, %parallel_loop3A_522] {strides = array<i32>} : memref<104x32xf32, #tpu.memory_space<vmem>>, vector<1x16xf32>,
          %parallel_loop3A_524 = vector.shape_cast %parallel_loop3A_523 : vector<1x16xf32> to vector<16xf32>
          %parallel_loop3A_525 = arith.addf %parallel_loop3A_487, %parallel_loop3A_524 : vector<16xf32>
          %parallel_loop3A_526 = arith.constant 2 : i32
          %parallel_loop3A_527 = arith.addi %parallel_loop3A_482, %parallel_loop3A_526 : i32
          %parallel_loop3A_528 = arith.index_cast %parallel_loop3A_527 : i32 to index
          %parallel_loop3A_529 = arith.constant 16 : index
          %parallel_loop3A_530 = tpu.vector_load %arg15[%parallel_loop3A_528, %parallel_loop3A_529] {strides = array<i32>} : memref<104x32xf32, #tpu.memory_space<vmem>>, vector<1x16xf32>,
          %parallel_loop3A_531 = vector.shape_cast %parallel_loop3A_530 : vector<1x16xf32> to vector<16xf32>
          %parallel_loop3A_532 = arith.addf %parallel_loop3A_488, %parallel_loop3A_531 : vector<16xf32>
          %parallel_loop3A_533 = arith.constant 3 : i32
          %parallel_loop3A_534 = arith.addi %parallel_loop3A_482, %parallel_loop3A_533 : i32
          %parallel_loop3A_535 = arith.index_cast %parallel_loop3A_534 : i32 to index
          %parallel_loop3A_536 = arith.constant 0 : index
          %parallel_loop3A_537 = tpu.vector_load %arg15[%parallel_loop3A_535, %parallel_loop3A_536] {strides = array<i32>} : memref<104x32xf32, #tpu.memory_space<vmem>>, vector<1x16xf32>,
          %parallel_loop3A_538 = vector.shape_cast %parallel_loop3A_537 : vector<1x16xf32> to vector<16xf32>
          %parallel_loop3A_539 = arith.addf %parallel_loop3A_489, %parallel_loop3A_538 : vector<16xf32>
          %parallel_loop3A_540 = arith.constant 3 : i32
          %parallel_loop3A_541 = arith.addi %parallel_loop3A_482, %parallel_loop3A_540 : i32
          %parallel_loop3A_542 = arith.index_cast %parallel_loop3A_541 : i32 to index
          %parallel_loop3A_543 = arith.constant 16 : index
          %parallel_loop3A_544 = tpu.vector_load %arg15[%parallel_loop3A_542, %parallel_loop3A_543] {strides = array<i32>} : memref<104x32xf32, #tpu.memory_space<vmem>>, vector<1x16xf32>,
          %parallel_loop3A_545 = vector.shape_cast %parallel_loop3A_544 : vector<1x16xf32> to vector<16xf32>
          %parallel_loop3A_546 = arith.addf %parallel_loop3A_490, %parallel_loop3A_545 : vector<16xf32>
          scf.yield %parallel_loop3A_497, %parallel_loop3A_504, %parallel_loop3A_511, %parallel_loop3A_518, %parallel_loop3A_525, %parallel_loop3A_532, %parallel_loop3A_539, %parallel_loop3A_546 : vector<16xf32>, vector<16xf32>, vector<16xf32>, vector<16xf32>, vector<16xf32>, vector<16xf32>, vector<16xf32>, vector<16xf32>
        } {sc.loop_unroll_factor = 2 : i64, sc.parallel_access}
        %add3A_433 = arith.addf %parallel_loop3A_432#0, %parallel_loop3A_432#2 : vector<16xf32>
        %add3A_434 = arith.addf %add3A_433, %parallel_loop3A_432#4 : vector<16xf32>
        %add3A_435 = arith.addf %add3A_434, %parallel_loop3A_432#6 : vector<16xf32>
        %add3A_436 = arith.addf %parallel_loop3A_432#1, %parallel_loop3A_432#3 : vector<16xf32>
        %add3A_437 = arith.addf %add3A_436, %parallel_loop3A_432#5 : vector<16xf32>
        %add3A_438 = arith.addf %add3A_437, %parallel_loop3A_432#7 : vector<16xf32>
        %add3A_439 = arith.constant 4 : i32
        %add3A_440 = arith.addi %add3A_419, %add3A_439 : i32
        %lt3A_441 = arith.constant 128 : i32
        %lt3A_442 = arith.cmpi slt, %add3A_440, %lt3A_441 : i32
        %convert_element_type3A_443 = arith.extui %lt3A_442 : i1 to i32
        %cond3A_444 = arith.constant 0 : i32
        %cond3A_445 = arith.cmpi ne, %convert_element_type3A_443, %cond3A_444 : i32
        scf.if %cond3A_445 {
          %add3A_482 = arith.constant 4 : i32
          %add3A_483 = arith.addi %add3A_419, %add3A_482 : i32
          %dma_start3A_484 = arith.constant 0 : i32
          %dma_start3A_485 = tpu.memref_slice %arg7[%add3A_483, %dma_start3A_484] : memref<128x104xi32, #tpu.memory_space<vmem>> -> memref<1x104xi32, #tpu.memory_space<vmem>>
          %dma_start3A_486 = tpu.memref_squeeze %dma_start3A_485 : memref<1x104xi32, #tpu.memory_space<vmem>> -> memref<104xi32, #tpu.memory_space<vmem>>
          %dma_start3A_487 = arith.constant 0 : i32
          %dma_start3A_488 = arith.constant 0 : i32
          %dma_start3A_489 = tpu.memref_slice %arg3[%dma_start3A_487, %dma_start3A_488] : memref<1000000x32xf32, #tpu.memory_space<hbm>> -> memref<1000000x32xf32, #tpu.memory_space<hbm>>
          tpu.enqueue_indirect_dma source(%dma_start3A_489 : memref<1000000x32xf32, #tpu.memory_space<hbm>>) target(%arg15 : memref<104x32xf32, #tpu.memory_space<vmem>>) offsets(%dma_start3A_486 : memref<104xi32, #tpu.memory_space<vmem>>) semaphore(%arg27 : memref<!tpu.dma_semaphore, #tpu.memory_space<semaphore_mem>>)
        } else {
        }
        %dma_wait3A_446 = arith.constant 0 : i32
        %dma_wait3A_447 = arith.constant 0 : i32
        %dma_wait3A_448 = tpu.memref_slice %arg7[%dma_wait3A_446, %dma_wait3A_447] : memref<128x104xi32, #tpu.memory_space<vmem>> -> memref<1x104xi32, #tpu.memory_space<vmem>>
        %dma_wait3A_449 = tpu.memref_squeeze %dma_wait3A_448 : memref<1x104xi32, #tpu.memory_space<vmem>> -> memref<104xi32, #tpu.memory_space<vmem>>
        %dma_wait3A_450 = arith.constant 0 : i32
        %dma_wait3A_451 = arith.constant 0 : i32
        %dma_wait3A_452 = tpu.memref_slice %arg3[%dma_wait3A_450, %dma_wait3A_451] : memref<1000000x32xf32, #tpu.memory_space<hbm>> -> memref<1000000x32xf32, #tpu.memory_space<hbm>>
        tpu.wait_indirect_dma semaphore(%arg28 : memref<!tpu.dma_semaphore, #tpu.memory_space<semaphore_mem>>) src(%dma_wait3A_452 : memref<1000000x32xf32, #tpu.memory_space<hbm>>) dst(%arg16 : memref<104x32xf32, #tpu.memory_space<vmem>>)
        %broadcast_in_dim3A_453 = arith.constant 0.000000e+00 : f32
        %broadcast_in_dim3A_454 = vector.broadcast %broadcast_in_dim3A_453 : f32 to vector<16xf32>
        %parallel_loop3A_455 = arith.constant 4 : i32
        %parallel_loop3A_456 = arith.constant 104 : i32
        %parallel_loop3A_457 = arith.constant 4 : i32
        %parallel_loop3A_458:8 = scf.for %parallel_loop3A_482 = %parallel_loop3A_455 to %parallel_loop3A_456 step %parallel_loop3A_457 iter_args(%parallel_loop3A_483 = %add3A_435, %parallel_loop3A_484 = %add3A_438, %parallel_loop3A_485 = %broadcast_in_dim3A_454, %parallel_loop3A_486 = %broadcast_in_dim3A_454, %parallel_loop3A_487 = %broadcast_in_dim3A_454, %parallel_loop3A_488 = %broadcast_in_dim3A_454, %parallel_loop3A_489 = %broadcast_in_dim3A_454, %parallel_loop3A_490 = %broadcast_in_dim3A_454) -> (vector<16xf32>, vector<16xf32>, vector<16xf32>, vector<16xf32>, vector<16xf32>, vector<16xf32>, vector<16xf32>, vector<16xf32>)  : i32 {
          %parallel_loop3A_491 = arith.constant 0 : i32
          %parallel_loop3A_492 = arith.addi %parallel_loop3A_482, %parallel_loop3A_491 : i32
          %parallel_loop3A_493 = arith.index_cast %parallel_loop3A_492 : i32 to index
          %parallel_loop3A_494 = arith.constant 0 : index
          %parallel_loop3A_495 = tpu.vector_load %arg16[%parallel_loop3A_493, %parallel_loop3A_494] {strides = array<i32>} : memref<104x32xf32, #tpu.memory_space<vmem>>, vector<1x16xf32>,
          %parallel_loop3A_496 = vector.shape_cast %parallel_loop3A_495 : vector<1x16xf32> to vector<16xf32>
          %parallel_loop3A_497 = arith.addf %parallel_loop3A_483, %parallel_loop3A_496 : vector<16xf32>
          %parallel_loop3A_498 = arith.constant 0 : i32
          %parallel_loop3A_499 = arith.addi %parallel_loop3A_482, %parallel_loop3A_498 : i32
          %parallel_loop3A_500 = arith.index_cast %parallel_loop3A_499 : i32 to index
          %parallel_loop3A_501 = arith.constant 16 : index
          %parallel_loop3A_502 = tpu.vector_load %arg16[%parallel_loop3A_500, %parallel_loop3A_501] {strides = array<i32>} : memref<104x32xf32, #tpu.memory_space<vmem>>, vector<1x16xf32>,
          %parallel_loop3A_503 = vector.shape_cast %parallel_loop3A_502 : vector<1x16xf32> to vector<16xf32>
          %parallel_loop3A_504 = arith.addf %parallel_loop3A_484, %parallel_loop3A_503 : vector<16xf32>
          %parallel_loop3A_505 = arith.constant 1 : i32
          %parallel_loop3A_506 = arith.addi %parallel_loop3A_482, %parallel_loop3A_505 : i32
          %parallel_loop3A_507 = arith.index_cast %parallel_loop3A_506 : i32 to index
          %parallel_loop3A_508 = arith.constant 0 : index
          %parallel_loop3A_509 = tpu.vector_load %arg16[%parallel_loop3A_507, %parallel_loop3A_508] {strides = array<i32>} : memref<104x32xf32, #tpu.memory_space<vmem>>, vector<1x16xf32>,
          %parallel_loop3A_510 = vector.shape_cast %parallel_loop3A_509 : vector<1x16xf32> to vector<16xf32>
          %parallel_loop3A_511 = arith.addf %parallel_loop3A_485, %parallel_loop3A_510 : vector<16xf32>
          %parallel_loop3A_512 = arith.constant 1 : i32
          %parallel_loop3A_513 = arith.addi %parallel_loop3A_482, %parallel_loop3A_512 : i32
          %parallel_loop3A_514 = arith.index_cast %parallel_loop3A_513 : i32 to index
          %parallel_loop3A_515 = arith.constant 16 : index
          %parallel_loop3A_516 = tpu.vector_load %arg16[%parallel_loop3A_514, %parallel_loop3A_515] {strides = array<i32>} : memref<104x32xf32, #tpu.memory_space<vmem>>, vector<1x16xf32>,
          %parallel_loop3A_517 = vector.shape_cast %parallel_loop3A_516 : vector<1x16xf32> to vector<16xf32>
          %parallel_loop3A_518 = arith.addf %parallel_loop3A_486, %parallel_loop3A_517 : vector<16xf32>
          %parallel_loop3A_519 = arith.constant 2 : i32
          %parallel_loop3A_520 = arith.addi %parallel_loop3A_482, %parallel_loop3A_519 : i32
          %parallel_loop3A_521 = arith.index_cast %parallel_loop3A_520 : i32 to index
          %parallel_loop3A_522 = arith.constant 0 : index
          %parallel_loop3A_523 = tpu.vector_load %arg16[%parallel_loop3A_521, %parallel_loop3A_522] {strides = array<i32>} : memref<104x32xf32, #tpu.memory_space<vmem>>, vector<1x16xf32>,
          %parallel_loop3A_524 = vector.shape_cast %parallel_loop3A_523 : vector<1x16xf32> to vector<16xf32>
          %parallel_loop3A_525 = arith.addf %parallel_loop3A_487, %parallel_loop3A_524 : vector<16xf32>
          %parallel_loop3A_526 = arith.constant 2 : i32
          %parallel_loop3A_527 = arith.addi %parallel_loop3A_482, %parallel_loop3A_526 : i32
          %parallel_loop3A_528 = arith.index_cast %parallel_loop3A_527 : i32 to index
          %parallel_loop3A_529 = arith.constant 16 : index
          %parallel_loop3A_530 = tpu.vector_load %arg16[%parallel_loop3A_528, %parallel_loop3A_529] {strides = array<i32>} : memref<104x32xf32, #tpu.memory_space<vmem>>, vector<1x16xf32>,
          %parallel_loop3A_531 = vector.shape_cast %parallel_loop3A_530 : vector<1x16xf32> to vector<16xf32>
          %parallel_loop3A_532 = arith.addf %parallel_loop3A_488, %parallel_loop3A_531 : vector<16xf32>
          %parallel_loop3A_533 = arith.constant 3 : i32
          %parallel_loop3A_534 = arith.addi %parallel_loop3A_482, %parallel_loop3A_533 : i32
          %parallel_loop3A_535 = arith.index_cast %parallel_loop3A_534 : i32 to index
          %parallel_loop3A_536 = arith.constant 0 : index
          %parallel_loop3A_537 = tpu.vector_load %arg16[%parallel_loop3A_535, %parallel_loop3A_536] {strides = array<i32>} : memref<104x32xf32, #tpu.memory_space<vmem>>, vector<1x16xf32>,
          %parallel_loop3A_538 = vector.shape_cast %parallel_loop3A_537 : vector<1x16xf32> to vector<16xf32>
          %parallel_loop3A_539 = arith.addf %parallel_loop3A_489, %parallel_loop3A_538 : vector<16xf32>
          %parallel_loop3A_540 = arith.constant 3 : i32
          %parallel_loop3A_541 = arith.addi %parallel_loop3A_482, %parallel_loop3A_540 : i32
          %parallel_loop3A_542 = arith.index_cast %parallel_loop3A_541 : i32 to index
          %parallel_loop3A_543 = arith.constant 16 : index
          %parallel_loop3A_544 = tpu.vector_load %arg16[%parallel_loop3A_542, %parallel_loop3A_543] {strides = array<i32>} : memref<104x32xf32, #tpu.memory_space<vmem>>, vector<1x16xf32>,
          %parallel_loop3A_545 = vector.shape_cast %parallel_loop3A_544 : vector<1x16xf32> to vector<16xf32>
          %parallel_loop3A_546 = arith.addf %parallel_loop3A_490, %parallel_loop3A_545 : vector<16xf32>
          scf.yield %parallel_loop3A_497, %parallel_loop3A_504, %parallel_loop3A_511, %parallel_loop3A_518, %parallel_loop3A_525, %parallel_loop3A_532, %parallel_loop3A_539, %parallel_loop3A_546 : vector<16xf32>, vector<16xf32>, vector<16xf32>, vector<16xf32>, vector<16xf32>, vector<16xf32>, vector<16xf32>, vector<16xf32>
        } {sc.loop_unroll_factor = 2 : i64, sc.parallel_access}
        %add3A_459 = arith.addf %parallel_loop3A_458#0, %parallel_loop3A_458#2 : vector<16xf32>
        %add3A_460 = arith.addf %add3A_459, %parallel_loop3A_458#4 : vector<16xf32>
        %add3A_461 = arith.addf %add3A_460, %parallel_loop3A_458#6 : vector<16xf32>
        %add3A_462 = arith.addf %parallel_loop3A_458#1, %parallel_loop3A_458#3 : vector<16xf32>
        %add3A_463 = arith.addf %add3A_462, %parallel_loop3A_458#5 : vector<16xf32>
        %add3A_464 = arith.addf %add3A_463, %parallel_loop3A_458#7 : vector<16xf32>
        %add3A_465 = arith.constant 4 : i32
        %add3A_466 = arith.addi %add3A_419, %add3A_465 : i32
        %lt3A_467 = arith.constant 128 : i32
        %lt3A_468 = arith.cmpi slt, %add3A_466, %lt3A_467 : i32
        %convert_element_type3A_469 = arith.extui %lt3A_468 : i1 to i32
        %cond3A_470 = arith.constant 0 : i32
        %cond3A_471 = arith.cmpi ne, %convert_element_type3A_469, %cond3A_470 : i32
        scf.if %cond3A_471 {
          %add3A_482 = arith.constant 4 : i32
          %add3A_483 = arith.addi %add3A_419, %add3A_482 : i32
          %dma_start3A_484 = arith.constant 0 : i32
          %dma_start3A_485 = tpu.memref_slice %arg8[%add3A_483, %dma_start3A_484] : memref<128x104xi32, #tpu.memory_space<vmem>> -> memref<1x104xi32, #tpu.memory_space<vmem>>
          %dma_start3A_486 = tpu.memref_squeeze %dma_start3A_485 : memref<1x104xi32, #tpu.memory_space<vmem>> -> memref<104xi32, #tpu.memory_space<vmem>>
          %dma_start3A_487 = arith.constant 0 : i32
          %dma_start3A_488 = arith.constant 0 : i32
          %dma_start3A_489 = tpu.memref_slice %arg3[%dma_start3A_487, %dma_start3A_488] : memref<1000000x32xf32, #tpu.memory_space<hbm>> -> memref<1000000x32xf32, #tpu.memory_space<hbm>>
          tpu.enqueue_indirect_dma source(%dma_start3A_489 : memref<1000000x32xf32, #tpu.memory_space<hbm>>) target(%arg16 : memref<104x32xf32, #tpu.memory_space<vmem>>) offsets(%dma_start3A_486 : memref<104xi32, #tpu.memory_space<vmem>>) semaphore(%arg28 : memref<!tpu.dma_semaphore, #tpu.memory_space<semaphore_mem>>)
        } else {
        }
        %swap3A_472 = arith.index_cast %add3A_419 : i32 to index
        %swap3A_473 = arith.constant 0 : index
        %swap3A_474 = tpu.vector_load %arg18[%swap3A_472, %swap3A_473] {strides = array<i32>} : memref<128x32xf32, #tpu.memory_space<vmem>>, vector<1x16xf32>,
        %swap3A_475 = vector.shape_cast %swap3A_474 : vector<1x16xf32> to vector<16xf32>
        %swap3A_476 = vector.shape_cast %add3A_461 : vector<16xf32> to vector<1x16xf32>
        tpu.vector_store %arg18[%swap3A_472, %swap3A_473], %swap3A_476 {strides = array<i32>} : memref<128x32xf32, #tpu.memory_space<vmem>>, vector<1x16xf32>,
        %swap3A_477 = arith.index_cast %add3A_419 : i32 to index
        %swap3A_478 = arith.constant 16 : index
        %swap3A_479 = tpu.vector_load %arg18[%swap3A_477, %swap3A_478] {strides = array<i32>} : memref<128x32xf32, #tpu.memory_space<vmem>>, vector<1x16xf32>,
        %swap3A_480 = vector.shape_cast %swap3A_479 : vector<1x16xf32> to vector<16xf32>
        %swap3A_481 = vector.shape_cast %add3A_464 : vector<16xf32> to vector<1x16xf32>
        tpu.vector_store %arg18[%swap3A_477, %swap3A_478], %swap3A_481 {strides = array<i32>} : memref<128x32xf32, #tpu.memory_space<vmem>>, vector<1x16xf32>,
      }
      %scan3A_207 = arith.constant 32 : i32
      %dma_start3A_208 = arith.constant 0 : i32
      %dma_start3A_209 = tpu.memref_slice %arg4[%add3A_124, %dma_start3A_208] : memref<16384x32xf32, #tpu.memory_space<hbm>> -> memref<128x32xf32, #tpu.memory_space<hbm>>
      %dma_start3A_210 = arith.constant 0 : i32
      %dma_start3A_211 = tpu.memref_slice %arg4[%add3A_124, %dma_start3A_210] : memref<16384x32xf32, #tpu.memory_space<hbm>> -> memref<128x32xf32, #tpu.memory_space<hbm>>
      tpu.enqueue_dma source(%arg18 : memref<128x32xf32, #tpu.memory_space<vmem>>) target(%dma_start3A_211 : memref<128x32xf32, #tpu.memory_space<hbm>>) target_semaphore(%arg30 : memref<!tpu.dma_semaphore, #tpu.memory_space<semaphore_mem>>)
    }
    %scan3A_15 = arith.constant 2 : i32
    %dma_wait3A = arith.constant 0 : i32
    %dma_wait3A_16 = arith.constant 0 : i32
    %dma_wait3A_17 = tpu.memref_slice %arg4[%dma_wait3A, %dma_wait3A_16] : memref<16384x32xf32, #tpu.memory_space<hbm>> -> memref<128x32xf32, #tpu.memory_space<hbm>>
    %dma_wait3A_18 = arith.constant 0 : i32
    %dma_wait3A_19 = arith.constant 0 : i32
    %dma_wait3A_20 = tpu.memref_slice %arg4[%dma_wait3A_18, %dma_wait3A_19] : memref<16384x32xf32, #tpu.memory_space<hbm>> -> memref<128x32xf32, #tpu.memory_space<hbm>>
    tpu.wait_dma2 semaphore(%arg29 : memref<!tpu.dma_semaphore, #tpu.memory_space<semaphore_mem>>) src(%arg17 : memref<128x32xf32, #tpu.memory_space<vmem>>) dst(%dma_wait3A_20 : memref<128x32xf32, #tpu.memory_space<hbm>>)
    %dma_wait3A_21 = arith.constant 0 : i32
    %dma_wait3A_22 = arith.constant 0 : i32
    %dma_wait3A_23 = tpu.memref_slice %arg4[%dma_wait3A_21, %dma_wait3A_22] : memref<16384x32xf32, #tpu.memory_space<hbm>> -> memref<128x32xf32, #tpu.memory_space<hbm>>
    %dma_wait3A_24 = arith.constant 0 : i32
    %dma_wait3A_25 = arith.constant 0 : i32
    %dma_wait3A_26 = tpu.memref_slice %arg4[%dma_wait3A_24, %dma_wait3A_25] : memref<16384x32xf32, #tpu.memory_space<hbm>> -> memref<128x32xf32, #tpu.memory_space<hbm>>
    tpu.wait_dma2 semaphore(%arg30 : memref<!tpu.dma_semaphore, #tpu.memory_space<semaphore_mem>>) src(%arg18 : memref<128x32xf32, #tpu.memory_space<vmem>>) dst(%dma_wait3A_26 : memref<128x32xf32, #tpu.memory_space<hbm>>)
    return
  }
}

module attributes {stable_mosaic.version = 14 : i64} {
  func.func @_linear_body(%arg0: i32, %arg1: memref<1024x32xf32, #tpu.memory_space<vmem>>, %arg2: memref<32x100xf32, #tpu.memory_space<vmem>>, %arg3: memref<1x100xf32, #tpu.memory_space<vmem>>, %arg4: memref<1024x100xf32, #tpu.memory_space<vmem>>) attributes {dimension_semantics = [#tpu.dimension_semantics<arbitrary>], iteration_bounds = array<i64: 16>, scalar_prefetch = 0 : i64, scratch_operands = 0 : i64, tpu.core_type = #tpu.core_type<tc>, window_params = [{transform_indices = @transform_0, window_bounds = array<i64: 1024, 32>}, {pipeline_mode = #tpu.pipeline_mode<synchronous>, transform_indices = @transform_1, window_bounds = array<i64: 32, 100>}, {pipeline_mode = #tpu.pipeline_mode<synchronous>, transform_indices = @transform_2, window_bounds = array<i64: 1, 100>}, {transform_indices = @transform_3, window_bounds = array<i64: 1024, 100>}]} {
    %get3A = arith.constant 0 : index
    %get3A_0 = arith.constant 0 : index
    %get3A_1 = vector.load %arg1[%get3A, %get3A_0] : memref<1024x32xf32, #tpu.memory_space<vmem>>, vector<1024x32xf32>
    %get3A_2 = arith.constant 0 : index
    %get3A_3 = arith.constant 0 : index
    %get3A_4 = vector.load %arg2[%get3A_2, %get3A_3] : memref<32x100xf32, #tpu.memory_space<vmem>>, vector<32x100xf32>
    %dot_general3A = arith.constant dense<0.000000e+00> : vector<1024x100xf32>
    %dot_general3A_5 = tpu.matmul %get3A_1, %get3A_4, %dot_general3A {dimension_numbers = #tpu.dot_dimension_numbers<[1], [0], [0], [1], [0, 0, 1, 1], [], []>, transpose_lhs_hint = false} : vector<1024x32xf32>, vector<32x100xf32>, vector<1024x100xf32> -> vector<1024x100xf32>
    %mul3A = arith.constant 5.000000e-03 : f32
    %mul3A_6 = vector.broadcast %mul3A : f32 to vector<1024x100xf32>
    %mul3A_7 = arith.mulf %dot_general3A_5, %mul3A_6 : vector<1024x100xf32>
    %get3A_8 = arith.constant 0 : index
    %get3A_9 = arith.constant 0 : index
    %get3A_10 = vector.load %arg3[%get3A_8, %get3A_9] : memref<1x100xf32, #tpu.memory_space<vmem>>, vector<1x100xf32>
    %add3A = vector.broadcast %get3A_10 : vector<1x100xf32> to vector<1024x100xf32>
    %add3A_11 = arith.addf %mul3A_7, %add3A : vector<1024x100xf32>
    %swap3A = arith.constant 0 : index
    %swap3A_12 = arith.constant 0 : index
    %swap3A_13 = vector.load %arg4[%swap3A, %swap3A_12] : memref<1024x100xf32, #tpu.memory_space<vmem>>, vector<1024x100xf32>
    tpu.vector_store %arg4[%swap3A, %swap3A_12], %add3A_11 {strides = array<i32>} : memref<1024x100xf32, #tpu.memory_space<vmem>>, vector<1024x100xf32>,
    return
  }
  func.func @transform_0(%arg0: i32) -> (i32, i32) {
    %c0_i32 = arith.constant 0 : i32
    %c0_i32_0 = arith.constant 0 : i32
    return %arg0, %c0_i32 : i32, i32
  }
  func.func @transform_1(%arg0: i32) -> (i32, i32) {
    %c0_i32 = arith.constant 0 : i32
    %c0_i32_0 = arith.constant 0 : i32
    %c0_i32_1 = arith.constant 0 : i32
    return %c0_i32, %c0_i32_0 : i32, i32
  }
  func.func @transform_2(%arg0: i32) -> (i32, i32) {
    %c0_i32 = arith.constant 0 : i32
    %c0_i32_0 = arith.constant 0 : i32
    %c0_i32_1 = arith.constant 0 : i32
    return %c0_i32, %c0_i32_0 : i32, i32
  }
  func.func @transform_3(%arg0: i32) -> (i32, i32) {
    %c0_i32 = arith.constant 0 : i32
    %c0_i32_0 = arith.constant 0 : i32
    return %arg0, %c0_i32 : i32, i32
  }
}

</mosaic_0001>

<sc_bundles>
// kernel: kernel.4.cloned.1.call-start
scs
__scs_entry_jumppad:
0x0: {  	(pc) =	sbr.rel $0x88, $3  }
0x1: {  	(tag) =	ssettag $0x0;
	lr =	simm.s32 $0x1  }
0x2: {  	[smem:$0x3F9D] =	sst lr;
	_ =	strace $0xD0000000  }
0x3: {  	_ = 	snop  }
0x4: {  	_ = 	snop  }
0x5: {  	_ = 	snop  }
0x6: {  	_ = 	snop  }
0x7: {  	_ = 	snop  }
__scs_overlays_trampoline_lowered:
0x8: {  	[smem:$0x3FAC] =	sst s0  }
0x9: {  	[smem:$0x3FAD] =	sst s1  }
0xa: {  	[smem:$0x3FAE] =	sst s2  }
0xb: {  	[smem:$0x3FAF] =	sst s3  }
0xc: {  	[smem:$0x3FB0] =	sst s4  }
0xd: {  	[smem:$0x3FB1] =	sst s5  }
0xe: {  	[smem:$0x3FB2] =	sst s6  }
0xf: {  	[smem:$0x3FB3] =	sst s7  }
0x10: {  	[smem:$0x3FB4] =	sst s8  }
0x11: {  	[smem:$0x3FB5] =	sst s9;
	s0 =	simm.s32 @!p0 $0x0  }
0x12: {  	s1 =	sld [smem:$0x3F9B];
	s0 =	simm.s32 @p0 $0x1  }
0x13: {  	[smem:$0x3FB6] =	sst s0;
	s0 =	simm.s32 @!p1 $0x0  }
0x14: {  	s2 =	sld [smem:$0x3F9A];
	s0 =	simm.s32 @p1 $0x1  }
0x15: {  	[smem:$0x3FB7] =	sst s0;
	s0 =	simm.s32 @!p2 $0x0  }
0x16: {  	s3 =	sld [smem:$0x3FDB];
	s0 =	simm.s32 @p2 $0x1  }
0x17: {  	s4 =	simm.s32 $0x1BF5;
	[smem:$0x3FB9] =	sst s0  }
0x18: {  	s0 =	sld [smem:$0x3F9C];
	_ =	swait.ge [sflag:s4], $0x0  }
0x19: {  	s7 =	sld [smem:$0x3F9D]  }
0x1a: {  	s8 =	sadd.s32 $0xFFFFE003, lr  }
0x1b: {  	s9 =	sadd.s32 $0xFFFFFEF7, lr;
	s5 =	simm.s32 $0xFFFFFFFF;
	p2 =	slt.u32 s8, $0xFFFFF086  }
0x1c: {  	p1 =	slt.u32 s9, $0xF7A;
	s5 =	simm.s32 @!p2 $0x0  }
0x1d: {  	s5 =	simm.s32 @p1 $0x1;
	p0 =	seq.s32 s7, s2  }
0x1e: {  	s7 =	smul.u32 @!p0 $0xF7A, s2;
	p2 =	seq.s32 @!p0 s5, $0x0  }
0x1f: {  	s9 =	smul.u32 $0xF7A, s1;
	s8 =	simm.s32 @!p0 $0x1BF5;
	p2 =	por !p2, p0  }
0x20: {  	[sflag:s8] =	ssyncset.s32 @!p0 $0xFFFFF086;
	s6 =	sadd.s32 @!p0 s3, s7;
	s7 =	simm.s32 @!p0 $0x108  }
0x21: {  	s3 =	sadd.s32 s3, s9;
	s6 =	sadd.s32 @!p0 $0x88, s6;
	s7 =	simm.s32 @p2 $0x1082  }
0x22: {  	[simem:s7], [sflag:s8] =	dma.local @!p0 [hbm:s6], $0xF7A  }
0x23: {  	s9 =	sor.u32 $0xD0000000, s2;
	s6 =	simm.s32 $0x108;
	_ =	swait.ge @!p0 [sflag:s8], $0x0  }
0x24: {  	s3 =	sadd.s32 $0x88, s3;
	s6 =	simm.s32 @!p1 $0x1082;
	[sflag:s4] =	ssyncset.s32 $0xFFFFF086  }
0x25: {  	[simem:s6], [sflag:s4] =	dma.local [hbm:s3], $0xF7A  }
0x26: {  	[smem:$0x3F9D] =	sst s1;
	(tag) =	ssettag s2;
	_ =	strace s9  }
0x27: {  	s1 =	sld [smem:$0x3FAD]  }
0x28: {  	s2 =	sld [smem:$0x3FAE]  }
0x29: {  	s4 =	sld [smem:$0x3FB0]  }
0x2a: {  	p0 =	seq.s32 s5, $0x0;
	s5 =	sld [smem:$0x3FB1]  }
0x2b: {  	s6 =	sld [smem:$0x3FB2]  }
0x2c: {  	s7 =	sld [smem:$0x3FB3]  }
0x2d: {  	s3 =	simm.s32 $0x108;
	s8 =	sld [smem:$0x3FB4]  }
0x2e: {  	s3 =	simm.s32 @!p0 $0x1082;
	s9 =	sld [smem:$0x3FB5]  }
0x2f: {  	lr =	sadd.s32 s0, s3;
	s0 =	sld [smem:$0x3FAC]  }
0x30: {  	s3 =	sld [smem:$0x3FAF]  }
0x31: {  	[smem:$0x3FB8] =	sst s10  }
0x32: {  	s10 =	sld [smem:$0x3FB6];
	_ =	sdelay $0x3  }
0x33: {  	p0 =	seq.s32 s10, $0x1;
	s10 =	sld [smem:$0x3FB8];
	_ =	sdelay $0x3  }
0x34: {  	[smem:$0x3FB8] =	sst s10  }
0x35: {  	s10 =	sld [smem:$0x3FB7];
	_ =	sdelay $0x3  }
0x36: {  	p1 =	seq.s32 s10, $0x1;
	s10 =	sld [smem:$0x3FB8];
	_ =	sdelay $0x3  }
0x37: {  	[smem:$0x3FB8] =	sst s10  }
0x38: {  	s10 =	sld [smem:$0x3FB9]  }
0x39: {  	_ = 	snop;
	(pc) =	sbr.ind lr, $3  }
0x3a: {  	_ = 	snop  }
0x3b: {  	_ = 	snop  }
0x3c: {  	p2 =	seq.s32 s10, $0x1;
	s10 =	sld [smem:$0x3FB8]  }
0x3d: {  	_ =	shalt  }
0x3e: {  	_ =	shalt  }
0x3f: {  	_ =	shalt  }
0x40: {  	_ =	shalt  }
0x41: {  	_ =	shalt  }
0x42: {  	_ =	shalt  }
0x43: {  	_ =	shalt  }
0x44: {  	_ =	shalt  }
0x45: {  	_ =	shalt  }
0x46: {  	_ =	shalt  }
0x47: {  	_ =	shalt  }
0x48: {  	_ =	shalt  }
0x49: {  	_ =	shalt  }
0x4a: {  	_ =	shalt  }
0x4b: {  	_ =	shalt  }
0x4c: {  	_ =	shalt  }
0x4d: {  	_ =	shalt  }
0x4e: {  	_ =	shalt  }
0x4f: {  	_ =	shalt  }
0x50: {  	_ =	shalt  }
0x51: {  	_ =	shalt  }
0x52: {  	_ =	shalt  }
0x53: {  	_ =	shalt  }
0x54: {  	_ =	shalt  }
0x55: {  	_ =	shalt  }
0x56: {  	_ =	shalt  }
0x57: {  	_ =	shalt  }
0x58: {  	_ =	shalt  }
0x59: {  	_ =	shalt  }
0x5a: {  	_ =	shalt  }
0x5b: {  	_ =	shalt  }
0x5c: {  	_ =	shalt  }
0x5d: {  	_ =	shalt  }
0x5e: {  	_ =	shalt  }
0x5f: {  	_ =	shalt  }
0x60: {  	_ =	shalt  }
0x61: {  	_ =	shalt  }
0x62: {  	_ =	shalt  }
0x63: {  	_ =	shalt  }
0x64: {  	_ =	shalt  }
0x65: {  	_ =	shalt  }
0x66: {  	_ =	shalt  }
0x67: {  	_ =	shalt  }
0x68: {  	_ =	shalt  }
0x69: {  	_ =	shalt  }
0x6a: {  	_ =	shalt  }
0x6b: {  	_ =	shalt  }
0x6c: {  	_ =	shalt  }
0x6d: {  	_ =	shalt  }
0x6e: {  	_ =	shalt  }
0x6f: {  	_ =	shalt  }
0x70: {  	_ =	shalt  }
0x71: {  	_ =	shalt  }
0x72: {  	_ =	shalt  }
0x73: {  	_ =	shalt  }
0x74: {  	_ =	shalt  }
0x75: {  	_ =	shalt  }
0x76: {  	_ =	shalt  }
0x77: {  	_ =	shalt  }
0x78: {  	_ =	shalt  }
0x79: {  	_ =	shalt  }
0x7a: {  	_ =	shalt  }
0x7b: {  	_ =	shalt  }
0x7c: {  	_ =	shalt  }
0x7d: {  	_ =	shalt  }
0x7e: {  	_ =	shalt  }
0x7f: {  	_ =	shalt  }
0x80: {  	_ =	shalt  }
0x81: {  	_ =	shalt  }
0x82: {  	_ =	shalt  }
0x83: {  	_ =	shalt  }
0x84: {  	_ =	shalt  }
0x85: {  	_ =	shalt  }
0x86: {  	_ =	shalt  }
0x87: {  	_ =	shalt  }
.Lfunc_end0:
.L_simem_size_0:
called_computation_lowered:
.L_overlay_start_0:
0x88: {  	s2 =	sld [smem:$0x3FD9]  }
0x89: {  	s3 =	sld [smem:$0x3FFE];
	_ =	sdelay $0x1  }
0x8a: {  	s1 =	srdreg.scid  }
0x8b: {  	s0 =	sand.u32 $0x1, s1  }
0x8c: {  	s17 =	sshll.u32 s0, $0xA;
	s2 =	sadd.s32 s3, s2  }
0x8d: {  	s2 =	sadd.s32 s2, s17  }
0x8e: {  	[smem:$0x3FC4] =	sst s2  }
0x8f: {  	_ = 	snop  }
0x90: {  	s2 =	sld [smem:$0x3FD0];
	(tm) =	ssettm $0x1  }
0x91: {  	s18 =	sld [smem:$0x3FFB];
	_ =	sdelay $0x3  }
0x92: {  	_ =	strace s18  }
0x93: {  	s3 =	sld [smem:$0x3FFC];
	_ =	sdelay $0x3  }
0x94: {  	_ =	strace s3  }
0x95: {  	s3 =	sld [smem:$0x3FFD];
	_ =	sdelay $0x3  }
0x96: {  	_ =	strace s3  }
0x97: {  	_ =	strace $0x8FFFFFFF  }
0x98: {  	s19 =	sld [smem:$0x3FDB];
	_ =	sdelay $0x1  }
0x99: {  	s4 =	simm.s32 $_scs_section_size  }
0x9a: {  	s5 =	simm.s32 $_size__tile_overlayer_lowered;
	s6 =	simm.s32 $_tile_overlayer_lowered  }
0x9b: {  	s22 =	simm.s32 $0x1BFF;
	s21 =	sshll.u32 s6, $0x1;
	s3 =	sadd.s32 s4, s19  }
0x9c: {  	s7 =	simm.s32 $0x0;
	s20 =	sshll.u32 s5, $0x1;
	s5 =	sadd.s32 s21, s3  }
0x9d: {  	[timem:s7], [sflag:s22] =	dma.local [hbm:s5], s20  }
0x9e: {  	_ =	swait.ge [sflag:s22], s20  }
0x9f: {  	s4 =	ssub.s32 $0x0, s20;
	[sflag:s22] =	ssyncset.done $0x0  }
0xa0: {  	[sflag:s22] =	ssyncadd.s32 s4;
	_ =	sdelay $0x1  }
0xa1: {  	s23 =	simm.s32 $0x1B8B  }
0xa2: {  	_ =	swait.ge [sflag:s23], $0x1  }
0xa3: {  	[sflag:s23] =	ssyncset.done $0x0  }
0xa4: {  	s25 =	simm.s32 $0x1B8E;
	s24 =	sld [smem:$0x3FFE];
	[sflag:s23] =	ssyncadd.s32 $0xFFFFFFFF  }
0xa5: {  	s26 =	simm.s32 $execute0_lowered;
	[smem:$0x3FD2] =	sst s25  }
0xa6: {  	s5 =	sshll.u32 s26, $0x1;
	_ =	strace $0x80000046;
	[dreg:$0x1] =	wrdreg $0xFFFFFFFF  }
0xa7: {  	s28 =	simm.s32 $_size_execute0_lowered;
	s3 =	sadd.s32 s3, s5;
	[dreg:$0x0] =	wrdreg $0x0  }
0xa8: {  	s5 =	sshll.u32 s28, $0x1;
	[dreg:$0x2] =	wrdreg s3  }
0xa9: {  	[dreg:$0x3] =	wrdreg s5  }
0xaa: {  	[dreg:$0x4] =	wrdreg $0xC0  }
0xab: {  	_ =	task [dreg:s7], $0x5FFFF  }
0xac: {  	[dreg:$0x1] =	wrdreg $0xFFFFFFFF  }
0xad: {  	[dreg:$0x0] =	wrdreg $0x60  }
0xae: {  	[dreg:$0x2] =	wrdreg s24  }
0xaf: {  	[dreg:$0x3] =	wrdreg s2  }
0xb0: {  	[dreg:$0x4] =	wrdreg $0x9  }
0xb1: {  	_ =	task.clear_ibuf [dreg:s7], $0x5FFFF;
	_ =	strace $0x90000046  }
0xb2: {  	s29 =	simm.s32 $0x9;
	_ =	strace $0x80000048  }
0xb3: {  	_ =	swait.ge [sflag:s29], $0x1  }
0xb4: {  	[sflag:s29] =	ssyncadd.s32 $0xFFFFFFFF  }
0xb5: {  	_ =	strace $0x90000048  }
0xb6: {  	_ =	sfence  }
0xb7: {  	s30 =	sld [smem:$0x0];
	_ =	sdelay $0x2  }
0xb8: {  	s31 =	sshll.u32 s1, $0xD;
	s1 =	sshrl.u32 s1, $0x2  }
0xb9: {  	s3 =	sand.u32 $0x4000, s31;
	s1 =	sadd.s32 s1, s30  }
0xba: {  	s0 =	sor.u32 s3, s0;
	s1 =	sshll.u32 s1, $0x11  }
0xbb: {  	s0 =	sor.u32 s1, s0  }
0xbc: {  	s0 =	sadd.s32 $0x8F2B, s0  }
0xbd: {  	[sflag:s0] =	ssyncadd.remote.s32 $0x1  }
0xbe: {  	_ =	sfence.sel $0xFFFF  }
0xbf: {  	[dreg:$0x0] =	wrdreg $0xFFFFFFFF;
	(pc) =	sbr.abs _section_cstart, $3  }
0xc0: {  	[dreg:$0x1] =	wrdreg $0xFFFFFFFF  }
0xc1: {  	_ =	task.clear_ibuf [dreg:s7], $0x2FFFF;
	_ =	strace $0x9FFFFFFF  }
0xc2: {  	(tm) =	ssettm $0x7FFFFFFF  }
0xc3: {  	_ =	shalt  }
tec
execute0_lowered:
.L_overlay_start_1:
0x0: {  	(tag) =	ssettag $0x1  }
0x1: {  	s0 =	rddreg [dreg:$0x0]  }
0x2: {  	s1 =	rddreg [dreg:$0x1];
	s2 =	srdreg.scid;
	s4 =	simm.s32 $0x0  }
0x3: {  	s3 =	stileid.u32;
	s12 =	simm.s32 $0x68;
	s13 =	simm.s32 $0xC8  }
0x4: {  	s15 =	simm.s32 $0x1;
	s20 =	simm.s32 $0xEA00;
	s29 =	simm.s32 $0x11E00  }
0x5: {  	s31 =	simm.s32 $0x12B00;
	s11 =	simm.s32 $0x7;
	s30 =	simm.s32 $0x2  }
0x6: {  	s10 =	simm.s32 $0x0;
	s2 =	sand.u32 $0x1, s2;
	[smem:$0x7FF] =	sst s4  }
0x7: {  	s3 =	sshll.u32 s3, $0xA;
	s4 =	sadd.s32 $0xA00, s0;
	s5 =	sadd.s32 $0xF42E00, s0  }
0x8: {  	s6 =	sadd.s32 $0xA0C, s0;
	s0 =	simm.s32 $0x3;
	s21 =	sshll.u32 s2, $0x9  }
0x9: {  	_ =	strace $0x80000047;
	s2 =	ssub.s32 $0x2, s2;
	s8 =	sor.u32 s21, s3  }
0xa: {  	s22 =	sshrl.u32 s2, $0x1;
	s21 =	simm.s32 $0x8;
	s7 =	smul.u32 $0x19, s8  }
0xb: {  	s2 =	ssub.s32 s2, s22;
	s25 =	sshll.u32 s8, $0x2;
	s19 =	smov.u32 s8  }
0xc: {  	s26 =	sor.u32 $0x100, s8;
	s22 =	simm.s32 $0xF700;
	s8 =	simm.s32 $0x6  }
.Ltmp0:
0xd: {  	s9 =	sadd.s32 s1, s25;
	[dreg:$0x5] =	wrdreg s26;
	(pc) =	sbr.rel .LBB2_1-.Ltmp0, $4  }
0xe: {  	s28 =	smax.u32 s2, $0x1;
	s26 =	simm.s32 $0x11100;
	s1 =	simm.s32 $0x4  }
0xf: {  	s25 =	simm.s32 $0xA;
	s23 =	sadd.s32 s4, s7;
	[dreg:$0x6] =	wrdreg s28  }
0x10: {  	s24 =	sadd.s32 s7, s6;
	s7 =	simm.s32 $0x5;
	[dreg:$0x3] =	wrdreg s23  }
0x11: {  	[dreg:$0x4] =	wrdreg s24;
	s24 =	simm.s32 $0x10400;
	s23 =	simm.s32 $0x9  }
.LBB2_41:
0x12: {  	s2 =	simm.s32 $0xB  }
0x13: {  	_ =	swait.ge [sflag:s2], $0x1000  }
0x14: {  	[sflag:s2] =	ssyncset.done $0x0  }
0x15: {  	s3 =	simm.s32 $0xC;
	[sflag:s2] =	ssyncadd.s32 $0xFFFFF000  }
0x16: {  	_ =	swait.ge [sflag:s3], $0x1000  }
0x17: {  	s10 =	rddreg [dreg:$0x7]  }
0x18: {  	s28 =	rddreg [dreg:$0x6];
	s10 =	sadd.s32 $0x1, s10  }
0x19: {  	p0 =	sne.s32 s10, s28  }
.Ltmp1:
0x1a: {  	_ = 	snop;
	(pc) =	sbr.rel @!p0 .LBB2_42-.Ltmp1, $3  }
0x1b: {  	_ =	sdelay $0x1  }
0x1c: {  	[sflag:s3] =	ssyncset.done $0x0  }
0x1d: {  	[sflag:s3] =	ssyncadd.s32 $0xFFFFF000  }
.LBB2_1:
0x1e: {  	[dreg:$0x7] =	wrdreg s10  }
.Ltmp2:
0x1f: {  	s3 =	rddreg [dreg:$0x3];
	(pc) =	sbr.rel .LBB2_2-.Ltmp2, $4  }
0x20: {  	s2 =	simm.s32 $0x0;
	s18 =	rddreg [dreg:$0x4]  }
0x21: {  	[tilespmem:s2], [sflag:$0x1] =	stream.strided.gather [hbm4b:s3+s12], $0x3400, s13, s12, $0x38;
	[tilespmem:$0x15800] =	vst v63  }
0x22: {  	s28 =	simm.s32 $0x3400;
	p1 =	por $0x1, $0x1;
	s2 =	simm.s32 $0x0  }
0x23: {  	[tilespmem:s28], [sflag:$0x1] =	stream.strided.gather [hbm4b:s18+s12], $0x3400, s13, s12, $0x38;
	[tilespmem:$0x15800] =	vst v63  }
.LBB2_40:
.Ltmp3:
0x24: {  	(pc) =	sbr.rel @!p0 .LBB2_41-.Ltmp3, $4  }
0x25: {  	[tilespmem:s28+$0x14860] =	vst v1  }
0x26: {  	[tilespmem:s28+$0x14870] =	vst v0;
	s2 =	sadd.s32 s3, s9;
	s28 =	simm.s32 $0x0;
	s10 =	simm.s32 $0x14800  }
0x27: {  	[hbm4b:s2+s28] =	stream.linear.scatter [tilespmem:s10], [sflag:$0xC], $0x1000, $0x38;
	[tilespmem:$0x15800] =	vst v63  }
0x28: {  	p1 =	por $0x0, $0x0;
	s2 =	simm.s32 $0x1  }
.LBB2_2:
0x29: {  	_ =	swait.ge [sflag:s15], $0x3400;
	s28 =	sshll.u32 s2, $0x8  }
0x2a: {  	[sflag:s15] =	ssyncset.done $0x0;
	s3 =	sor.u32 s28, s19  }
0x2b: {  	[sflag:s15] =	ssyncadd.s32 $0xFFFFCC00;
	s3 =	smul.u32 $0x19, s3  }
0x2c: {  	_ =	swait.ge [sflag:s15], $0x3400  }
0x2d: {  	[sflag:s15] =	ssyncset.done $0x0;
	s3 =	sadd.s32 $0xC80, s3  }
0x2e: {  	s14 =	simm.s32 $0x6800;
	[sflag:s15] =	ssyncadd.s32 $0xFFFFCC00;
	s10 =	sadd.s32 s4, s3  }
0x2f: {  	[tilespmem:s14], [sflag:$0x2] =	stream.strided.gather [hbm4b:s10+s12], $0x3400, s13, s12, $0x38;
	[tilespmem:$0x15800] =	vst v63  }
0x30: {  	s18 =	simm.s32 $0x9C00;
	s3 =	sadd.s32 s3, s6  }
0x31: {  	[tilespmem:s18], [sflag:$0x2] =	stream.strided.gather [hbm4b:s3+s12], $0x3400, s13, s12, $0x38;
	[tilespmem:$0x15800] =	vst v63  }
0x32: {  	s3 =	simm.s32 @!p1 $0xB  }
0x33: {  	_ =	swait.ge @!p1 [sflag:s3], $0x1000  }
0x34: {  	[sflag:s3] =	ssyncset.done @!p1 $0x0  }
0x35: {  	s14 =	simm.s32 $0xD000;
	[sflag:s3] =	ssyncadd.s32 @!p1 $0xFFFFF000;
	s3 =	simm.s32 $0x0  }
0x36: {  	[tilespmem:s14], [sflag:$0x3] =	stream.indirect.gather [hbm4b:s5+s12], $0x20, s3, s12, $0xb8;
	[tilespmem:$0x15800] =	vst v63  }
0x37: {  	s16 =	simm.s32 $0x3400;
	s17 =	simm.s32 $0xDD00  }
0x38: {  	[tilespmem:s17], [sflag:$0x4] =	stream.indirect.gather [hbm4b:s5+s12], $0x20, s16, s12, $0xb8;
	[tilespmem:$0x15800] =	vst v63  }
0x39: {  	_ = 	snop  }
0x3a: {  	[tilespmem:s20], [sflag:$0x5] =	stream.indirect.gather [hbm4b:s5+s12], $0x20, s12, s12, $0xb8;
	[tilespmem:$0x15800] =	vst v63  }
0x3b: {  	s18 =	simm.s32 $0x3468  }
0x3c: {  	[tilespmem:s22], [sflag:$0x6] =	stream.indirect.gather [hbm4b:s5+s12], $0x20, s18, s12, $0xb8;
	[tilespmem:$0x15800] =	vst v63  }
0x3d: {  	s14 =	simm.s32 $0xD0  }
0x3e: {  	[tilespmem:s24], [sflag:$0x7] =	stream.indirect.gather [hbm4b:s5+s12], $0x20, s14, s12, $0xb8;
	[tilespmem:$0x15800] =	vst v63  }
0x3f: {  	s16 =	simm.s32 $0x34D0  }
0x40: {  	[tilespmem:s26], [sflag:$0x8] =	stream.indirect.gather [hbm4b:s5+s12], $0x20, s16, s12, $0xb8;
	[tilespmem:$0x15800] =	vst v63  }
0x41: {  	s17 =	simm.s32 $0x138  }
0x42: {  	[tilespmem:s29], [sflag:$0x9] =	stream.indirect.gather [hbm4b:s5+s12], $0x20, s17, s12, $0xb8;
	[tilespmem:$0x15800] =	vst v63  }
0x43: {  	p0 =	por p1, p1;
	s18 =	simm.s32 $0x3538;
	s14 =	sshll.u32 s2, $0xA  }
0x44: {  	[tilespmem:s31], [sflag:$0xA] =	stream.indirect.gather [hbm4b:s5+s12], $0x20, s18, s12, $0xb8;
	[tilespmem:$0x15800] =	vst v63  }
.LBB2_3:
0x45: {  	_ =	swait.ge [sflag:s0], $0xD00  }
0x46: {  	[sflag:s0] =	ssyncset.done $0x0  }
0x47: {  	s10 =	simm.s32 $0xD040;
	[sflag:s0] =	ssyncadd.s32 $0xFFFFF300  }
0x48: {  	v0 =	vld [tilespmem:s10+$0x30]  }
0x49: {  	v1 =	vld [tilespmem:s10+$0xFFFFFFD0]  }
0x4a: {  	v3 =	vld [tilespmem:s10+$0xFFFFFFE0]  }
0x4b: {  	v10 =	vld [tilespmem:s10+$0xFFFFFFF0]  }
0x4c: {  	v6 =	vld [tilespmem:s10+$0x0]  }
0x4d: {  	v4 =	vimm.f32 $0.0e+00;
	v9 =	vimm.f32 $0.0e+00;
	v8 =	vld [tilespmem:s10+$0x10]  }
0x4e: {  	v5 =	vimm.f32 $0.0e+00;
	v11 =	vimm.f32 $0.0e+00;
	v7 =	vld [tilespmem:s10+$0x20];
	v0 =	vadd.f32 v0, v4  }
0x4f: {  	s2 =	simm.s32 $0x0;
	v12 =	vld [tilespmem:s10+$0xFFFFFFC0];
	s10 =	simm.s32 $0xD0C0;
	v2 =	vadd.f32 v1, v4;
	v1 =	vadd.f32 v3, v4;
	v3 =	vimm.f32 $0.0e+00  }
.LBB2_4:
0x50: {  	v13 =	vld [tilespmem:s10+$0x30];
	s2 =	sadd.s32 $0x4, s2;
	v4 =	vadd.f32 v10, v4  }
0x51: {  	v14 =	vld [tilespmem:s10+$0xFFFFFFD0];
	p1 =	slt.u32 s2, $0x60;
	v3 =	vadd.f32 v6, v3  }
0x52: {  	v15 =	vld [tilespmem:s10+$0xFFFFFFE0];
	v9 =	vadd.f32 v8, v9  }
.Ltmp4:
0x53: {  	v10 =	vld [tilespmem:s10+$0xFFFFFFF0];
	v5 =	vadd.f32 v7, v5;
	(pc) =	sbr.rel @p1 .LBB2_4-.Ltmp4, $4  }
0x54: {  	v6 =	vld [tilespmem:s10+$0x0];
	v11 =	vadd.f32 v12, v11  }
0x55: {  	v8 =	vld [tilespmem:s10+$0x10];
	v0 =	vadd.f32 v13, v0  }
0x56: {  	v2 =	vadd.f32 v14, v2;
	v7 =	vld [tilespmem:s10+$0x20]  }
0x57: {  	v12 =	vld [tilespmem:s10+$0xFFFFFFC0];
	v1 =	vadd.f32 v15, v1;
	s10 =	sadd.s32 $0x80, s10  }
0x58: {  	s2 =	sshll.u32 s3, $0x2  }
0x59: {  	p1 =	seq.s32 s3, $0x1F;
	s10 =	sadd.s32 $0x4, s2  }
0x5a: {  	s10 =	smul.u32 @!p1 $0x1A0, s10;
	_ =	sdelay $0x1  }
0x5b: {  	s16 =	simm.s32 @!p1 $0x68;
	s17 =	simm.s32 @!p1 $0xD000;
	s10 =	sshra.s32 @!p1 s10, $0x2  }
0x5c: {  	[tilespmem:s17], [sflag:$0x3] =	stream.indirect.gather @!p1 [hbm4b:s5+s16], $0x20, s10, s16, $0xb8;
	[tilespmem:$0x15800] =	vst v63  }
0x5d: {  	_ =	swait.ge [sflag:s1], $0xD00  }
0x5e: {  	[sflag:s1] =	ssyncset.done $0x0  }
0x5f: {  	v4 =	vadd.f32 v10, v4;
	s18 =	simm.s32 $0xDDF0;
	v10 =	vadd.f32 v12, v11;
	[sflag:s1] =	ssyncadd.s32 $0xFFFFF300  }
0x60: {  	v3 =	vadd.f32 v6, v3;
	v8 =	vadd.f32 v8, v9;
	v11 =	vld [tilespmem:s18+$0x0]  }
0x61: {  	v2 =	vadd.f32 v4, v2;
	v1 =	vadd.f32 v1, v10;
	v4 =	vld [tilespmem:s18+$0xFFFFFFA0]  }
0x62: {  	v7 =	vadd.f32 v7, v5;
	v9 =	vld [tilespmem:s18+$0xFFFFFFB0]  }
0x63: {  	v2 =	vadd.f32 v8, v2;
	v3 =	vadd.f32 v3, v1;
	v5 =	vld [tilespmem:s18+$0xFFFFFFC0]  }
0x64: {  	v6 =	vld [tilespmem:s18+$0xFFFFFFD0]  }
0x65: {  	v2 =	vadd.f32 v0, v2;
	v1 =	vimm.f32 $0.0e+00;
	v3 =	vadd.f32 v7, v3;
	v7 =	vld [tilespmem:s18+$0xFFFFFFE0]  }
0x66: {  	v8 =	vimm.f32 $0.0e+00;
	v10 =	vimm.f32 $0.0e+00;
	v0 =	vadd.f32 v11, v1;
	v11 =	vld [tilespmem:s18+$0xFFFFFFF0]  }
0x67: {  	s16 =	simm.s32 $0x4;
	s17 =	simm.s32 $0xDE70;
	v12 =	vld [tilespmem:s18+$0xFFFFFF90];
	v2 =	vadd.f32 v4, v2;
	v4 =	vadd.f32 v9, v1;
	v9 =	vimm.f32 $0.0e+00  }
.LBB2_6:
0x68: {  	v13 =	vld [tilespmem:s17+$0x0];
	s16 =	sadd.s32 $0x4, s16;
	v1 =	vadd.f32 v5, v1  }
0x69: {  	v14 =	vld [tilespmem:s17+$0xFFFFFFA0];
	p2 =	slt.u32 s16, $0x64;
	v10 =	vadd.f32 v6, v10  }
0x6a: {  	v15 =	vld [tilespmem:s17+$0xFFFFFFB0];
	v9 =	vadd.f32 v7, v9  }
.Ltmp5:
0x6b: {  	v5 =	vld [tilespmem:s17+$0xFFFFFFC0];
	v8 =	vadd.f32 v11, v8;
	(pc) =	sbr.rel @p2 .LBB2_6-.Ltmp5, $4  }
0x6c: {  	v6 =	vld [tilespmem:s17+$0xFFFFFFD0];
	v3 =	vadd.f32 v12, v3  }
0x6d: {  	v7 =	vld [tilespmem:s17+$0xFFFFFFE0];
	v0 =	vadd.f32 v13, v0  }
0x6e: {  	v2 =	vadd.f32 v14, v2;
	v11 =	vld [tilespmem:s17+$0xFFFFFFF0]  }
0x6f: {  	v12 =	vld [tilespmem:s17+$0xFFFFFF90];
	v4 =	vadd.f32 v15, v4;
	s17 =	sadd.s32 $0x80, s17  }
0x70: {  	_ =	sdelay $0x3  }
0x71: {  	v3 =	vadd.f32 v12, v3  }
0x72: {  	v1 =	vadd.f32 v5, v1  }
0x73: {  	v5 =	vadd.f32 v6, v10;
	v3 =	vadd.f32 v4, v3  }
0x74: {  	v1 =	vadd.f32 v1, v2;
	v4 =	vadd.f32 v7, v9  }
0x75: {  	s10 =	sadd.s32 @!p1 $0x3400, s10;
	s16 =	simm.s32 @!p1 $0x68;
	s17 =	simm.s32 @!p1 $0xDD00;
	v2 =	vadd.f32 v11, v8;
	v3 =	vadd.f32 v5, v3  }
0x76: {  	[tilespmem:s17], [sflag:$0x4] =	stream.indirect.gather @!p1 [hbm4b:s5+s16], $0x20, s10, s16, $0xb8;
	v1 =	vadd.f32 v4, v1;
	[tilespmem:$0x15800] =	vst v63  }
0x77: {  	s17 =	sshll.u32 s3, $0x7;
	v2 =	vadd.f32 v2, v3  }
0x78: {  	s10 =	sand.u32 $0x3FFFFF80, s17;
	v0 =	vadd.f32 v0, v1  }
0x79: {  	[tilespmem:s10+$0x13800] =	vst v2  }
0x7a: {  	[tilespmem:s10+$0x13810] =	vst v0  }
0x7b: {  	_ =	swait.ge [sflag:s7], $0xD00  }
0x7c: {  	[sflag:s7] =	ssyncset.done $0x0  }
0x7d: {  	s18 =	simm.s32 $0xEA40;
	[sflag:s7] =	ssyncadd.s32 $0xFFFFF300  }
0x7e: {  	v0 =	vld [tilespmem:s18+$0x30]  }
0x7f: {  	v1 =	vld [tilespmem:s18+$0xFFFFFFD0]  }
0x80: {  	v3 =	vld [tilespmem:s18+$0xFFFFFFE0]  }
0x81: {  	v10 =	vld [tilespmem:s18+$0xFFFFFFF0]  }
0x82: {  	v6 =	vld [tilespmem:s18+$0x0]  }
0x83: {  	v11 =	vimm.f32 $0.0e+00;
	v4 =	vimm.f32 $0.0e+00;
	v8 =	vld [tilespmem:s18+$0x10]  }
0x84: {  	v9 =	vimm.f32 $0.0e+00;
	v5 =	vimm.f32 $0.0e+00;
	v7 =	vld [tilespmem:s18+$0x20];
	v0 =	vadd.f32 v0, v4  }
0x85: {  	s16 =	simm.s32 $0x0;
	s17 =	simm.s32 $0xEAC0;
	v12 =	vld [tilespmem:s18+$0xFFFFFFC0];
	v2 =	vadd.f32 v1, v4;
	v1 =	vadd.f32 v3, v4;
	v3 =	vimm.f32 $0.0e+00  }
.LBB2_8:
0x86: {  	v13 =	vld [tilespmem:s17+$0x30];
	s16 =	sadd.s32 $0x4, s16;
	v4 =	vadd.f32 v10, v4  }
0x87: {  	v14 =	vld [tilespmem:s17+$0xFFFFFFD0];
	p2 =	slt.u32 s16, $0x60;
	v3 =	vadd.f32 v6, v3  }
0x88: {  	v15 =	vld [tilespmem:s17+$0xFFFFFFE0];
	v9 =	vadd.f32 v8, v9  }
.Ltmp6:
0x89: {  	v10 =	vld [tilespmem:s17+$0xFFFFFFF0];
	v5 =	vadd.f32 v7, v5;
	(pc) =	sbr.rel @p2 .LBB2_8-.Ltmp6, $4  }
0x8a: {  	v6 =	vld [tilespmem:s17+$0x0];
	v11 =	vadd.f32 v12, v11  }
0x8b: {  	v8 =	vld [tilespmem:s17+$0x10];
	v0 =	vadd.f32 v13, v0  }
0x8c: {  	v2 =	vadd.f32 v14, v2;
	v7 =	vld [tilespmem:s17+$0x20]  }
0x8d: {  	v12 =	vld [tilespmem:s17+$0xFFFFFFC0];
	v1 =	vadd.f32 v15, v1;
	s17 =	sadd.s32 $0x80, s17  }
0x8e: {  	s16 =	sadd.s32 $0x5, s2  }
0x8f: {  	s16 =	smul.u32 @!p1 $0x1A0, s16;
	_ =	sdelay $0x1  }
0x90: {  	s17 =	simm.s32 @!p1 $0x68;
	s18 =	simm.s32 @!p1 $0xEA00;
	s16 =	sshra.s32 @!p1 s16, $0x2  }
0x91: {  	[tilespmem:s18], [sflag:$0x5] =	stream.indirect.gather @!p1 [hbm4b:s5+s17], $0x20, s16, s17, $0xb8;
	[tilespmem:$0x15800] =	vst v63  }
0x92: {  	_ =	swait.ge [sflag:s8], $0xD00  }
0x93: {  	[sflag:s8] =	ssyncset.done $0x0  }
0x94: {  	v4 =	vadd.f32 v10, v4;
	s18 =	simm.s32 $0xF7F0;
	v10 =	vadd.f32 v12, v11;
	[sflag:s8] =	ssyncadd.s32 $0xFFFFF300  }
0x95: {  	v3 =	vadd.f32 v6, v3;
	v8 =	vadd.f32 v8, v9;
	v11 =	vld [tilespmem:s18+$0x0]  }
0x96: {  	v2 =	vadd.f32 v4, v2;
	v1 =	vadd.f32 v1, v10;
	v4 =	vld [tilespmem:s18+$0xFFFFFFA0]  }
0x97: {  	v7 =	vadd.f32 v7, v5;
	v9 =	vld [tilespmem:s18+$0xFFFFFFB0]  }
0x98: {  	v2 =	vadd.f32 v8, v2;
	v3 =	vadd.f32 v3, v1;
	v5 =	vld [tilespmem:s18+$0xFFFFFFC0]  }
0x99: {  	v6 =	vld [tilespmem:s18+$0xFFFFFFD0]  }
0x9a: {  	v2 =	vadd.f32 v0, v2;
	v1 =	vimm.f32 $0.0e+00;
	v3 =	vadd.f32 v7, v3;
	v7 =	vld [tilespmem:s18+$0xFFFFFFE0]  }
0x9b: {  	v8 =	vimm.f32 $0.0e+00;
	v10 =	vimm.f32 $0.0e+00;
	v0 =	vadd.f32 v11, v1;
	v11 =	vld [tilespmem:s18+$0xFFFFFFF0]  }
0x9c: {  	s17 =	simm.s32 $0x4;
	v12 =	vld [tilespmem:s18+$0xFFFFFF90];
	v2 =	vadd.f32 v4, v2;
	v4 =	vadd.f32 v9, v1;
	s18 =	simm.s32 $0xF870;
	v9 =	vimm.f32 $0.0e+00  }
.LBB2_10:
0x9d: {  	v13 =	vld [tilespmem:s18+$0x0];
	s17 =	sadd.s32 $0x4, s17;
	v1 =	vadd.f32 v5, v1  }
0x9e: {  	v14 =	vld [tilespmem:s18+$0xFFFFFFA0];
	p2 =	slt.u32 s17, $0x64;
	v10 =	vadd.f32 v6, v10  }
0x9f: {  	v15 =	vld [tilespmem:s18+$0xFFFFFFB0];
	v9 =	vadd.f32 v7, v9  }
.Ltmp7:
0xa0: {  	v5 =	vld [tilespmem:s18+$0xFFFFFFC0];
	v8 =	vadd.f32 v11, v8;
	(pc) =	sbr.rel @p2 .LBB2_10-.Ltmp7, $4  }
0xa1: {  	v6 =	vld [tilespmem:s18+$0xFFFFFFD0];
	v3 =	vadd.f32 v12, v3  }
0xa2: {  	v7 =	vld [tilespmem:s18+$0xFFFFFFE0];
	v0 =	vadd.f32 v13, v0  }
0xa3: {  	v2 =	vadd.f32 v14, v2;
	v11 =	vld [tilespmem:s18+$0xFFFFFFF0]  }
0xa4: {  	v12 =	vld [tilespmem:s18+$0xFFFFFF90];
	v4 =	vadd.f32 v15, v4;
	s18 =	sadd.s32 $0x80, s18  }
0xa5: {  	_ =	sdelay $0x3  }
0xa6: {  	v3 =	vadd.f32 v12, v3  }
0xa7: {  	v1 =	vadd.f32 v5, v1  }
0xa8: {  	v5 =	vadd.f32 v6, v10;
	v3 =	vadd.f32 v4, v3  }
0xa9: {  	v1 =	vadd.f32 v1, v2;
	v4 =	vadd.f32 v7, v9  }
0xaa: {  	v2 =	vadd.f32 v11, v8;
	v3 =	vadd.f32 v5, v3  }
0xab: {  	v1 =	vadd.f32 v4, v1  }
0xac: {  	s16 =	sadd.s32 @!p1 $0x3400, s16;
	s17 =	simm.s32 @!p1 $0x68;
	s18 =	simm.s32 @!p1 $0xF700;
	v2 =	vadd.f32 v2, v3  }
0xad: {  	[tilespmem:s18], [sflag:$0x6] =	stream.indirect.gather @!p1 [hbm4b:s5+s17], $0x20, s16, s17, $0xb8;
	v0 =	vadd.f32 v0, v1;
	[tilespmem:$0x15800] =	vst v63  }
0xae: {  	[tilespmem:s10+$0x13820] =	vst v2  }
0xaf: {  	[tilespmem:s10+$0x13830] =	vst v0  }
0xb0: {  	_ =	swait.ge [sflag:s11], $0xD00  }
0xb1: {  	[sflag:s11] =	ssyncset.done $0x0  }
0xb2: {  	s18 =	simm.s32 $0x10440;
	[sflag:s11] =	ssyncadd.s32 $0xFFFFF300  }
0xb3: {  	v0 =	vld [tilespmem:s18+$0x30]  }
0xb4: {  	v1 =	vld [tilespmem:s18+$0xFFFFFFD0]  }
0xb5: {  	v3 =	vld [tilespmem:s18+$0xFFFFFFE0]  }
0xb6: {  	v10 =	vld [tilespmem:s18+$0xFFFFFFF0]  }
0xb7: {  	v6 =	vld [tilespmem:s18+$0x0]  }
0xb8: {  	v11 =	vimm.f32 $0.0e+00;
	v4 =	vimm.f32 $0.0e+00;
	v8 =	vld [tilespmem:s18+$0x10]  }
0xb9: {  	v9 =	vimm.f32 $0.0e+00;
	v5 =	vimm.f32 $0.0e+00;
	v7 =	vld [tilespmem:s18+$0x20];
	v0 =	vadd.f32 v0, v4  }
0xba: {  	s16 =	simm.s32 $0x0;
	s17 =	simm.s32 $0x104C0;
	v12 =	vld [tilespmem:s18+$0xFFFFFFC0];
	v2 =	vadd.f32 v1, v4;
	v1 =	vadd.f32 v3, v4;
	v3 =	vimm.f32 $0.0e+00  }
.LBB2_12:
0xbb: {  	v13 =	vld [tilespmem:s17+$0x30];
	s16 =	sadd.s32 $0x4, s16;
	v4 =	vadd.f32 v10, v4  }
0xbc: {  	v14 =	vld [tilespmem:s17+$0xFFFFFFD0];
	p2 =	slt.u32 s16, $0x60;
	v3 =	vadd.f32 v6, v3  }
0xbd: {  	v15 =	vld [tilespmem:s17+$0xFFFFFFE0];
	v9 =	vadd.f32 v8, v9  }
.Ltmp8:
0xbe: {  	v10 =	vld [tilespmem:s17+$0xFFFFFFF0];
	v5 =	vadd.f32 v7, v5;
	(pc) =	sbr.rel @p2 .LBB2_12-.Ltmp8, $4  }
0xbf: {  	v6 =	vld [tilespmem:s17+$0x0];
	v11 =	vadd.f32 v12, v11  }
0xc0: {  	v8 =	vld [tilespmem:s17+$0x10];
	v0 =	vadd.f32 v13, v0  }
0xc1: {  	v2 =	vadd.f32 v14, v2;
	v7 =	vld [tilespmem:s17+$0x20]  }
0xc2: {  	v12 =	vld [tilespmem:s17+$0xFFFFFFC0];
	v1 =	vadd.f32 v15, v1;
	s17 =	sadd.s32 $0x80, s17  }
0xc3: {  	s16 =	sadd.s32 $0x6, s2  }
0xc4: {  	s16 =	smul.u32 @!p1 $0x1A0, s16;
	_ =	sdelay $0x1  }
0xc5: {  	s17 =	simm.s32 @!p1 $0x68;
	s18 =	simm.s32 @!p1 $0x10400;
	s16 =	sshra.s32 @!p1 s16, $0x2  }
0xc6: {  	[tilespmem:s18], [sflag:$0x7] =	stream.indirect.gather @!p1 [hbm4b:s5+s17], $0x20, s16, s17, $0xb8;
	[tilespmem:$0x15800] =	vst v63  }
0xc7: {  	_ =	swait.ge [sflag:s21], $0xD00  }
0xc8: {  	[sflag:s21] =	ssyncset.done $0x0  }
0xc9: {  	v4 =	vadd.f32 v10, v4;
	s18 =	simm.s32 $0x111F0;
	v10 =	vadd.f32 v12, v11;
	[sflag:s21] =	ssyncadd.s32 $0xFFFFF300  }
0xca: {  	v3 =	vadd.f32 v6, v3;
	v8 =	vadd.f32 v8, v9;
	v11 =	vld [tilespmem:s18+$0x0]  }
0xcb: {  	v2 =	vadd.f32 v4, v2;
	v1 =	vadd.f32 v1, v10;
	v4 =	vld [tilespmem:s18+$0xFFFFFFA0]  }
0xcc: {  	v7 =	vadd.f32 v7, v5;
	v9 =	vld [tilespmem:s18+$0xFFFFFFB0]  }
0xcd: {  	v2 =	vadd.f32 v8, v2;
	v3 =	vadd.f32 v3, v1;
	v5 =	vld [tilespmem:s18+$0xFFFFFFC0]  }
0xce: {  	v6 =	vld [tilespmem:s18+$0xFFFFFFD0]  }
0xcf: {  	v2 =	vadd.f32 v0, v2;
	v1 =	vimm.f32 $0.0e+00;
	v3 =	vadd.f32 v7, v3;
	v7 =	vld [tilespmem:s18+$0xFFFFFFE0]  }
0xd0: {  	v8 =	vimm.f32 $0.0e+00;
	v10 =	vimm.f32 $0.0e+00;
	v0 =	vadd.f32 v11, v1;
	v11 =	vld [tilespmem:s18+$0xFFFFFFF0]  }
0xd1: {  	s17 =	simm.s32 $0x4;
	v12 =	vld [tilespmem:s18+$0xFFFFFF90];
	v2 =	vadd.f32 v4, v2;
	v4 =	vadd.f32 v9, v1;
	s18 =	simm.s32 $0x11270;
	v9 =	vimm.f32 $0.0e+00  }
.LBB2_14:
0xd2: {  	v13 =	vld [tilespmem:s18+$0x0];
	s17 =	sadd.s32 $0x4, s17;
	v1 =	vadd.f32 v5, v1  }
0xd3: {  	v14 =	vld [tilespmem:s18+$0xFFFFFFA0];
	p2 =	slt.u32 s17, $0x64;
	v10 =	vadd.f32 v6, v10  }
0xd4: {  	v15 =	vld [tilespmem:s18+$0xFFFFFFB0];
	v9 =	vadd.f32 v7, v9  }
.Ltmp9:
0xd5: {  	v5 =	vld [tilespmem:s18+$0xFFFFFFC0];
	v8 =	vadd.f32 v11, v8;
	(pc) =	sbr.rel @p2 .LBB2_14-.Ltmp9, $4  }
0xd6: {  	v6 =	vld [tilespmem:s18+$0xFFFFFFD0];
	v3 =	vadd.f32 v12, v3  }
0xd7: {  	v7 =	vld [tilespmem:s18+$0xFFFFFFE0];
	v0 =	vadd.f32 v13, v0  }
0xd8: {  	v2 =	vadd.f32 v14, v2;
	v11 =	vld [tilespmem:s18+$0xFFFFFFF0]  }
0xd9: {  	v12 =	vld [tilespmem:s18+$0xFFFFFF90];
	v4 =	vadd.f32 v15, v4;
	s18 =	sadd.s32 $0x80, s18  }
0xda: {  	_ =	sdelay $0x3  }
0xdb: {  	v3 =	vadd.f32 v12, v3  }
0xdc: {  	v1 =	vadd.f32 v5, v1  }
0xdd: {  	v5 =	vadd.f32 v6, v10;
	v3 =	vadd.f32 v4, v3  }
0xde: {  	v1 =	vadd.f32 v1, v2;
	v4 =	vadd.f32 v7, v9  }
0xdf: {  	v2 =	vadd.f32 v11, v8;
	v3 =	vadd.f32 v5, v3  }
0xe0: {  	v1 =	vadd.f32 v4, v1  }
0xe1: {  	s16 =	sadd.s32 @!p1 $0x3400, s16;
	s17 =	simm.s32 @!p1 $0x68;
	s18 =	simm.s32 @!p1 $0x11100;
	v2 =	vadd.f32 v2, v3  }
0xe2: {  	[tilespmem:s18], [sflag:$0x8] =	stream.indirect.gather @!p1 [hbm4b:s5+s17], $0x20, s16, s17, $0xb8;
	v0 =	vadd.f32 v0, v1;
	[tilespmem:$0x15800] =	vst v63  }
0xe3: {  	[tilespmem:s10+$0x13840] =	vst v2  }
0xe4: {  	[tilespmem:s10+$0x13850] =	vst v0  }
0xe5: {  	_ =	swait.ge [sflag:s23], $0xD00  }
0xe6: {  	[sflag:s23] =	ssyncset.done $0x0  }
0xe7: {  	s18 =	simm.s32 $0x11E40;
	[sflag:s23] =	ssyncadd.s32 $0xFFFFF300  }
0xe8: {  	v0 =	vld [tilespmem:s18+$0x30]  }
0xe9: {  	v1 =	vld [tilespmem:s18+$0xFFFFFFD0]  }
0xea: {  	v3 =	vld [tilespmem:s18+$0xFFFFFFE0]  }
0xeb: {  	v10 =	vld [tilespmem:s18+$0xFFFFFFF0]  }
0xec: {  	v6 =	vld [tilespmem:s18+$0x0]  }
0xed: {  	v11 =	vimm.f32 $0.0e+00;
	v4 =	vimm.f32 $0.0e+00;
	v8 =	vld [tilespmem:s18+$0x10]  }
0xee: {  	v9 =	vimm.f32 $0.0e+00;
	v5 =	vimm.f32 $0.0e+00;
	v7 =	vld [tilespmem:s18+$0x20];
	v0 =	vadd.f32 v0, v4  }
0xef: {  	s16 =	simm.s32 $0x0;
	s17 =	simm.s32 $0x11EC0;
	v12 =	vld [tilespmem:s18+$0xFFFFFFC0];
	v2 =	vadd.f32 v1, v4;
	v1 =	vadd.f32 v3, v4;
	v3 =	vimm.f32 $0.0e+00  }
.LBB2_16:
0xf0: {  	v13 =	vld [tilespmem:s17+$0x30];
	s16 =	sadd.s32 $0x4, s16;
	v4 =	vadd.f32 v10, v4  }
0xf1: {  	v14 =	vld [tilespmem:s17+$0xFFFFFFD0];
	p2 =	slt.u32 s16, $0x60;
	v3 =	vadd.f32 v6, v3  }
0xf2: {  	v15 =	vld [tilespmem:s17+$0xFFFFFFE0];
	v9 =	vadd.f32 v8, v9  }
.Ltmp10:
0xf3: {  	v10 =	vld [tilespmem:s17+$0xFFFFFFF0];
	v5 =	vadd.f32 v7, v5;
	(pc) =	sbr.rel @p2 .LBB2_16-.Ltmp10, $4  }
0xf4: {  	v6 =	vld [tilespmem:s17+$0x0];
	v11 =	vadd.f32 v12, v11  }
0xf5: {  	v8 =	vld [tilespmem:s17+$0x10];
	v0 =	vadd.f32 v13, v0  }
0xf6: {  	v2 =	vadd.f32 v14, v2;
	v7 =	vld [tilespmem:s17+$0x20]  }
0xf7: {  	v12 =	vld [tilespmem:s17+$0xFFFFFFC0];
	v1 =	vadd.f32 v15, v1;
	s17 =	sadd.s32 $0x80, s17  }
0xf8: {  	s2 =	sadd.s32 $0x7, s2  }
0xf9: {  	s16 =	smul.u32 @!p1 $0x1A0, s2;
	_ =	sdelay $0x1  }
0xfa: {  	s17 =	simm.s32 @!p1 $0x68;
	s18 =	simm.s32 @!p1 $0x11E00;
	s16 =	sshra.s32 @!p1 s16, $0x2  }
0xfb: {  	[tilespmem:s18], [sflag:$0x9] =	stream.indirect.gather @!p1 [hbm4b:s5+s17], $0x20, s16, s17, $0xb8;
	[tilespmem:$0x15800] =	vst v63  }
0xfc: {  	_ =	swait.ge [sflag:s25], $0xD00  }
0xfd: {  	[sflag:s25] =	ssyncset.done $0x0  }
0xfe: {  	v4 =	vadd.f32 v10, v4;
	s18 =	simm.s32 $0x12BF0;
	[sflag:s25] =	ssyncadd.s32 $0xFFFFF300  }
0xff: {  	v10 =	vadd.f32 v12, v11;
	v11 =	vld [tilespmem:s18+$0x0]  }
0x100: {  	v8 =	vadd.f32 v8, v9;
	v2 =	vadd.f32 v4, v2;
	v4 =	vld [tilespmem:s18+$0xFFFFFFA0]  }
0x101: {  	v3 =	vadd.f32 v6, v3;
	v1 =	vadd.f32 v1, v10;
	v9 =	vld [tilespmem:s18+$0xFFFFFFB0]  }
0x102: {  	v7 =	vadd.f32 v7, v5;
	v2 =	vadd.f32 v8, v2;
	v5 =	vld [tilespmem:s18+$0xFFFFFFC0]  }
0x103: {  	v3 =	vadd.f32 v3, v1;
	v6 =	vld [tilespmem:s18+$0xFFFFFFD0]  }
0x104: {  	v2 =	vadd.f32 v0, v2;
	v10 =	vimm.f32 $0.0e+00;
	v1 =	vimm.f32 $0.0e+00;
	v8 =	vld [tilespmem:s18+$0xFFFFFFE0]  }
0x105: {  	v3 =	vadd.f32 v7, v3;
	v7 =	vimm.f32 $0.0e+00;
	v0 =	vadd.f32 v11, v1;
	v11 =	vld [tilespmem:s18+$0xFFFFFFF0]  }
0x106: {  	s16 =	simm.s32 $0x4;
	s17 =	simm.s32 $0x12C70;
	v12 =	vld [tilespmem:s18+$0xFFFFFF90];
	v2 =	vadd.f32 v4, v2;
	v4 =	vadd.f32 v9, v1;
	v9 =	vimm.f32 $0.0e+00  }
.LBB2_18:
0x107: {  	v13 =	vld [tilespmem:s17+$0x0];
	s16 =	sadd.s32 $0x4, s16;
	v1 =	vadd.f32 v5, v1  }
0x108: {  	v14 =	vld [tilespmem:s17+$0xFFFFFFA0];
	p2 =	slt.u32 s16, $0x64;
	v9 =	vadd.f32 v6, v9  }
0x109: {  	v15 =	vld [tilespmem:s17+$0xFFFFFFB0];
	v10 =	vadd.f32 v8, v10  }
.Ltmp11:
0x10a: {  	v5 =	vld [tilespmem:s17+$0xFFFFFFC0];
	v7 =	vadd.f32 v11, v7;
	(pc) =	sbr.rel @p2 .LBB2_18-.Ltmp11, $4  }
0x10b: {  	v6 =	vld [tilespmem:s17+$0xFFFFFFD0];
	v3 =	vadd.f32 v12, v3  }
0x10c: {  	v8 =	vld [tilespmem:s17+$0xFFFFFFE0];
	v0 =	vadd.f32 v13, v0  }
0x10d: {  	v2 =	vadd.f32 v14, v2;
	v11 =	vld [tilespmem:s17+$0xFFFFFFF0]  }
0x10e: {  	v12 =	vld [tilespmem:s17+$0xFFFFFF90];
	v4 =	vadd.f32 v15, v4;
	s17 =	sadd.s32 $0x80, s17  }
0x10f: {  	_ =	sdelay $0x3  }
0x110: {  	v1 =	vadd.f32 v5, v1;
	v3 =	vadd.f32 v12, v3  }
0x111: {  	v61 =	vadd.f32 v6, v9;
	v62 =	vadd.f32 v8, v10  }
.Ltmp12:
0x112: {  	v1 =	vadd.f32 v1, v2;
	v3 =	vadd.f32 v4, v3;
	(pc) =	sbr.rel @p1 .LBB2_21-.Ltmp12, $3  }
0x113: {  	v2 =	vadd.f32 v11, v7  }
0x114: {  	v63 =	vadd.f32 v62, v1;
	v3 =	vadd.f32 v61, v3;
	_ =	sdelay $0x1  }
0x115: {  	v0 =	vadd.f32 v0, v63;
	v1 =	vadd.f32 v2, v3  }
0x116: {  	s2 =	smul.u32 $0x1A0, s2;
	_ =	sdelay $0x1  }
.Ltmp13:
0x117: {  	s2 =	sshra.s32 s2, $0x2;
	(pc) =	sbr.rel .LBB2_3-.Ltmp13, $4  }
0x118: {  	s2 =	sadd.s32 $0x3400, s2  }
0x119: {  	[tilespmem:s31], [sflag:$0xA] =	stream.indirect.gather [hbm4b:s5+s12], $0x20, s2, s12, $0xb8;
	[tilespmem:$0x15800] =	vst v63  }
0x11a: {  	[tilespmem:s10+$0x13860] =	vst v1  }
0x11b: {  	s3 =	sadd.s32 $0x1, s3;
	[tilespmem:s10+$0x13870] =	vst v0  }
.LBB2_21:
0x11c: {  	_ = 	snop  }
0x11d: {  	[tilespmem:s10+$0x13860] =	vst v1  }
0x11e: {  	s2 =	sadd.s32 s14, s9;
	s3 =	simm.s32 $0x0;
	s18 =	simm.s32 $0x13800;
	[tilespmem:s10+$0x13870] =	vst v0  }
0x11f: {  	[hbm4b:s2+s3] =	stream.linear.scatter [tilespmem:s18], [sflag:$0xB], $0x1000, $0x38;
	[tilespmem:$0x15800] =	vst v63  }
0x120: {  	_ =	swait.ge [sflag:s30], $0x3400  }
0x121: {  	[sflag:s30] =	ssyncset.done $0x0  }
0x122: {  	[sflag:s30] =	ssyncadd.s32 $0xFFFFCC00  }
0x123: {  	_ =	swait.ge [sflag:s30], $0x3400  }
0x124: {  	[sflag:s30] =	ssyncset.done $0x0;
	s3 =	rddreg [dreg:$0x5]  }
0x125: {  	s2 =	simm.s32 @!p0 $0xC;
	[sflag:s30] =	ssyncadd.s32 $0xFFFFCC00;
	s3 =	sadd.s32 @p0 s28, s3  }
0x126: {  	_ =	swait.ge @!p0 [sflag:s2], $0x1000;
	s3 =	smul.u32 @p0 $0x19, s3  }
0x127: {  	s16 =	simm.s32 @p0 $0xC8;
	s17 =	simm.s32 @p0 $0x0;
	[sflag:s2] =	ssyncset.done @!p0 $0x0  }
0x128: {  	s10 =	simm.s32 @p0 $0x68;
	[sflag:s2] =	ssyncadd.s32 @!p0 $0xFFFFF000;
	s2 =	sadd.s32 @p0 s4, s3  }
0x129: {  	[tilespmem:s17], [sflag:$0x1] =	stream.strided.gather @p0 [hbm4b:s2+s10], $0x3400, s16, s10, $0x38;
	[tilespmem:$0x15800] =	vst v63  }
0x12a: {  	s2 =	sadd.s32 @p0 s3, s6;
	s3 =	simm.s32 @p0 $0x3400  }
0x12b: {  	[tilespmem:s3], [sflag:$0x1] =	stream.strided.gather @p0 [hbm4b:s2+s10], $0x3400, s16, s10, $0x38;
	[tilespmem:$0x15800] =	vst v63  }
0x12c: {  	s17 =	simm.s32 $0xD000;
	s16 =	simm.s32 $0x6800  }
0x12d: {  	[tilespmem:s17], [sflag:$0x3] =	stream.indirect.gather [hbm4b:s5+s12], $0x20, s16, s12, $0xb8;
	[tilespmem:$0x15800] =	vst v63  }
0x12e: {  	s18 =	simm.s32 $0x9C00;
	s28 =	simm.s32 $0xDD00  }
0x12f: {  	[tilespmem:s28], [sflag:$0x4] =	stream.indirect.gather [hbm4b:s5+s12], $0x20, s18, s12, $0xb8;
	[tilespmem:$0x15800] =	vst v63  }
0x130: {  	s3 =	simm.s32 $0x6868  }
0x131: {  	[tilespmem:s20], [sflag:$0x5] =	stream.indirect.gather [hbm4b:s5+s12], $0x20, s3, s12, $0xb8;
	[tilespmem:$0x15800] =	vst v63  }
0x132: {  	s10 =	simm.s32 $0x9C68  }
0x133: {  	[tilespmem:s22], [sflag:$0x6] =	stream.indirect.gather [hbm4b:s5+s12], $0x20, s10, s12, $0xb8;
	[tilespmem:$0x15800] =	vst v63  }
0x134: {  	s16 =	simm.s32 $0x68D0  }
0x135: {  	[tilespmem:s24], [sflag:$0x7] =	stream.indirect.gather [hbm4b:s5+s12], $0x20, s16, s12, $0xb8;
	[tilespmem:$0x15800] =	vst v63  }
0x136: {  	s17 =	simm.s32 $0x9CD0  }
0x137: {  	[tilespmem:s26], [sflag:$0x8] =	stream.indirect.gather [hbm4b:s5+s12], $0x20, s17, s12, $0xb8;
	[tilespmem:$0x15800] =	vst v63  }
0x138: {  	s18 =	simm.s32 $0x6938  }
0x139: {  	[tilespmem:s29], [sflag:$0x9] =	stream.indirect.gather [hbm4b:s5+s12], $0x20, s18, s12, $0xb8;
	[tilespmem:$0x15800] =	vst v63  }
0x13a: {  	s28 =	simm.s32 $0x9D38;
	s3 =	sor.u32 $0x200, s14;
	s14 =	simm.s32 $0x0  }
0x13b: {  	[tilespmem:s31], [sflag:$0xA] =	stream.indirect.gather [hbm4b:s5+s12], $0x20, s28, s12, $0xb8;
	[tilespmem:$0x15800] =	vst v63  }
.LBB2_22:
0x13c: {  	_ =	swait.ge [sflag:s0], $0xD00  }
0x13d: {  	[sflag:s0] =	ssyncset.done $0x0  }
0x13e: {  	s10 =	simm.s32 $0xD040;
	[sflag:s0] =	ssyncadd.s32 $0xFFFFF300  }
0x13f: {  	v0 =	vld [tilespmem:s10+$0x30]  }
0x140: {  	v1 =	vld [tilespmem:s10+$0xFFFFFFD0]  }
0x141: {  	v3 =	vld [tilespmem:s10+$0xFFFFFFE0]  }
0x142: {  	v10 =	vld [tilespmem:s10+$0xFFFFFFF0]  }
0x143: {  	v6 =	vld [tilespmem:s10+$0x0]  }
0x144: {  	v4 =	vimm.f32 $0.0e+00;
	v9 =	vimm.f32 $0.0e+00;
	v8 =	vld [tilespmem:s10+$0x10]  }
0x145: {  	v5 =	vimm.f32 $0.0e+00;
	v11 =	vimm.f32 $0.0e+00;
	v7 =	vld [tilespmem:s10+$0x20];
	v0 =	vadd.f32 v0, v4  }
0x146: {  	s2 =	simm.s32 $0x0;
	v12 =	vld [tilespmem:s10+$0xFFFFFFC0];
	s10 =	simm.s32 $0xD0C0;
	v2 =	vadd.f32 v1, v4;
	v1 =	vadd.f32 v3, v4;
	v3 =	vimm.f32 $0.0e+00  }
.LBB2_23:
0x147: {  	v13 =	vld [tilespmem:s10+$0x30];
	s2 =	sadd.s32 $0x4, s2;
	v4 =	vadd.f32 v10, v4  }
0x148: {  	v14 =	vld [tilespmem:s10+$0xFFFFFFD0];
	p1 =	slt.u32 s2, $0x60;
	v3 =	vadd.f32 v6, v3  }
0x149: {  	v15 =	vld [tilespmem:s10+$0xFFFFFFE0];
	v9 =	vadd.f32 v8, v9  }
.Ltmp14:
0x14a: {  	v10 =	vld [tilespmem:s10+$0xFFFFFFF0];
	v5 =	vadd.f32 v7, v5;
	(pc) =	sbr.rel @p1 .LBB2_23-.Ltmp14, $4  }
0x14b: {  	v6 =	vld [tilespmem:s10+$0x0];
	v11 =	vadd.f32 v12, v11  }
0x14c: {  	v8 =	vld [tilespmem:s10+$0x10];
	v0 =	vadd.f32 v13, v0  }
0x14d: {  	v2 =	vadd.f32 v14, v2;
	v7 =	vld [tilespmem:s10+$0x20]  }
0x14e: {  	v12 =	vld [tilespmem:s10+$0xFFFFFFC0];
	v1 =	vadd.f32 v15, v1;
	s10 =	sadd.s32 $0x80, s10  }
0x14f: {  	s10 =	sshll.u32 s14, $0x2  }
0x150: {  	p1 =	seq.s32 s14, $0x1F;
	s2 =	sadd.s32 $0x4, s10  }
0x151: {  	s2 =	smul.u32 @!p1 $0x1A0, s2;
	_ =	sdelay $0x1  }
0x152: {  	s2 =	sshra.s32 @!p1 s2, $0x2  }
0x153: {  	s17 =	simm.s32 @!p1 $0x68;
	s18 =	simm.s32 @!p1 $0xD000;
	s16 =	sadd.s32 @!p1 $0x6800, s2  }
0x154: {  	[tilespmem:s18], [sflag:$0x3] =	stream.indirect.gather @!p1 [hbm4b:s5+s17], $0x20, s16, s17, $0xb8;
	[tilespmem:$0x15800] =	vst v63  }
0x155: {  	_ =	swait.ge [sflag:s1], $0xD00  }
0x156: {  	[sflag:s1] =	ssyncset.done $0x0  }
0x157: {  	v4 =	vadd.f32 v10, v4;
	s28 =	simm.s32 $0xDDF0;
	v10 =	vadd.f32 v12, v11;
	[sflag:s1] =	ssyncadd.s32 $0xFFFFF300  }
0x158: {  	v3 =	vadd.f32 v6, v3;
	v8 =	vadd.f32 v8, v9;
	v11 =	vld [tilespmem:s28+$0x0]  }
0x159: {  	v2 =	vadd.f32 v4, v2;
	v1 =	vadd.f32 v1, v10;
	v4 =	vld [tilespmem:s28+$0xFFFFFFA0]  }
0x15a: {  	v7 =	vadd.f32 v7, v5;
	v9 =	vld [tilespmem:s28+$0xFFFFFFB0]  }
0x15b: {  	v2 =	vadd.f32 v8, v2;
	v3 =	vadd.f32 v3, v1;
	v5 =	vld [tilespmem:s28+$0xFFFFFFC0]  }
0x15c: {  	v6 =	vld [tilespmem:s28+$0xFFFFFFD0]  }
0x15d: {  	v2 =	vadd.f32 v0, v2;
	v1 =	vimm.f32 $0.0e+00;
	v3 =	vadd.f32 v7, v3;
	v7 =	vld [tilespmem:s28+$0xFFFFFFE0]  }
0x15e: {  	v8 =	vimm.f32 $0.0e+00;
	v10 =	vimm.f32 $0.0e+00;
	v0 =	vadd.f32 v11, v1;
	v11 =	vld [tilespmem:s28+$0xFFFFFFF0]  }
0x15f: {  	s16 =	simm.s32 $0x4;
	s17 =	simm.s32 $0xDE70;
	v12 =	vld [tilespmem:s28+$0xFFFFFF90];
	v2 =	vadd.f32 v4, v2;
	v4 =	vadd.f32 v9, v1;
	v9 =	vimm.f32 $0.0e+00  }
.LBB2_25:
0x160: {  	v13 =	vld [tilespmem:s17+$0x0];
	s16 =	sadd.s32 $0x4, s16;
	v1 =	vadd.f32 v5, v1  }
0x161: {  	v14 =	vld [tilespmem:s17+$0xFFFFFFA0];
	p2 =	slt.u32 s16, $0x64;
	v10 =	vadd.f32 v6, v10  }
0x162: {  	v15 =	vld [tilespmem:s17+$0xFFFFFFB0];
	v9 =	vadd.f32 v7, v9  }
.Ltmp15:
0x163: {  	v5 =	vld [tilespmem:s17+$0xFFFFFFC0];
	v8 =	vadd.f32 v11, v8;
	(pc) =	sbr.rel @p2 .LBB2_25-.Ltmp15, $4  }
0x164: {  	v6 =	vld [tilespmem:s17+$0xFFFFFFD0];
	v3 =	vadd.f32 v12, v3  }
0x165: {  	v7 =	vld [tilespmem:s17+$0xFFFFFFE0];
	v0 =	vadd.f32 v13, v0  }
0x166: {  	v2 =	vadd.f32 v14, v2;
	v11 =	vld [tilespmem:s17+$0xFFFFFFF0]  }
0x167: {  	v12 =	vld [tilespmem:s17+$0xFFFFFF90];
	v4 =	vadd.f32 v15, v4;
	s17 =	sadd.s32 $0x80, s17  }
0x168: {  	_ =	sdelay $0x3  }
0x169: {  	v3 =	vadd.f32 v12, v3  }
0x16a: {  	v1 =	vadd.f32 v5, v1  }
0x16b: {  	v5 =	vadd.f32 v6, v10;
	v3 =	vadd.f32 v4, v3  }
0x16c: {  	v1 =	vadd.f32 v1, v2;
	v4 =	vadd.f32 v7, v9  }
0x16d: {  	s2 =	sadd.s32 @!p1 $0x9C00, s2;
	s16 =	simm.s32 @!p1 $0x68;
	s17 =	simm.s32 @!p1 $0xDD00;
	v2 =	vadd.f32 v11, v8;
	v3 =	vadd.f32 v5, v3  }
0x16e: {  	[tilespmem:s17], [sflag:$0x4] =	stream.indirect.gather @!p1 [hbm4b:s5+s16], $0x20, s2, s16, $0xb8;
	v1 =	vadd.f32 v4, v1;
	[tilespmem:$0x15800] =	vst v63  }
0x16f: {  	s17 =	sshll.u32 s14, $0x7;
	v2 =	vadd.f32 v2, v3  }
0x170: {  	s28 =	sand.u32 $0x3FFFFF80, s17;
	v0 =	vadd.f32 v0, v1  }
0x171: {  	[tilespmem:s28+$0x14800] =	vst v2  }
0x172: {  	[tilespmem:s28+$0x14810] =	vst v0  }
0x173: {  	_ =	swait.ge [sflag:s7], $0xD00  }
0x174: {  	[sflag:s7] =	ssyncset.done $0x0  }
0x175: {  	s18 =	simm.s32 $0xEA40;
	[sflag:s7] =	ssyncadd.s32 $0xFFFFF300  }
0x176: {  	v0 =	vld [tilespmem:s18+$0x30]  }
0x177: {  	v1 =	vld [tilespmem:s18+$0xFFFFFFD0]  }
0x178: {  	v3 =	vld [tilespmem:s18+$0xFFFFFFE0]  }
0x179: {  	v10 =	vld [tilespmem:s18+$0xFFFFFFF0]  }
0x17a: {  	v6 =	vld [tilespmem:s18+$0x0]  }
0x17b: {  	v11 =	vimm.f32 $0.0e+00;
	v4 =	vimm.f32 $0.0e+00;
	v8 =	vld [tilespmem:s18+$0x10]  }
0x17c: {  	v9 =	vimm.f32 $0.0e+00;
	v5 =	vimm.f32 $0.0e+00;
	v7 =	vld [tilespmem:s18+$0x20];
	v0 =	vadd.f32 v0, v4  }
0x17d: {  	s2 =	simm.s32 $0x0;
	s16 =	simm.s32 $0xEAC0;
	v12 =	vld [tilespmem:s18+$0xFFFFFFC0];
	v2 =	vadd.f32 v1, v4;
	v1 =	vadd.f32 v3, v4;
	v3 =	vimm.f32 $0.0e+00  }
.LBB2_27:
0x17e: {  	v13 =	vld [tilespmem:s16+$0x30];
	s2 =	sadd.s32 $0x4, s2;
	v4 =	vadd.f32 v10, v4  }
0x17f: {  	v14 =	vld [tilespmem:s16+$0xFFFFFFD0];
	p2 =	slt.u32 s2, $0x60;
	v3 =	vadd.f32 v6, v3  }
0x180: {  	v15 =	vld [tilespmem:s16+$0xFFFFFFE0];
	v9 =	vadd.f32 v8, v9  }
.Ltmp16:
0x181: {  	v10 =	vld [tilespmem:s16+$0xFFFFFFF0];
	v5 =	vadd.f32 v7, v5;
	(pc) =	sbr.rel @p2 .LBB2_27-.Ltmp16, $4  }
0x182: {  	v6 =	vld [tilespmem:s16+$0x0];
	v11 =	vadd.f32 v12, v11  }
0x183: {  	v8 =	vld [tilespmem:s16+$0x10];
	v0 =	vadd.f32 v13, v0  }
0x184: {  	v2 =	vadd.f32 v14, v2;
	v7 =	vld [tilespmem:s16+$0x20]  }
0x185: {  	v12 =	vld [tilespmem:s16+$0xFFFFFFC0];
	v1 =	vadd.f32 v15, v1;
	s16 =	sadd.s32 $0x80, s16  }
0x186: {  	s2 =	sadd.s32 $0x5, s10  }
0x187: {  	s2 =	smul.u32 @!p1 $0x1A0, s2;
	_ =	sdelay $0x1  }
0x188: {  	s2 =	sshra.s32 @!p1 s2, $0x2  }
0x189: {  	s17 =	simm.s32 @!p1 $0x68;
	s18 =	simm.s32 @!p1 $0xEA00;
	s16 =	sadd.s32 @!p1 $0x6800, s2  }
0x18a: {  	[tilespmem:s18], [sflag:$0x5] =	stream.indirect.gather @!p1 [hbm4b:s5+s17], $0x20, s16, s17, $0xb8;
	[tilespmem:$0x15800] =	vst v63  }
0x18b: {  	_ =	swait.ge [sflag:s8], $0xD00  }
0x18c: {  	[sflag:s8] =	ssyncset.done $0x0  }
0x18d: {  	v4 =	vadd.f32 v10, v4;
	v10 =	vadd.f32 v12, v11;
	s18 =	simm.s32 $0xF7F0;
	[sflag:s8] =	ssyncadd.s32 $0xFFFFF300  }
0x18e: {  	v3 =	vadd.f32 v6, v3;
	v8 =	vadd.f32 v8, v9;
	v11 =	vld [tilespmem:s18+$0x0]  }
0x18f: {  	v2 =	vadd.f32 v4, v2;
	v1 =	vadd.f32 v1, v10;
	v4 =	vld [tilespmem:s18+$0xFFFFFFA0]  }
0x190: {  	v7 =	vadd.f32 v7, v5;
	v9 =	vld [tilespmem:s18+$0xFFFFFFB0]  }
0x191: {  	v2 =	vadd.f32 v8, v2;
	v3 =	vadd.f32 v3, v1;
	v5 =	vld [tilespmem:s18+$0xFFFFFFC0]  }
0x192: {  	v6 =	vld [tilespmem:s18+$0xFFFFFFD0]  }
0x193: {  	v2 =	vadd.f32 v0, v2;
	v1 =	vimm.f32 $0.0e+00;
	v3 =	vadd.f32 v7, v3;
	v7 =	vld [tilespmem:s18+$0xFFFFFFE0]  }
0x194: {  	v8 =	vimm.f32 $0.0e+00;
	v10 =	vimm.f32 $0.0e+00;
	v0 =	vadd.f32 v11, v1;
	v11 =	vld [tilespmem:s18+$0xFFFFFFF0]  }
0x195: {  	s16 =	simm.s32 $0x4;
	s17 =	simm.s32 $0xF870;
	v12 =	vld [tilespmem:s18+$0xFFFFFF90];
	v2 =	vadd.f32 v4, v2;
	v4 =	vadd.f32 v9, v1;
	v9 =	vimm.f32 $0.0e+00  }
.LBB2_29:
0x196: {  	v13 =	vld [tilespmem:s17+$0x0];
	s16 =	sadd.s32 $0x4, s16;
	v1 =	vadd.f32 v5, v1  }
0x197: {  	v14 =	vld [tilespmem:s17+$0xFFFFFFA0];
	p2 =	slt.u32 s16, $0x64;
	v10 =	vadd.f32 v6, v10  }
0x198: {  	v15 =	vld [tilespmem:s17+$0xFFFFFFB0];
	v9 =	vadd.f32 v7, v9  }
.Ltmp17:
0x199: {  	v5 =	vld [tilespmem:s17+$0xFFFFFFC0];
	v8 =	vadd.f32 v11, v8;
	(pc) =	sbr.rel @p2 .LBB2_29-.Ltmp17, $4  }
0x19a: {  	v6 =	vld [tilespmem:s17+$0xFFFFFFD0];
	v3 =	vadd.f32 v12, v3  }
0x19b: {  	v7 =	vld [tilespmem:s17+$0xFFFFFFE0];
	v0 =	vadd.f32 v13, v0  }
0x19c: {  	v2 =	vadd.f32 v14, v2;
	v11 =	vld [tilespmem:s17+$0xFFFFFFF0]  }
0x19d: {  	v12 =	vld [tilespmem:s17+$0xFFFFFF90];
	v4 =	vadd.f32 v15, v4;
	s17 =	sadd.s32 $0x80, s17  }
0x19e: {  	_ =	sdelay $0x3  }
0x19f: {  	v3 =	vadd.f32 v12, v3  }
0x1a0: {  	v1 =	vadd.f32 v5, v1  }
0x1a1: {  	v5 =	vadd.f32 v6, v10;
	v3 =	vadd.f32 v4, v3  }
0x1a2: {  	v1 =	vadd.f32 v1, v2;
	v4 =	vadd.f32 v7, v9  }
0x1a3: {  	v2 =	vadd.f32 v11, v8;
	v3 =	vadd.f32 v5, v3  }
0x1a4: {  	v1 =	vadd.f32 v4, v1  }
0x1a5: {  	s2 =	sadd.s32 @!p1 $0x9C00, s2;
	s16 =	simm.s32 @!p1 $0x68;
	s17 =	simm.s32 @!p1 $0xF700;
	v2 =	vadd.f32 v2, v3  }
0x1a6: {  	[tilespmem:s17], [sflag:$0x6] =	stream.indirect.gather @!p1 [hbm4b:s5+s16], $0x20, s2, s16, $0xb8;
	v0 =	vadd.f32 v0, v1;
	[tilespmem:$0x15800] =	vst v63  }
0x1a7: {  	[tilespmem:s28+$0x14820] =	vst v2  }
0x1a8: {  	[tilespmem:s28+$0x14830] =	vst v0  }
0x1a9: {  	_ =	swait.ge [sflag:s11], $0xD00  }
0x1aa: {  	[sflag:s11] =	ssyncset.done $0x0  }
0x1ab: {  	s18 =	simm.s32 $0x10440;
	[sflag:s11] =	ssyncadd.s32 $0xFFFFF300  }
0x1ac: {  	v0 =	vld [tilespmem:s18+$0x30]  }
0x1ad: {  	v1 =	vld [tilespmem:s18+$0xFFFFFFD0]  }
0x1ae: {  	v3 =	vld [tilespmem:s18+$0xFFFFFFE0]  }
0x1af: {  	v10 =	vld [tilespmem:s18+$0xFFFFFFF0]  }
0x1b0: {  	v6 =	vld [tilespmem:s18+$0x0]  }
0x1b1: {  	v11 =	vimm.f32 $0.0e+00;
	v4 =	vimm.f32 $0.0e+00;
	v8 =	vld [tilespmem:s18+$0x10]  }
0x1b2: {  	v9 =	vimm.f32 $0.0e+00;
	v5 =	vimm.f32 $0.0e+00;
	v7 =	vld [tilespmem:s18+$0x20];
	v0 =	vadd.f32 v0, v4  }
0x1b3: {  	s2 =	simm.s32 $0x0;
	s16 =	simm.s32 $0x104C0;
	v12 =	vld [tilespmem:s18+$0xFFFFFFC0];
	v2 =	vadd.f32 v1, v4;
	v1 =	vadd.f32 v3, v4;
	v3 =	vimm.f32 $0.0e+00  }
.LBB2_31:
0x1b4: {  	v13 =	vld [tilespmem:s16+$0x30];
	s2 =	sadd.s32 $0x4, s2;
	v4 =	vadd.f32 v10, v4  }
0x1b5: {  	v14 =	vld [tilespmem:s16+$0xFFFFFFD0];
	p2 =	slt.u32 s2, $0x60;
	v3 =	vadd.f32 v6, v3  }
0x1b6: {  	v15 =	vld [tilespmem:s16+$0xFFFFFFE0];
	v9 =	vadd.f32 v8, v9  }
.Ltmp18:
0x1b7: {  	v10 =	vld [tilespmem:s16+$0xFFFFFFF0];
	v5 =	vadd.f32 v7, v5;
	(pc) =	sbr.rel @p2 .LBB2_31-.Ltmp18, $4  }
0x1b8: {  	v6 =	vld [tilespmem:s16+$0x0];
	v11 =	vadd.f32 v12, v11  }
0x1b9: {  	v8 =	vld [tilespmem:s16+$0x10];
	v0 =	vadd.f32 v13, v0  }
0x1ba: {  	v2 =	vadd.f32 v14, v2;
	v7 =	vld [tilespmem:s16+$0x20]  }
0x1bb: {  	v12 =	vld [tilespmem:s16+$0xFFFFFFC0];
	v1 =	vadd.f32 v15, v1;
	s16 =	sadd.s32 $0x80, s16  }
0x1bc: {  	s2 =	sadd.s32 $0x6, s10  }
0x1bd: {  	s2 =	smul.u32 @!p1 $0x1A0, s2;
	_ =	sdelay $0x1  }
0x1be: {  	s2 =	sshra.s32 @!p1 s2, $0x2  }
0x1bf: {  	s17 =	simm.s32 @!p1 $0x68;
	s18 =	simm.s32 @!p1 $0x10400;
	s16 =	sadd.s32 @!p1 $0x6800, s2  }
0x1c0: {  	[tilespmem:s18], [sflag:$0x7] =	stream.indirect.gather @!p1 [hbm4b:s5+s17], $0x20, s16, s17, $0xb8;
	[tilespmem:$0x15800] =	vst v63  }
0x1c1: {  	_ =	swait.ge [sflag:s21], $0xD00  }
0x1c2: {  	[sflag:s21] =	ssyncset.done $0x0  }
0x1c3: {  	v4 =	vadd.f32 v10, v4;
	v10 =	vadd.f32 v12, v11;
	s18 =	simm.s32 $0x111F0;
	[sflag:s21] =	ssyncadd.s32 $0xFFFFF300  }
0x1c4: {  	v3 =	vadd.f32 v6, v3;
	v8 =	vadd.f32 v8, v9;
	v11 =	vld [tilespmem:s18+$0x0]  }
0x1c5: {  	v2 =	vadd.f32 v4, v2;
	v1 =	vadd.f32 v1, v10;
	v4 =	vld [tilespmem:s18+$0xFFFFFFA0]  }
0x1c6: {  	v7 =	vadd.f32 v7, v5;
	v9 =	vld [tilespmem:s18+$0xFFFFFFB0]  }
0x1c7: {  	v2 =	vadd.f32 v8, v2;
	v3 =	vadd.f32 v3, v1;
	v5 =	vld [tilespmem:s18+$0xFFFFFFC0]  }
0x1c8: {  	v6 =	vld [tilespmem:s18+$0xFFFFFFD0]  }
0x1c9: {  	v2 =	vadd.f32 v0, v2;
	v1 =	vimm.f32 $0.0e+00;
	v3 =	vadd.f32 v7, v3;
	v7 =	vld [tilespmem:s18+$0xFFFFFFE0]  }
0x1ca: {  	v8 =	vimm.f32 $0.0e+00;
	v10 =	vimm.f32 $0.0e+00;
	v0 =	vadd.f32 v11, v1;
	v11 =	vld [tilespmem:s18+$0xFFFFFFF0]  }
0x1cb: {  	s16 =	simm.s32 $0x4;
	s17 =	simm.s32 $0x11270;
	v12 =	vld [tilespmem:s18+$0xFFFFFF90];
	v2 =	vadd.f32 v4, v2;
	v4 =	vadd.f32 v9, v1;
	v9 =	vimm.f32 $0.0e+00  }
.LBB2_33:
0x1cc: {  	v13 =	vld [tilespmem:s17+$0x0];
	s16 =	sadd.s32 $0x4, s16;
	v1 =	vadd.f32 v5, v1  }
0x1cd: {  	v14 =	vld [tilespmem:s17+$0xFFFFFFA0];
	p2 =	slt.u32 s16, $0x64;
	v10 =	vadd.f32 v6, v10  }
0x1ce: {  	v15 =	vld [tilespmem:s17+$0xFFFFFFB0];
	v9 =	vadd.f32 v7, v9  }
.Ltmp19:
0x1cf: {  	v5 =	vld [tilespmem:s17+$0xFFFFFFC0];
	v8 =	vadd.f32 v11, v8;
	(pc) =	sbr.rel @p2 .LBB2_33-.Ltmp19, $4  }
0x1d0: {  	v6 =	vld [tilespmem:s17+$0xFFFFFFD0];
	v3 =	vadd.f32 v12, v3  }
0x1d1: {  	v7 =	vld [tilespmem:s17+$0xFFFFFFE0];
	v0 =	vadd.f32 v13, v0  }
0x1d2: {  	v2 =	vadd.f32 v14, v2;
	v11 =	vld [tilespmem:s17+$0xFFFFFFF0]  }
0x1d3: {  	v12 =	vld [tilespmem:s17+$0xFFFFFF90];
	v4 =	vadd.f32 v15, v4;
	s17 =	sadd.s32 $0x80, s17  }
0x1d4: {  	_ =	sdelay $0x3  }
0x1d5: {  	v3 =	vadd.f32 v12, v3  }
0x1d6: {  	v1 =	vadd.f32 v5, v1  }
0x1d7: {  	v5 =	vadd.f32 v6, v10;
	v3 =	vadd.f32 v4, v3  }
0x1d8: {  	v1 =	vadd.f32 v1, v2;
	v4 =	vadd.f32 v7, v9  }
0x1d9: {  	v2 =	vadd.f32 v11, v8;
	v3 =	vadd.f32 v5, v3  }
0x1da: {  	v1 =	vadd.f32 v4, v1  }
0x1db: {  	s2 =	sadd.s32 @!p1 $0x9C00, s2;
	s16 =	simm.s32 @!p1 $0x68;
	s17 =	simm.s32 @!p1 $0x11100;
	v2 =	vadd.f32 v2, v3  }
0x1dc: {  	[tilespmem:s17], [sflag:$0x8] =	stream.indirect.gather @!p1 [hbm4b:s5+s16], $0x20, s2, s16, $0xb8;
	v0 =	vadd.f32 v0, v1;
	[tilespmem:$0x15800] =	vst v63  }
0x1dd: {  	[tilespmem:s28+$0x14840] =	vst v2  }
0x1de: {  	[tilespmem:s28+$0x14850] =	vst v0  }
0x1df: {  	_ =	swait.ge [sflag:s23], $0xD00  }
0x1e0: {  	[sflag:s23] =	ssyncset.done $0x0  }
0x1e1: {  	s18 =	simm.s32 $0x11E40;
	[sflag:s23] =	ssyncadd.s32 $0xFFFFF300  }
0x1e2: {  	v0 =	vld [tilespmem:s18+$0x30]  }
0x1e3: {  	v1 =	vld [tilespmem:s18+$0xFFFFFFD0]  }
0x1e4: {  	v3 =	vld [tilespmem:s18+$0xFFFFFFE0]  }
0x1e5: {  	v10 =	vld [tilespmem:s18+$0xFFFFFFF0]  }
0x1e6: {  	v6 =	vld [tilespmem:s18+$0x0]  }
0x1e7: {  	v11 =	vimm.f32 $0.0e+00;
	v4 =	vimm.f32 $0.0e+00;
	v8 =	vld [tilespmem:s18+$0x10]  }
0x1e8: {  	v9 =	vimm.f32 $0.0e+00;
	v5 =	vimm.f32 $0.0e+00;
	v7 =	vld [tilespmem:s18+$0x20];
	v0 =	vadd.f32 v0, v4  }
0x1e9: {  	s2 =	simm.s32 $0x0;
	s16 =	simm.s32 $0x11EC0;
	v12 =	vld [tilespmem:s18+$0xFFFFFFC0];
	v2 =	vadd.f32 v1, v4;
	v1 =	vadd.f32 v3, v4;
	v3 =	vimm.f32 $0.0e+00  }
.LBB2_35:
0x1ea: {  	v13 =	vld [tilespmem:s16+$0x30];
	s2 =	sadd.s32 $0x4, s2;
	v4 =	vadd.f32 v10, v4  }
0x1eb: {  	v14 =	vld [tilespmem:s16+$0xFFFFFFD0];
	p2 =	slt.u32 s2, $0x60;
	v3 =	vadd.f32 v6, v3  }
0x1ec: {  	v15 =	vld [tilespmem:s16+$0xFFFFFFE0];
	v9 =	vadd.f32 v8, v9  }
.Ltmp20:
0x1ed: {  	v10 =	vld [tilespmem:s16+$0xFFFFFFF0];
	v5 =	vadd.f32 v7, v5;
	(pc) =	sbr.rel @p2 .LBB2_35-.Ltmp20, $4  }
0x1ee: {  	v6 =	vld [tilespmem:s16+$0x0];
	v11 =	vadd.f32 v12, v11  }
0x1ef: {  	v8 =	vld [tilespmem:s16+$0x10];
	v0 =	vadd.f32 v13, v0  }
0x1f0: {  	v2 =	vadd.f32 v14, v2;
	v7 =	vld [tilespmem:s16+$0x20]  }
0x1f1: {  	v12 =	vld [tilespmem:s16+$0xFFFFFFC0];
	v1 =	vadd.f32 v15, v1;
	s16 =	sadd.s32 $0x80, s16  }
0x1f2: {  	s2 =	sadd.s32 $0x7, s10  }
0x1f3: {  	s10 =	smul.u32 @!p1 $0x1A0, s2;
	_ =	sdelay $0x1  }
0x1f4: {  	s10 =	sshra.s32 @!p1 s10, $0x2  }
0x1f5: {  	s16 =	simm.s32 @!p1 $0x68;
	s17 =	simm.s32 @!p1 $0x11E00;
	s10 =	sadd.s32 @!p1 $0x6800, s10  }
0x1f6: {  	[tilespmem:s17], [sflag:$0x9] =	stream.indirect.gather @!p1 [hbm4b:s5+s16], $0x20, s10, s16, $0xb8;
	[tilespmem:$0x15800] =	vst v63  }
0x1f7: {  	_ =	swait.ge [sflag:s25], $0xD00  }
0x1f8: {  	[sflag:s25] =	ssyncset.done $0x0  }
0x1f9: {  	v4 =	vadd.f32 v10, v4;
	s18 =	simm.s32 $0x12BF0;
	[sflag:s25] =	ssyncadd.s32 $0xFFFFF300  }
0x1fa: {  	v10 =	vadd.f32 v12, v11;
	v11 =	vld [tilespmem:s18+$0x0]  }
0x1fb: {  	v8 =	vadd.f32 v8, v9;
	v2 =	vadd.f32 v4, v2;
	v4 =	vld [tilespmem:s18+$0xFFFFFFA0]  }
0x1fc: {  	v3 =	vadd.f32 v6, v3;
	v1 =	vadd.f32 v1, v10;
	v9 =	vld [tilespmem:s18+$0xFFFFFFB0]  }
0x1fd: {  	v7 =	vadd.f32 v7, v5;
	v2 =	vadd.f32 v8, v2;
	v5 =	vld [tilespmem:s18+$0xFFFFFFC0]  }
0x1fe: {  	v3 =	vadd.f32 v3, v1;
	v6 =	vld [tilespmem:s18+$0xFFFFFFD0]  }
0x1ff: {  	v2 =	vadd.f32 v0, v2;
	v10 =	vimm.f32 $0.0e+00;
	v1 =	vimm.f32 $0.0e+00;
	v8 =	vld [tilespmem:s18+$0xFFFFFFE0]  }
0x200: {  	v3 =	vadd.f32 v7, v3;
	v7 =	vimm.f32 $0.0e+00;
	v0 =	vadd.f32 v11, v1;
	v11 =	vld [tilespmem:s18+$0xFFFFFFF0]  }
0x201: {  	s10 =	simm.s32 $0x4;
	s16 =	simm.s32 $0x12C70;
	v12 =	vld [tilespmem:s18+$0xFFFFFF90];
	v2 =	vadd.f32 v4, v2;
	v4 =	vadd.f32 v9, v1;
	v9 =	vimm.f32 $0.0e+00  }
.LBB2_37:
0x202: {  	v13 =	vld [tilespmem:s16+$0x0];
	s10 =	sadd.s32 $0x4, s10;
	v1 =	vadd.f32 v5, v1  }
0x203: {  	v14 =	vld [tilespmem:s16+$0xFFFFFFA0];
	p2 =	slt.u32 s10, $0x64;
	v9 =	vadd.f32 v6, v9  }
0x204: {  	v15 =	vld [tilespmem:s16+$0xFFFFFFB0];
	v10 =	vadd.f32 v8, v10  }
.Ltmp21:
0x205: {  	v5 =	vld [tilespmem:s16+$0xFFFFFFC0];
	v7 =	vadd.f32 v11, v7;
	(pc) =	sbr.rel @p2 .LBB2_37-.Ltmp21, $4  }
0x206: {  	v6 =	vld [tilespmem:s16+$0xFFFFFFD0];
	v3 =	vadd.f32 v12, v3  }
0x207: {  	v8 =	vld [tilespmem:s16+$0xFFFFFFE0];
	v0 =	vadd.f32 v13, v0  }
0x208: {  	v2 =	vadd.f32 v14, v2;
	v11 =	vld [tilespmem:s16+$0xFFFFFFF0]  }
0x209: {  	v12 =	vld [tilespmem:s16+$0xFFFFFF90];
	v4 =	vadd.f32 v15, v4;
	s16 =	sadd.s32 $0x80, s16  }
0x20a: {  	_ =	sdelay $0x3  }
0x20b: {  	v3 =	vadd.f32 v12, v3  }
0x20c: {  	v1 =	vadd.f32 v5, v1  }
0x20d: {  	v61 =	vadd.f32 v6, v9;
	v3 =	vadd.f32 v4, v3  }
.Ltmp22:
0x20e: {  	v62 =	vadd.f32 v8, v10;
	v1 =	vadd.f32 v1, v2;
	(pc) =	sbr.rel @p1 .LBB2_40-.Ltmp22, $4  }
0x20f: {  	v2 =	vadd.f32 v11, v7;
	v3 =	vadd.f32 v61, v3  }
0x210: {  	v63 =	vadd.f32 v62, v1  }
0x211: {  	v1 =	vadd.f32 v2, v3  }
0x212: {  	v0 =	vadd.f32 v0, v63  }
0x213: {  	s2 =	smul.u32 $0x1A0, s2;
	_ =	sdelay $0x1  }
.Ltmp23:
0x214: {  	s2 =	sshra.s32 s2, $0x2;
	(pc) =	sbr.rel .LBB2_22-.Ltmp23, $4  }
0x215: {  	s2 =	sadd.s32 $0x9C00, s2  }
0x216: {  	[tilespmem:s31], [sflag:$0xA] =	stream.indirect.gather [hbm4b:s5+s12], $0x20, s2, s12, $0xb8;
	[tilespmem:$0x15800] =	vst v63  }
0x217: {  	[tilespmem:s28+$0x14860] =	vst v1  }
0x218: {  	s14 =	sadd.s32 $0x1, s14;
	[tilespmem:s28+$0x14870] =	vst v0  }
.LBB2_42:
0x219: {  	_ =	sfence.sel $0x180000  }
0x21a: {  	[bflag:$0x0] =	sbarrier.arrive $0xFFFF  }
0x21b: {  	_ =	strace $0x90000047  }
0x21c: {  	s0 =	stileid.u32;
	[bflag:$0x2] =	sbarrier.arrive $0xFFFF  }
0x21d: {  	p0 =	sne.s32 s0, $0x0;
	s0 =	rddreg [dreg:$0x2]  }
0x21e: {  	s0 =	sadd.s32 @!p0 $0x100000, s0  }
0x21f: {  	[sflag:s0] =	ssyncadd.tile.s32 @!p0 $0x1;
	_ =	shalt  }
.Lfunc_end2:
_tile_overlayer_lowered:
.L_overlay_start_2:
0x220: {  	(tag) =	ssettag $0x2  }
0x221: {  	s0 =	rddreg [dreg:$0x0];
	s2 =	stileid.u32  }
0x222: {  	s1 =	rddreg [dreg:$0x1];
	p0 =	sne.s32 s2, $0x0  }
0x223: {  	s3 =	rddreg [dreg:$0x2];
	[bflag:$0x3] =	sbarrier.arrive $0xFFFF;
	s2 =	simm.s32 @!p0 $0x1C0D  }
0x224: {  	[timem:s3], [sflag:s2] =	dma.local @!p0 [hbm:s0], s1  }
0x225: {  	s0 =	simm.s32 @!p0 $0xD  }
0x226: {  	_ =	swait.ge @!p0 [sflag:s0], s1  }
0x227: {  	s1 =	ssub.s32 @!p0 $0x0, s1;
	[sflag:s0] =	ssyncset.done @!p0 $0x0  }
0x228: {  	[sflag:s0] =	ssyncadd.s32 @!p0 s1  }
0x229: {  	[bflag:$0x3] =	sbarrier.arrive $0xFFFF  }
0x22a: {  	_ =	shalt  }

</sc_bundles>
